<compile_context>
chip_gen: v7x
topology: tpu7x:2x2x1
jax: 0.10.2.dev20260603
libtpu: 0.0.44.dev20260713+nightly
codegen_flags: <defaults>
</compile_context>

<pallas_src>
import functools

import jax
import jax.numpy as jnp
from jax import lax
from jax.experimental import pallas as pl
from jax.experimental.pallas import tpu as pltpu
from jax.experimental.pallas import tpu_sc as plsc

_L = 16
_NC, _NS = 2, 16
_NW = _NC * _NS
_UNROLL = 8
_NCHUNK = 8
_NBUF = 3


def kernel(logits, alt_counts, confidence, max_logit):
    n = logits.shape[0]
    k = confidence.shape[0]
    q = _UNROLL * _NCHUNK
    nv = -(-(n // _L) // _NW)
    nv = -(-nv // q) * q
    ch = nv * _L
    cnv = nv // _NCHUNK
    cch = cnv * _L
    kmax = k - 1

    pm = jnp.full((_L,), max_logit.astype(jnp.float32), jnp.float32)

    mesh = plsc.VectorSubcoreMesh(core_axis_name="c", subcore_axis_name="s")

    vmem = pltpu.VMEM
    sem = pltpu.SemaphoreType.DMA
    scratch = (
        [vmem((cch,), jnp.float32) for _ in range(_NBUF)]
        + [vmem((cch,), jnp.int32) for _ in range(_NBUF)]
        + [vmem((cch,), jnp.float32) for _ in range(_NBUF)]
        + [vmem((k,), jnp.float32), vmem((_L,), jnp.float32)]
        + [sem] * (3 * _NBUF + 2)
    )

    @functools.partial(
        pl.kernel,
        out_type=jax.ShapeDtypeStruct((n,), jnp.float32),
        mesh=mesh,
        compiler_params=pltpu.CompilerParams(needs_layout_passes=False),
        scratch_types=scratch,
    )
    def run(logits_hbm, counts_hbm, conf_hbm, pm_hbm, out_hbm, *bufs):
        lg_b = bufs[0:_NBUF]
        ct_b = bufs[_NBUF:2 * _NBUF]
        out_b = bufs[2 * _NBUF:3 * _NBUF]
        tab_v = bufs[3 * _NBUF]
        pm_v = bufs[3 * _NBUF + 1]
        slg = bufs[3 * _NBUF + 2:3 * _NBUF + 2 + _NBUF]
        sct = bufs[3 * _NBUF + 2 + _NBUF:3 * _NBUF + 2 + 2 * _NBUF]
        sout = bufs[3 * _NBUF + 2 + 2 * _NBUF:3 * _NBUF + 2 + 3 * _NBUF]
        stab = bufs[3 * _NBUF + 2 + 3 * _NBUF]
        spm = bufs[3 * _NBUF + 2 + 3 * _NBUF + 1]
        wid = lax.axis_index("s") * _NC + lax.axis_index("c")
        base = jnp.minimum(wid * ch, n - ch)

        def start_in(j):
            b = j % _NBUF
            hl = pltpu.async_copy(
                logits_hbm.at[pl.ds(base + j * cch, cch)], lg_b[b], slg[b])
            hc = pltpu.async_copy(
                counts_hbm.at[pl.ds(base + j * cch, cch)], ct_b[b], sct[b])
            return hl, hc

        hin = [None] * _NCHUNK
        hout = [None] * _NCHUNK
        hin[0] = start_in(0)
        htab = pltpu.async_copy(conf_hbm, tab_v, stab)
        hpm = pltpu.async_copy(pm_hbm, pm_v, spm)
        hin[1] = start_in(1)
        htab.wait()
        hpm.wait()
        pmv = pm_v[...]
        p2mv = pmv + pmv
        i2mv = 2.0 / pmv

        for j in range(_NCHUNK):
            if j + 2 < _NCHUNK:
                hin[j + 2] = start_in(j + 2)
            hin[j][0].wait()
            hin[j][1].wait()
            if j >= _NBUF:
                hout[j - _NBUF].wait()
            b = j % _NBUF
            lgb, ctb, outb = lg_b[b], ct_b[b], out_b[b]

            @plsc.parallel_loop(0, cnv, 1, unroll=_UNROLL)
            def body(i):
                x = lgb[pl.ds(i * _L, _L)]
                ci = jnp.minimum(ctb[pl.ds(i * _L, _L)], kmax)
                c = plsc.load_gather(tab_v, [ci])
                e = jnp.exp((x * c) * i2mv)
                outb[pl.ds(i * _L, _L)] = pmv - p2mv / (e + 1.0)

            hout[j] = pltpu.async_copy(
                outb, out_hbm.at[pl.ds(base + j * cch, cch)], sout[b])
        for j in range(max(0, _NCHUNK - _NBUF), _NCHUNK):
            hout[j].wait()

    return run(logits, alt_counts, confidence, pm)

# --- scband reference (transcript-rebuilt; emitter-appended) ---
"""Pipeline reference for scband-calibration-5566277616330 (READ-ONLY COPY).

The authoritative reference and input builder live on the scoring server;
editing this copy changes nothing except your own understanding.
"""

import jax, jax.numpy as jnp
import numpy as np

MAX_ALT = 10


def setup_inputs(seed: int = 0) -> dict:
    key = jax.random.key(seed)
    k1, k2 = jax.random.split(key)
    N = 1000000
    logits = jax.random.normal(k1, (N,), dtype=jnp.float32) * 5.0
    alt_counts = jax.random.randint(k2, (N,), 0, 20, dtype=jnp.int32)
    # learned parameters, initialized exactly as in the torch module
    confidence = jnp.sqrt(jnp.arange(0, MAX_ALT + 1, dtype=jnp.float32))
    max_logit = jnp.array(10.0, dtype=jnp.float32)
    return {"logits": logits, "alt_counts": alt_counts, "confidence": confidence, "max_logit": max_logit}


def reference(logits, alt_counts, confidence, max_logit):
    # truncated_counts = min(c, MAX_ALT) elementwise
    truncated_counts = jnp.minimum(alt_counts, MAX_ALT)
    # torch.index_select(self.confidence, 0, truncated_counts) -> gather
    scaled = logits * jnp.take(confidence, truncated_counts, axis=0)
    return max_logit * jnp.tanh(scaled / max_logit)

if __name__ == "__main__":
    import jax
    _d = setup_inputs()
    print(jax.jit(kernel)(*tuple(_d.values())))

</pallas_src>

<mosaic_0001>
#map = affine_map<(d0, d1) -> (0)>
module attributes {stable_mosaic.version = 14 : i64} {
  func.func @run(%arg0: i32, %arg1: i32, %arg2: memref<1000000xf32, #tpu.memory_space<hbm>>, %arg3: memref<1000000xi32, #tpu.memory_space<hbm>>, %arg4: memref<11xf32, #tpu.memory_space<hbm>>, %arg5: memref<16xf32, #tpu.memory_space<hbm>>, %arg6: memref<1000000xf32, #tpu.memory_space<hbm>>, %arg7: memref<3968xf32, #tpu.memory_space<vmem>>, %arg8: memref<3968xf32, #tpu.memory_space<vmem>>, %arg9: memref<3968xf32, #tpu.memory_space<vmem>>, %arg10: memref<3968xi32, #tpu.memory_space<vmem>>, %arg11: memref<3968xi32, #tpu.memory_space<vmem>>, %arg12: memref<3968xi32, #tpu.memory_space<vmem>>, %arg13: memref<3968xf32, #tpu.memory_space<vmem>>, %arg14: memref<3968xf32, #tpu.memory_space<vmem>>, %arg15: memref<3968xf32, #tpu.memory_space<vmem>>, %arg16: memref<11xf32, #tpu.memory_space<vmem>>, %arg17: memref<16xf32, #tpu.memory_space<vmem>>, %arg18: memref<!tpu.dma_semaphore, #tpu.memory_space<semaphore_mem>>, %arg19: memref<!tpu.dma_semaphore, #tpu.memory_space<semaphore_mem>>, %arg20: memref<!tpu.dma_semaphore, #tpu.memory_space<semaphore_mem>>, %arg21: memref<!tpu.dma_semaphore, #tpu.memory_space<semaphore_mem>>, %arg22: memref<!tpu.dma_semaphore, #tpu.memory_space<semaphore_mem>>, %arg23: memref<!tpu.dma_semaphore, #tpu.memory_space<semaphore_mem>>, %arg24: memref<!tpu.dma_semaphore, #tpu.memory_space<semaphore_mem>>, %arg25: memref<!tpu.dma_semaphore, #tpu.memory_space<semaphore_mem>>, %arg26: memref<!tpu.dma_semaphore, #tpu.memory_space<semaphore_mem>>, %arg27: memref<!tpu.dma_semaphore, #tpu.memory_space<semaphore_mem>>, %arg28: memref<!tpu.dma_semaphore, #tpu.memory_space<semaphore_mem>>) attributes {dimension_semantics = [#tpu.dimension_semantics<core_parallel>, #tpu.dimension_semantics<subcore_parallel>], iteration_bounds = array<i64: 2, 16>, scalar_prefetch = 0 : i64, scratch_operands = 22 : i64, tpu.core_type = #tpu.core_type<sc_vector_subcore>, window_params = [{transform_indices = #map}, {transform_indices = #map}, {transform_indices = #map}, {transform_indices = #map}, {transform_indices = #map}]} {
    %mul3A = arith.constant 2 : i32
    %mul3A_0 = arith.muli %arg1, %mul3A : i32
    %add3A = arith.addi %mul3A_0, %arg0 : i32
    %mul3A_1 = arith.constant 31744 : i32
    %mul3A_2 = arith.muli %add3A, %mul3A_1 : i32
    %min3A = arith.constant 968256 : i32
    %min3A_3 = arith.minsi %mul3A_2, %min3A : i32
    %add3A_4 = arith.constant 0 : i32
    %add3A_5 = arith.addi %min3A_3, %add3A_4 : i32
    %dma_start3A = tpu.memref_slice %arg2[%add3A_5] : memref<1000000xf32, #tpu.memory_space<hbm>> -> memref<3968xf32, #tpu.memory_space<hbm>>
    %dma_start3A_6 = tpu.memref_slice %arg2[%add3A_5] : memref<1000000xf32, #tpu.memory_space<hbm>> -> memref<3968xf32, #tpu.memory_space<hbm>>
    tpu.enqueue_dma source(%dma_start3A_6 : memref<3968xf32, #tpu.memory_space<hbm>>) target(%arg7 : memref<3968xf32, #tpu.memory_space<vmem>>) target_semaphore(%arg18 : memref<!tpu.dma_semaphore, #tpu.memory_space<semaphore_mem>>)
    %add3A_7 = arith.constant 0 : i32
    %add3A_8 = arith.addi %min3A_3, %add3A_7 : i32
    %dma_start3A_9 = tpu.memref_slice %arg3[%add3A_8] : memref<1000000xi32, #tpu.memory_space<hbm>> -> memref<3968xi32, #tpu.memory_space<hbm>>
    %dma_start3A_10 = tpu.memref_slice %arg3[%add3A_8] : memref<1000000xi32, #tpu.memory_space<hbm>> -> memref<3968xi32, #tpu.memory_space<hbm>>
    tpu.enqueue_dma source(%dma_start3A_10 : memref<3968xi32, #tpu.memory_space<hbm>>) target(%arg10 : memref<3968xi32, #tpu.memory_space<vmem>>) target_semaphore(%arg21 : memref<!tpu.dma_semaphore, #tpu.memory_space<semaphore_mem>>)
    tpu.enqueue_dma source(%arg4 : memref<11xf32, #tpu.memory_space<hbm>>) target(%arg16 : memref<11xf32, #tpu.memory_space<vmem>>) target_semaphore(%arg27 : memref<!tpu.dma_semaphore, #tpu.memory_space<semaphore_mem>>)
    tpu.enqueue_dma source(%arg5 : memref<16xf32, #tpu.memory_space<hbm>>) target(%arg17 : memref<16xf32, #tpu.memory_space<vmem>>) target_semaphore(%arg28 : memref<!tpu.dma_semaphore, #tpu.memory_space<semaphore_mem>>)
    %add3A_11 = arith.constant 3968 : i32
    %add3A_12 = arith.addi %min3A_3, %add3A_11 : i32
    %dma_start3A_13 = tpu.memref_slice %arg2[%add3A_12] : memref<1000000xf32, #tpu.memory_space<hbm>> -> memref<3968xf32, #tpu.memory_space<hbm>>
    %dma_start3A_14 = tpu.memref_slice %arg2[%add3A_12] : memref<1000000xf32, #tpu.memory_space<hbm>> -> memref<3968xf32, #tpu.memory_space<hbm>>
    tpu.enqueue_dma source(%dma_start3A_14 : memref<3968xf32, #tpu.memory_space<hbm>>) target(%arg8 : memref<3968xf32, #tpu.memory_space<vmem>>) target_semaphore(%arg19 : memref<!tpu.dma_semaphore, #tpu.memory_space<semaphore_mem>>)
    %add3A_15 = arith.constant 3968 : i32
    %add3A_16 = arith.addi %min3A_3, %add3A_15 : i32
    %dma_start3A_17 = tpu.memref_slice %arg3[%add3A_16] : memref<1000000xi32, #tpu.memory_space<hbm>> -> memref<3968xi32, #tpu.memory_space<hbm>>
    %dma_start3A_18 = tpu.memref_slice %arg3[%add3A_16] : memref<1000000xi32, #tpu.memory_space<hbm>> -> memref<3968xi32, #tpu.memory_space<hbm>>
    tpu.enqueue_dma source(%dma_start3A_18 : memref<3968xi32, #tpu.memory_space<hbm>>) target(%arg11 : memref<3968xi32, #tpu.memory_space<vmem>>) target_semaphore(%arg22 : memref<!tpu.dma_semaphore, #tpu.memory_space<semaphore_mem>>)
    tpu.wait_dma2 semaphore(%arg27 : memref<!tpu.dma_semaphore, #tpu.memory_space<semaphore_mem>>) src(%arg4 : memref<11xf32, #tpu.memory_space<hbm>>) dst(%arg16 : memref<11xf32, #tpu.memory_space<vmem>>)
    tpu.wait_dma2 semaphore(%arg28 : memref<!tpu.dma_semaphore, #tpu.memory_space<semaphore_mem>>) src(%arg5 : memref<16xf32, #tpu.memory_space<hbm>>) dst(%arg17 : memref<16xf32, #tpu.memory_space<vmem>>)
    %get3A = arith.constant 0 : index
    %get3A_19 = tpu.vector_load %arg17[%get3A] {strides = array<i32>} : memref<16xf32, #tpu.memory_space<vmem>>, vector<16xf32>,
    %add3A_20 = arith.addf %get3A_19, %get3A_19 : vector<16xf32>
    %div3A = arith.constant 2.000000e+00 : f32
    %div3A_21 = vector.broadcast %div3A : f32 to vector<16xf32>
    %div3A_22 = arith.divf %div3A_21, %get3A_19 : vector<16xf32>
    %add3A_23 = arith.constant 7936 : i32
    %add3A_24 = arith.addi %min3A_3, %add3A_23 : i32
    %dma_start3A_25 = tpu.memref_slice %arg2[%add3A_24] : memref<1000000xf32, #tpu.memory_space<hbm>> -> memref<3968xf32, #tpu.memory_space<hbm>>
    %dma_start3A_26 = tpu.memref_slice %arg2[%add3A_24] : memref<1000000xf32, #tpu.memory_space<hbm>> -> memref<3968xf32, #tpu.memory_space<hbm>>
    tpu.enqueue_dma source(%dma_start3A_26 : memref<3968xf32, #tpu.memory_space<hbm>>) target(%arg9 : memref<3968xf32, #tpu.memory_space<vmem>>) target_semaphore(%arg20 : memref<!tpu.dma_semaphore, #tpu.memory_space<semaphore_mem>>)
    %add3A_27 = arith.constant 7936 : i32
    %add3A_28 = arith.addi %min3A_3, %add3A_27 : i32
    %dma_start3A_29 = tpu.memref_slice %arg3[%add3A_28] : memref<1000000xi32, #tpu.memory_space<hbm>> -> memref<3968xi32, #tpu.memory_space<hbm>>
    %dma_start3A_30 = tpu.memref_slice %arg3[%add3A_28] : memref<1000000xi32, #tpu.memory_space<hbm>> -> memref<3968xi32, #tpu.memory_space<hbm>>
    tpu.enqueue_dma source(%dma_start3A_30 : memref<3968xi32, #tpu.memory_space<hbm>>) target(%arg12 : memref<3968xi32, #tpu.memory_space<vmem>>) target_semaphore(%arg23 : memref<!tpu.dma_semaphore, #tpu.memory_space<semaphore_mem>>)
    %dma_wait3A = tpu.memref_slice %arg2[%add3A_5] : memref<1000000xf32, #tpu.memory_space<hbm>> -> memref<3968xf32, #tpu.memory_space<hbm>>
    %dma_wait3A_31 = tpu.memref_slice %arg2[%add3A_5] : memref<1000000xf32, #tpu.memory_space<hbm>> -> memref<3968xf32, #tpu.memory_space<hbm>>
    tpu.wait_dma2 semaphore(%arg18 : memref<!tpu.dma_semaphore, #tpu.memory_space<semaphore_mem>>) src(%dma_wait3A_31 : memref<3968xf32, #tpu.memory_space<hbm>>) dst(%arg7 : memref<3968xf32, #tpu.memory_space<vmem>>)
    %dma_wait3A_32 = tpu.memref_slice %arg3[%add3A_8] : memref<1000000xi32, #tpu.memory_space<hbm>> -> memref<3968xi32, #tpu.memory_space<hbm>>
    %dma_wait3A_33 = tpu.memref_slice %arg3[%add3A_8] : memref<1000000xi32, #tpu.memory_space<hbm>> -> memref<3968xi32, #tpu.memory_space<hbm>>
    tpu.wait_dma2 semaphore(%arg21 : memref<!tpu.dma_semaphore, #tpu.memory_space<semaphore_mem>>) src(%dma_wait3A_33 : memref<3968xi32, #tpu.memory_space<hbm>>) dst(%arg10 : memref<3968xi32, #tpu.memory_space<vmem>>)
    %parallel_loop3A = arith.constant 0 : i32
    %parallel_loop3A_34 = arith.constant 248 : i32
    %parallel_loop3A_35 = arith.constant 1 : i32
    scf.for %parallel_loop3A_173 = %parallel_loop3A to %parallel_loop3A_34 step %parallel_loop3A_35  : i32 {
      %parallel_loop3A_174 = arith.constant 16 : i32
      %parallel_loop3A_175 = arith.muli %parallel_loop3A_173, %parallel_loop3A_174 : i32
      %parallel_loop3A_176 = arith.index_cast %parallel_loop3A_175 : i32 to index
      %parallel_loop3A_177 = tpu.vector_load %arg7[%parallel_loop3A_176] {strides = array<i32>} : memref<3968xf32, #tpu.memory_space<vmem>>, vector<16xf32>,
      %parallel_loop3A_178 = arith.constant 16 : i32
      %parallel_loop3A_179 = arith.muli %parallel_loop3A_173, %parallel_loop3A_178 : i32
      %parallel_loop3A_180 = arith.index_cast %parallel_loop3A_179 : i32 to index
      %parallel_loop3A_181 = tpu.vector_load %arg10[%parallel_loop3A_180] {strides = array<i32>} : memref<3968xi32, #tpu.memory_space<vmem>>, vector<16xi32>,
      %parallel_loop3A_182 = arith.constant 10 : i32
      %parallel_loop3A_183 = vector.broadcast %parallel_loop3A_182 : i32 to vector<16xi32>
      %parallel_loop3A_184 = arith.minsi %parallel_loop3A_181, %parallel_loop3A_183 : vector<16xi32>
      %parallel_loop3A_185 = tpu.vector_load_idx %arg16[%parallel_loop3A_184] : memref<11xf32, #tpu.memory_space<vmem>>[vector<16xi32>], vector<16xf32>,
      %parallel_loop3A_186 = arith.mulf %parallel_loop3A_177, %parallel_loop3A_185 : vector<16xf32>
      %parallel_loop3A_187 = arith.mulf %parallel_loop3A_186, %div3A_22 : vector<16xf32>
      %parallel_loop3A_188 = math.exp %parallel_loop3A_187 : vector<16xf32>
      %parallel_loop3A_189 = arith.constant 1.000000e+00 : f32
      %parallel_loop3A_190 = vector.broadcast %parallel_loop3A_189 : f32 to vector<16xf32>
      %parallel_loop3A_191 = arith.addf %parallel_loop3A_188, %parallel_loop3A_190 : vector<16xf32>
      %parallel_loop3A_192 = arith.divf %add3A_20, %parallel_loop3A_191 : vector<16xf32>
      %parallel_loop3A_193 = arith.subf %get3A_19, %parallel_loop3A_192 : vector<16xf32>
      %parallel_loop3A_194 = arith.constant 16 : i32
      %parallel_loop3A_195 = arith.muli %parallel_loop3A_173, %parallel_loop3A_194 : i32
      %parallel_loop3A_196 = arith.index_cast %parallel_loop3A_195 : i32 to index
      %parallel_loop3A_197 = tpu.vector_load %arg13[%parallel_loop3A_196] {strides = array<i32>} : memref<3968xf32, #tpu.memory_space<vmem>>, vector<16xf32>,
      tpu.vector_store %arg13[%parallel_loop3A_196], %parallel_loop3A_193 {strides = array<i32>} : memref<3968xf32, #tpu.memory_space<vmem>>, vector<16xf32>,
    } {sc.loop_unroll_factor = 8 : i64, sc.parallel_access}
    %add3A_36 = arith.constant 0 : i32
    %add3A_37 = arith.addi %min3A_3, %add3A_36 : i32
    %dma_start3A_38 = tpu.memref_slice %arg6[%add3A_37] : memref<1000000xf32, #tpu.memory_space<hbm>> -> memref<3968xf32, #tpu.memory_space<hbm>>
    %dma_start3A_39 = tpu.memref_slice %arg6[%add3A_37] : memref<1000000xf32, #tpu.memory_space<hbm>> -> memref<3968xf32, #tpu.memory_space<hbm>>
    tpu.enqueue_dma source(%arg13 : memref<3968xf32, #tpu.memory_space<vmem>>) target(%dma_start3A_39 : memref<3968xf32, #tpu.memory_space<hbm>>) target_semaphore(%arg24 : memref<!tpu.dma_semaphore, #tpu.memory_space<semaphore_mem>>)
    %add3A_40 = arith.constant 11904 : i32
    %add3A_41 = arith.addi %min3A_3, %add3A_40 : i32
    %dma_start3A_42 = tpu.memref_slice %arg2[%add3A_41] : memref<1000000xf32, #tpu.memory_space<hbm>> -> memref<3968xf32, #tpu.memory_space<hbm>>
    %dma_start3A_43 = tpu.memref_slice %arg2[%add3A_41] : memref<1000000xf32, #tpu.memory_space<hbm>> -> memref<3968xf32, #tpu.memory_space<hbm>>
    tpu.enqueue_dma source(%dma_start3A_43 : memref<3968xf32, #tpu.memory_space<hbm>>) target(%arg7 : memref<3968xf32, #tpu.memory_space<vmem>>) target_semaphore(%arg18 : memref<!tpu.dma_semaphore, #tpu.memory_space<semaphore_mem>>)
    %add3A_44 = arith.constant 11904 : i32
    %add3A_45 = arith.addi %min3A_3, %add3A_44 : i32
    %dma_start3A_46 = tpu.memref_slice %arg3[%add3A_45] : memref<1000000xi32, #tpu.memory_space<hbm>> -> memref<3968xi32, #tpu.memory_space<hbm>>
    %dma_start3A_47 = tpu.memref_slice %arg3[%add3A_45] : memref<1000000xi32, #tpu.memory_space<hbm>> -> memref<3968xi32, #tpu.memory_space<hbm>>
    tpu.enqueue_dma source(%dma_start3A_47 : memref<3968xi32, #tpu.memory_space<hbm>>) target(%arg10 : memref<3968xi32, #tpu.memory_space<vmem>>) target_semaphore(%arg21 : memref<!tpu.dma_semaphore, #tpu.memory_space<semaphore_mem>>)
    %dma_wait3A_48 = tpu.memref_slice %arg2[%add3A_12] : memref<1000000xf32, #tpu.memory_space<hbm>> -> memref<3968xf32, #tpu.memory_space<hbm>>
    %dma_wait3A_49 = tpu.memref_slice %arg2[%add3A_12] : memref<1000000xf32, #tpu.memory_space<hbm>> -> memref<3968xf32, #tpu.memory_space<hbm>>
    tpu.wait_dma2 semaphore(%arg19 : memref<!tpu.dma_semaphore, #tpu.memory_space<semaphore_mem>>) src(%dma_wait3A_49 : memref<3968xf32, #tpu.memory_space<hbm>>) dst(%arg8 : memref<3968xf32, #tpu.memory_space<vmem>>)
    %dma_wait3A_50 = tpu.memref_slice %arg3[%add3A_16] : memref<1000000xi32, #tpu.memory_space<hbm>> -> memref<3968xi32, #tpu.memory_space<hbm>>
    %dma_wait3A_51 = tpu.memref_slice %arg3[%add3A_16] : memref<1000000xi32, #tpu.memory_space<hbm>> -> memref<3968xi32, #tpu.memory_space<hbm>>
    tpu.wait_dma2 semaphore(%arg22 : memref<!tpu.dma_semaphore, #tpu.memory_space<semaphore_mem>>) src(%dma_wait3A_51 : memref<3968xi32, #tpu.memory_space<hbm>>) dst(%arg11 : memref<3968xi32, #tpu.memory_space<vmem>>)
    %parallel_loop3A_52 = arith.constant 0 : i32
    %parallel_loop3A_53 = arith.constant 248 : i32
    %parallel_loop3A_54 = arith.constant 1 : i32
    scf.for %parallel_loop3A_173 = %parallel_loop3A_52 to %parallel_loop3A_53 step %parallel_loop3A_54  : i32 {
      %parallel_loop3A_174 = arith.constant 16 : i32
      %parallel_loop3A_175 = arith.muli %parallel_loop3A_173, %parallel_loop3A_174 : i32
      %parallel_loop3A_176 = arith.index_cast %parallel_loop3A_175 : i32 to index
      %parallel_loop3A_177 = tpu.vector_load %arg8[%parallel_loop3A_176] {strides = array<i32>} : memref<3968xf32, #tpu.memory_space<vmem>>, vector<16xf32>,
      %parallel_loop3A_178 = arith.constant 16 : i32
      %parallel_loop3A_179 = arith.muli %parallel_loop3A_173, %parallel_loop3A_178 : i32
      %parallel_loop3A_180 = arith.index_cast %parallel_loop3A_179 : i32 to index
      %parallel_loop3A_181 = tpu.vector_load %arg11[%parallel_loop3A_180] {strides = array<i32>} : memref<3968xi32, #tpu.memory_space<vmem>>, vector<16xi32>,
      %parallel_loop3A_182 = arith.constant 10 : i32
      %parallel_loop3A_183 = vector.broadcast %parallel_loop3A_182 : i32 to vector<16xi32>
      %parallel_loop3A_184 = arith.minsi %parallel_loop3A_181, %parallel_loop3A_183 : vector<16xi32>
      %parallel_loop3A_185 = tpu.vector_load_idx %arg16[%parallel_loop3A_184] : memref<11xf32, #tpu.memory_space<vmem>>[vector<16xi32>], vector<16xf32>,
      %parallel_loop3A_186 = arith.mulf %parallel_loop3A_177, %parallel_loop3A_185 : vector<16xf32>
      %parallel_loop3A_187 = arith.mulf %parallel_loop3A_186, %div3A_22 : vector<16xf32>
      %parallel_loop3A_188 = math.exp %parallel_loop3A_187 : vector<16xf32>
      %parallel_loop3A_189 = arith.constant 1.000000e+00 : f32
      %parallel_loop3A_190 = vector.broadcast %parallel_loop3A_189 : f32 to vector<16xf32>
      %parallel_loop3A_191 = arith.addf %parallel_loop3A_188, %parallel_loop3A_190 : vector<16xf32>
      %parallel_loop3A_192 = arith.divf %add3A_20, %parallel_loop3A_191 : vector<16xf32>
      %parallel_loop3A_193 = arith.subf %get3A_19, %parallel_loop3A_192 : vector<16xf32>
      %parallel_loop3A_194 = arith.constant 16 : i32
      %parallel_loop3A_195 = arith.muli %parallel_loop3A_173, %parallel_loop3A_194 : i32
      %parallel_loop3A_196 = arith.index_cast %parallel_loop3A_195 : i32 to index
      %parallel_loop3A_197 = tpu.vector_load %arg14[%parallel_loop3A_196] {strides = array<i32>} : memref<3968xf32, #tpu.memory_space<vmem>>, vector<16xf32>,
      tpu.vector_store %arg14[%parallel_loop3A_196], %parallel_loop3A_193 {strides = array<i32>} : memref<3968xf32, #tpu.memory_space<vmem>>, vector<16xf32>,
    } {sc.loop_unroll_factor = 8 : i64, sc.parallel_access}
    %add3A_55 = arith.constant 3968 : i32
    %add3A_56 = arith.addi %min3A_3, %add3A_55 : i32
    %dma_start3A_57 = tpu.memref_slice %arg6[%add3A_56] : memref<1000000xf32, #tpu.memory_space<hbm>> -> memref<3968xf32, #tpu.memory_space<hbm>>
    %dma_start3A_58 = tpu.memref_slice %arg6[%add3A_56] : memref<1000000xf32, #tpu.memory_space<hbm>> -> memref<3968xf32, #tpu.memory_space<hbm>>
    tpu.enqueue_dma source(%arg14 : memref<3968xf32, #tpu.memory_space<vmem>>) target(%dma_start3A_58 : memref<3968xf32, #tpu.memory_space<hbm>>) target_semaphore(%arg25 : memref<!tpu.dma_semaphore, #tpu.memory_space<semaphore_mem>>)
    %add3A_59 = arith.constant 15872 : i32
    %add3A_60 = arith.addi %min3A_3, %add3A_59 : i32
    %dma_start3A_61 = tpu.memref_slice %arg2[%add3A_60] : memref<1000000xf32, #tpu.memory_space<hbm>> -> memref<3968xf32, #tpu.memory_space<hbm>>
    %dma_start3A_62 = tpu.memref_slice %arg2[%add3A_60] : memref<1000000xf32, #tpu.memory_space<hbm>> -> memref<3968xf32, #tpu.memory_space<hbm>>
    tpu.enqueue_dma source(%dma_start3A_62 : memref<3968xf32, #tpu.memory_space<hbm>>) target(%arg8 : memref<3968xf32, #tpu.memory_space<vmem>>) target_semaphore(%arg19 : memref<!tpu.dma_semaphore, #tpu.memory_space<semaphore_mem>>)
    %add3A_63 = arith.constant 15872 : i32
    %add3A_64 = arith.addi %min3A_3, %add3A_63 : i32
    %dma_start3A_65 = tpu.memref_slice %arg3[%add3A_64] : memref<1000000xi32, #tpu.memory_space<hbm>> -> memref<3968xi32, #tpu.memory_space<hbm>>
    %dma_start3A_66 = tpu.memref_slice %arg3[%add3A_64] : memref<1000000xi32, #tpu.memory_space<hbm>> -> memref<3968xi32, #tpu.memory_space<hbm>>
    tpu.enqueue_dma source(%dma_start3A_66 : memref<3968xi32, #tpu.memory_space<hbm>>) target(%arg11 : memref<3968xi32, #tpu.memory_space<vmem>>) target_semaphore(%arg22 : memref<!tpu.dma_semaphore, #tpu.memory_space<semaphore_mem>>)
    %dma_wait3A_67 = tpu.memref_slice %arg2[%add3A_24] : memref<1000000xf32, #tpu.memory_space<hbm>> -> memref<3968xf32, #tpu.memory_space<hbm>>
    %dma_wait3A_68 = tpu.memref_slice %arg2[%add3A_24] : memref<1000000xf32, #tpu.memory_space<hbm>> -> memref<3968xf32, #tpu.memory_space<hbm>>
    tpu.wait_dma2 semaphore(%arg20 : memref<!tpu.dma_semaphore, #tpu.memory_space<semaphore_mem>>) src(%dma_wait3A_68 : memref<3968xf32, #tpu.memory_space<hbm>>) dst(%arg9 : memref<3968xf32, #tpu.memory_space<vmem>>)
    %dma_wait3A_69 = tpu.memref_slice %arg3[%add3A_28] : memref<1000000xi32, #tpu.memory_space<hbm>> -> memref<3968xi32, #tpu.memory_space<hbm>>
    %dma_wait3A_70 = tpu.memref_slice %arg3[%add3A_28] : memref<1000000xi32, #tpu.memory_space<hbm>> -> memref<3968xi32, #tpu.memory_space<hbm>>
    tpu.wait_dma2 semaphore(%arg23 : memref<!tpu.dma_semaphore, #tpu.memory_space<semaphore_mem>>) src(%dma_wait3A_70 : memref<3968xi32, #tpu.memory_space<hbm>>) dst(%arg12 : memref<3968xi32, #tpu.memory_space<vmem>>)
    %parallel_loop3A_71 = arith.constant 0 : i32
    %parallel_loop3A_72 = arith.constant 248 : i32
    %parallel_loop3A_73 = arith.constant 1 : i32
    scf.for %parallel_loop3A_173 = %parallel_loop3A_71 to %parallel_loop3A_72 step %parallel_loop3A_73  : i32 {
      %parallel_loop3A_174 = arith.constant 16 : i32
      %parallel_loop3A_175 = arith.muli %parallel_loop3A_173, %parallel_loop3A_174 : i32
      %parallel_loop3A_176 = arith.index_cast %parallel_loop3A_175 : i32 to index
      %parallel_loop3A_177 = tpu.vector_load %arg9[%parallel_loop3A_176] {strides = array<i32>} : memref<3968xf32, #tpu.memory_space<vmem>>, vector<16xf32>,
      %parallel_loop3A_178 = arith.constant 16 : i32
      %parallel_loop3A_179 = arith.muli %parallel_loop3A_173, %parallel_loop3A_178 : i32
      %parallel_loop3A_180 = arith.index_cast %parallel_loop3A_179 : i32 to index
      %parallel_loop3A_181 = tpu.vector_load %arg12[%parallel_loop3A_180] {strides = array<i32>} : memref<3968xi32, #tpu.memory_space<vmem>>, vector<16xi32>,
      %parallel_loop3A_182 = arith.constant 10 : i32
      %parallel_loop3A_183 = vector.broadcast %parallel_loop3A_182 : i32 to vector<16xi32>
      %parallel_loop3A_184 = arith.minsi %parallel_loop3A_181, %parallel_loop3A_183 : vector<16xi32>
      %parallel_loop3A_185 = tpu.vector_load_idx %arg16[%parallel_loop3A_184] : memref<11xf32, #tpu.memory_space<vmem>>[vector<16xi32>], vector<16xf32>,
      %parallel_loop3A_186 = arith.mulf %parallel_loop3A_177, %parallel_loop3A_185 : vector<16xf32>
      %parallel_loop3A_187 = arith.mulf %parallel_loop3A_186, %div3A_22 : vector<16xf32>
      %parallel_loop3A_188 = math.exp %parallel_loop3A_187 : vector<16xf32>
      %parallel_loop3A_189 = arith.constant 1.000000e+00 : f32
      %parallel_loop3A_190 = vector.broadcast %parallel_loop3A_189 : f32 to vector<16xf32>
      %parallel_loop3A_191 = arith.addf %parallel_loop3A_188, %parallel_loop3A_190 : vector<16xf32>
      %parallel_loop3A_192 = arith.divf %add3A_20, %parallel_loop3A_191 : vector<16xf32>
      %parallel_loop3A_193 = arith.subf %get3A_19, %parallel_loop3A_192 : vector<16xf32>
      %parallel_loop3A_194 = arith.constant 16 : i32
      %parallel_loop3A_195 = arith.muli %parallel_loop3A_173, %parallel_loop3A_194 : i32
      %parallel_loop3A_196 = arith.index_cast %parallel_loop3A_195 : i32 to index
      %parallel_loop3A_197 = tpu.vector_load %arg15[%parallel_loop3A_196] {strides = array<i32>} : memref<3968xf32, #tpu.memory_space<vmem>>, vector<16xf32>,
      tpu.vector_store %arg15[%parallel_loop3A_196], %parallel_loop3A_193 {strides = array<i32>} : memref<3968xf32, #tpu.memory_space<vmem>>, vector<16xf32>,
    } {sc.loop_unroll_factor = 8 : i64, sc.parallel_access}
    %add3A_74 = arith.constant 7936 : i32
    %add3A_75 = arith.addi %min3A_3, %add3A_74 : i32
    %dma_start3A_76 = tpu.memref_slice %arg6[%add3A_75] : memref<1000000xf32, #tpu.memory_space<hbm>> -> memref<3968xf32, #tpu.memory_space<hbm>>
    %dma_start3A_77 = tpu.memref_slice %arg6[%add3A_75] : memref<1000000xf32, #tpu.memory_space<hbm>> -> memref<3968xf32, #tpu.memory_space<hbm>>
    tpu.enqueue_dma source(%arg15 : memref<3968xf32, #tpu.memory_space<vmem>>) target(%dma_start3A_77 : memref<3968xf32, #tpu.memory_space<hbm>>) target_semaphore(%arg26 : memref<!tpu.dma_semaphore, #tpu.memory_space<semaphore_mem>>)
    %add3A_78 = arith.constant 19840 : i32
    %add3A_79 = arith.addi %min3A_3, %add3A_78 : i32
    %dma_start3A_80 = tpu.memref_slice %arg2[%add3A_79] : memref<1000000xf32, #tpu.memory_space<hbm>> -> memref<3968xf32, #tpu.memory_space<hbm>>
    %dma_start3A_81 = tpu.memref_slice %arg2[%add3A_79] : memref<1000000xf32, #tpu.memory_space<hbm>> -> memref<3968xf32, #tpu.memory_space<hbm>>
    tpu.enqueue_dma source(%dma_start3A_81 : memref<3968xf32, #tpu.memory_space<hbm>>) target(%arg9 : memref<3968xf32, #tpu.memory_space<vmem>>) target_semaphore(%arg20 : memref<!tpu.dma_semaphore, #tpu.memory_space<semaphore_mem>>)
    %add3A_82 = arith.constant 19840 : i32
    %add3A_83 = arith.addi %min3A_3, %add3A_82 : i32
    %dma_start3A_84 = tpu.memref_slice %arg3[%add3A_83] : memref<1000000xi32, #tpu.memory_space<hbm>> -> memref<3968xi32, #tpu.memory_space<hbm>>
    %dma_start3A_85 = tpu.memref_slice %arg3[%add3A_83] : memref<1000000xi32, #tpu.memory_space<hbm>> -> memref<3968xi32, #tpu.memory_space<hbm>>
    tpu.enqueue_dma source(%dma_start3A_85 : memref<3968xi32, #tpu.memory_space<hbm>>) target(%arg12 : memref<3968xi32, #tpu.memory_space<vmem>>) target_semaphore(%arg23 : memref<!tpu.dma_semaphore, #tpu.memory_space<semaphore_mem>>)
    %dma_wait3A_86 = tpu.memref_slice %arg2[%add3A_41] : memref<1000000xf32, #tpu.memory_space<hbm>> -> memref<3968xf32, #tpu.memory_space<hbm>>
    %dma_wait3A_87 = tpu.memref_slice %arg2[%add3A_41] : memref<1000000xf32, #tpu.memory_space<hbm>> -> memref<3968xf32, #tpu.memory_space<hbm>>
    tpu.wait_dma2 semaphore(%arg18 : memref<!tpu.dma_semaphore, #tpu.memory_space<semaphore_mem>>) src(%dma_wait3A_87 : memref<3968xf32, #tpu.memory_space<hbm>>) dst(%arg7 : memref<3968xf32, #tpu.memory_space<vmem>>)
    %dma_wait3A_88 = tpu.memref_slice %arg3[%add3A_45] : memref<1000000xi32, #tpu.memory_space<hbm>> -> memref<3968xi32, #tpu.memory_space<hbm>>
    %dma_wait3A_89 = tpu.memref_slice %arg3[%add3A_45] : memref<1000000xi32, #tpu.memory_space<hbm>> -> memref<3968xi32, #tpu.memory_space<hbm>>
    tpu.wait_dma2 semaphore(%arg21 : memref<!tpu.dma_semaphore, #tpu.memory_space<semaphore_mem>>) src(%dma_wait3A_89 : memref<3968xi32, #tpu.memory_space<hbm>>) dst(%arg10 : memref<3968xi32, #tpu.memory_space<vmem>>)
    %dma_wait3A_90 = tpu.memref_slice %arg6[%add3A_37] : memref<1000000xf32, #tpu.memory_space<hbm>> -> memref<3968xf32, #tpu.memory_space<hbm>>
    %dma_wait3A_91 = tpu.memref_slice %arg6[%add3A_37] : memref<1000000xf32, #tpu.memory_space<hbm>> -> memref<3968xf32, #tpu.memory_space<hbm>>
    tpu.wait_dma2 semaphore(%arg24 : memref<!tpu.dma_semaphore, #tpu.memory_space<semaphore_mem>>) src(%arg13 : memref<3968xf32, #tpu.memory_space<vmem>>) dst(%dma_wait3A_91 : memref<3968xf32, #tpu.memory_space<hbm>>)
    %parallel_loop3A_92 = arith.constant 0 : i32
    %parallel_loop3A_93 = arith.constant 248 : i32
    %parallel_loop3A_94 = arith.constant 1 : i32
    scf.for %parallel_loop3A_173 = %parallel_loop3A_92 to %parallel_loop3A_93 step %parallel_loop3A_94  : i32 {
      %parallel_loop3A_174 = arith.constant 16 : i32
      %parallel_loop3A_175 = arith.muli %parallel_loop3A_173, %parallel_loop3A_174 : i32
      %parallel_loop3A_176 = arith.index_cast %parallel_loop3A_175 : i32 to index
      %parallel_loop3A_177 = tpu.vector_load %arg7[%parallel_loop3A_176] {strides = array<i32>} : memref<3968xf32, #tpu.memory_space<vmem>>, vector<16xf32>,
      %parallel_loop3A_178 = arith.constant 16 : i32
      %parallel_loop3A_179 = arith.muli %parallel_loop3A_173, %parallel_loop3A_178 : i32
      %parallel_loop3A_180 = arith.index_cast %parallel_loop3A_179 : i32 to index
      %parallel_loop3A_181 = tpu.vector_load %arg10[%parallel_loop3A_180] {strides = array<i32>} : memref<3968xi32, #tpu.memory_space<vmem>>, vector<16xi32>,
      %parallel_loop3A_182 = arith.constant 10 : i32
      %parallel_loop3A_183 = vector.broadcast %parallel_loop3A_182 : i32 to vector<16xi32>
      %parallel_loop3A_184 = arith.minsi %parallel_loop3A_181, %parallel_loop3A_183 : vector<16xi32>
      %parallel_loop3A_185 = tpu.vector_load_idx %arg16[%parallel_loop3A_184] : memref<11xf32, #tpu.memory_space<vmem>>[vector<16xi32>], vector<16xf32>,
      %parallel_loop3A_186 = arith.mulf %parallel_loop3A_177, %parallel_loop3A_185 : vector<16xf32>
      %parallel_loop3A_187 = arith.mulf %parallel_loop3A_186, %div3A_22 : vector<16xf32>
      %parallel_loop3A_188 = math.exp %parallel_loop3A_187 : vector<16xf32>
      %parallel_loop3A_189 = arith.constant 1.000000e+00 : f32
      %parallel_loop3A_190 = vector.broadcast %parallel_loop3A_189 : f32 to vector<16xf32>
      %parallel_loop3A_191 = arith.addf %parallel_loop3A_188, %parallel_loop3A_190 : vector<16xf32>
      %parallel_loop3A_192 = arith.divf %add3A_20, %parallel_loop3A_191 : vector<16xf32>
      %parallel_loop3A_193 = arith.subf %get3A_19, %parallel_loop3A_192 : vector<16xf32>
      %parallel_loop3A_194 = arith.constant 16 : i32
      %parallel_loop3A_195 = arith.muli %parallel_loop3A_173, %parallel_loop3A_194 : i32
      %parallel_loop3A_196 = arith.index_cast %parallel_loop3A_195 : i32 to index
      %parallel_loop3A_197 = tpu.vector_load %arg13[%parallel_loop3A_196] {strides = array<i32>} : memref<3968xf32, #tpu.memory_space<vmem>>, vector<16xf32>,
      tpu.vector_store %arg13[%parallel_loop3A_196], %parallel_loop3A_193 {strides = array<i32>} : memref<3968xf32, #tpu.memory_space<vmem>>, vector<16xf32>,
    } {sc.loop_unroll_factor = 8 : i64, sc.parallel_access}
    %add3A_95 = arith.constant 11904 : i32
    %add3A_96 = arith.addi %min3A_3, %add3A_95 : i32
    %dma_start3A_97 = tpu.memref_slice %arg6[%add3A_96] : memref<1000000xf32, #tpu.memory_space<hbm>> -> memref<3968xf32, #tpu.memory_space<hbm>>
    %dma_start3A_98 = tpu.memref_slice %arg6[%add3A_96] : memref<1000000xf32, #tpu.memory_space<hbm>> -> memref<3968xf32, #tpu.memory_space<hbm>>
    tpu.enqueue_dma source(%arg13 : memref<3968xf32, #tpu.memory_space<vmem>>) target(%dma_start3A_98 : memref<3968xf32, #tpu.memory_space<hbm>>) target_semaphore(%arg24 : memref<!tpu.dma_semaphore, #tpu.memory_space<semaphore_mem>>)
    %add3A_99 = arith.constant 23808 : i32
    %add3A_100 = arith.addi %min3A_3, %add3A_99 : i32
    %dma_start3A_101 = tpu.memref_slice %arg2[%add3A_100] : memref<1000000xf32, #tpu.memory_space<hbm>> -> memref<3968xf32, #tpu.memory_space<hbm>>
    %dma_start3A_102 = tpu.memref_slice %arg2[%add3A_100] : memref<1000000xf32, #tpu.memory_space<hbm>> -> memref<3968xf32, #tpu.memory_space<hbm>>
    tpu.enqueue_dma source(%dma_start3A_102 : memref<3968xf32, #tpu.memory_space<hbm>>) target(%arg7 : memref<3968xf32, #tpu.memory_space<vmem>>) target_semaphore(%arg18 : memref<!tpu.dma_semaphore, #tpu.memory_space<semaphore_mem>>)
    %add3A_103 = arith.constant 23808 : i32
    %add3A_104 = arith.addi %min3A_3, %add3A_103 : i32
    %dma_start3A_105 = tpu.memref_slice %arg3[%add3A_104] : memref<1000000xi32, #tpu.memory_space<hbm>> -> memref<3968xi32, #tpu.memory_space<hbm>>
    %dma_start3A_106 = tpu.memref_slice %arg3[%add3A_104] : memref<1000000xi32, #tpu.memory_space<hbm>> -> memref<3968xi32, #tpu.memory_space<hbm>>
    tpu.enqueue_dma source(%dma_start3A_106 : memref<3968xi32, #tpu.memory_space<hbm>>) target(%arg10 : memref<3968xi32, #tpu.memory_space<vmem>>) target_semaphore(%arg21 : memref<!tpu.dma_semaphore, #tpu.memory_space<semaphore_mem>>)
    %dma_wait3A_107 = tpu.memref_slice %arg2[%add3A_60] : memref<1000000xf32, #tpu.memory_space<hbm>> -> memref<3968xf32, #tpu.memory_space<hbm>>
    %dma_wait3A_108 = tpu.memref_slice %arg2[%add3A_60] : memref<1000000xf32, #tpu.memory_space<hbm>> -> memref<3968xf32, #tpu.memory_space<hbm>>
    tpu.wait_dma2 semaphore(%arg19 : memref<!tpu.dma_semaphore, #tpu.memory_space<semaphore_mem>>) src(%dma_wait3A_108 : memref<3968xf32, #tpu.memory_space<hbm>>) dst(%arg8 : memref<3968xf32, #tpu.memory_space<vmem>>)
    %dma_wait3A_109 = tpu.memref_slice %arg3[%add3A_64] : memref<1000000xi32, #tpu.memory_space<hbm>> -> memref<3968xi32, #tpu.memory_space<hbm>>
    %dma_wait3A_110 = tpu.memref_slice %arg3[%add3A_64] : memref<1000000xi32, #tpu.memory_space<hbm>> -> memref<3968xi32, #tpu.memory_space<hbm>>
    tpu.wait_dma2 semaphore(%arg22 : memref<!tpu.dma_semaphore, #tpu.memory_space<semaphore_mem>>) src(%dma_wait3A_110 : memref<3968xi32, #tpu.memory_space<hbm>>) dst(%arg11 : memref<3968xi32, #tpu.memory_space<vmem>>)
    %dma_wait3A_111 = tpu.memref_slice %arg6[%add3A_56] : memref<1000000xf32, #tpu.memory_space<hbm>> -> memref<3968xf32, #tpu.memory_space<hbm>>
    %dma_wait3A_112 = tpu.memref_slice %arg6[%add3A_56] : memref<1000000xf32, #tpu.memory_space<hbm>> -> memref<3968xf32, #tpu.memory_space<hbm>>
    tpu.wait_dma2 semaphore(%arg25 : memref<!tpu.dma_semaphore, #tpu.memory_space<semaphore_mem>>) src(%arg14 : memref<3968xf32, #tpu.memory_space<vmem>>) dst(%dma_wait3A_112 : memref<3968xf32, #tpu.memory_space<hbm>>)
    %parallel_loop3A_113 = arith.constant 0 : i32
    %parallel_loop3A_114 = arith.constant 248 : i32
    %parallel_loop3A_115 = arith.constant 1 : i32
    scf.for %parallel_loop3A_173 = %parallel_loop3A_113 to %parallel_loop3A_114 step %parallel_loop3A_115  : i32 {
      %parallel_loop3A_174 = arith.constant 16 : i32
      %parallel_loop3A_175 = arith.muli %parallel_loop3A_173, %parallel_loop3A_174 : i32
      %parallel_loop3A_176 = arith.index_cast %parallel_loop3A_175 : i32 to index
      %parallel_loop3A_177 = tpu.vector_load %arg8[%parallel_loop3A_176] {strides = array<i32>} : memref<3968xf32, #tpu.memory_space<vmem>>, vector<16xf32>,
      %parallel_loop3A_178 = arith.constant 16 : i32
      %parallel_loop3A_179 = arith.muli %parallel_loop3A_173, %parallel_loop3A_178 : i32
      %parallel_loop3A_180 = arith.index_cast %parallel_loop3A_179 : i32 to index
      %parallel_loop3A_181 = tpu.vector_load %arg11[%parallel_loop3A_180] {strides = array<i32>} : memref<3968xi32, #tpu.memory_space<vmem>>, vector<16xi32>,
      %parallel_loop3A_182 = arith.constant 10 : i32
      %parallel_loop3A_183 = vector.broadcast %parallel_loop3A_182 : i32 to vector<16xi32>
      %parallel_loop3A_184 = arith.minsi %parallel_loop3A_181, %parallel_loop3A_183 : vector<16xi32>
      %parallel_loop3A_185 = tpu.vector_load_idx %arg16[%parallel_loop3A_184] : memref<11xf32, #tpu.memory_space<vmem>>[vector<16xi32>], vector<16xf32>,
      %parallel_loop3A_186 = arith.mulf %parallel_loop3A_177, %parallel_loop3A_185 : vector<16xf32>
      %parallel_loop3A_187 = arith.mulf %parallel_loop3A_186, %div3A_22 : vector<16xf32>
      %parallel_loop3A_188 = math.exp %parallel_loop3A_187 : vector<16xf32>
      %parallel_loop3A_189 = arith.constant 1.000000e+00 : f32
      %parallel_loop3A_190 = vector.broadcast %parallel_loop3A_189 : f32 to vector<16xf32>
      %parallel_loop3A_191 = arith.addf %parallel_loop3A_188, %parallel_loop3A_190 : vector<16xf32>
      %parallel_loop3A_192 = arith.divf %add3A_20, %parallel_loop3A_191 : vector<16xf32>
      %parallel_loop3A_193 = arith.subf %get3A_19, %parallel_loop3A_192 : vector<16xf32>
      %parallel_loop3A_194 = arith.constant 16 : i32
      %parallel_loop3A_195 = arith.muli %parallel_loop3A_173, %parallel_loop3A_194 : i32
      %parallel_loop3A_196 = arith.index_cast %parallel_loop3A_195 : i32 to index
      %parallel_loop3A_197 = tpu.vector_load %arg14[%parallel_loop3A_196] {strides = array<i32>} : memref<3968xf32, #tpu.memory_space<vmem>>, vector<16xf32>,
      tpu.vector_store %arg14[%parallel_loop3A_196], %parallel_loop3A_193 {strides = array<i32>} : memref<3968xf32, #tpu.memory_space<vmem>>, vector<16xf32>,
    } {sc.loop_unroll_factor = 8 : i64, sc.parallel_access}
    %add3A_116 = arith.constant 15872 : i32
    %add3A_117 = arith.addi %min3A_3, %add3A_116 : i32
    %dma_start3A_118 = tpu.memref_slice %arg6[%add3A_117] : memref<1000000xf32, #tpu.memory_space<hbm>> -> memref<3968xf32, #tpu.memory_space<hbm>>
    %dma_start3A_119 = tpu.memref_slice %arg6[%add3A_117] : memref<1000000xf32, #tpu.memory_space<hbm>> -> memref<3968xf32, #tpu.memory_space<hbm>>
    tpu.enqueue_dma source(%arg14 : memref<3968xf32, #tpu.memory_space<vmem>>) target(%dma_start3A_119 : memref<3968xf32, #tpu.memory_space<hbm>>) target_semaphore(%arg25 : memref<!tpu.dma_semaphore, #tpu.memory_space<semaphore_mem>>)
    %add3A_120 = arith.constant 27776 : i32
    %add3A_121 = arith.addi %min3A_3, %add3A_120 : i32
    %dma_start3A_122 = tpu.memref_slice %arg2[%add3A_121] : memref<1000000xf32, #tpu.memory_space<hbm>> -> memref<3968xf32, #tpu.memory_space<hbm>>
    %dma_start3A_123 = tpu.memref_slice %arg2[%add3A_121] : memref<1000000xf32, #tpu.memory_space<hbm>> -> memref<3968xf32, #tpu.memory_space<hbm>>
    tpu.enqueue_dma source(%dma_start3A_123 : memref<3968xf32, #tpu.memory_space<hbm>>) target(%arg8 : memref<3968xf32, #tpu.memory_space<vmem>>) target_semaphore(%arg19 : memref<!tpu.dma_semaphore, #tpu.memory_space<semaphore_mem>>)
    %add3A_124 = arith.constant 27776 : i32
    %add3A_125 = arith.addi %min3A_3, %add3A_124 : i32
    %dma_start3A_126 = tpu.memref_slice %arg3[%add3A_125] : memref<1000000xi32, #tpu.memory_space<hbm>> -> memref<3968xi32, #tpu.memory_space<hbm>>
    %dma_start3A_127 = tpu.memref_slice %arg3[%add3A_125] : memref<1000000xi32, #tpu.memory_space<hbm>> -> memref<3968xi32, #tpu.memory_space<hbm>>
    tpu.enqueue_dma source(%dma_start3A_127 : memref<3968xi32, #tpu.memory_space<hbm>>) target(%arg11 : memref<3968xi32, #tpu.memory_space<vmem>>) target_semaphore(%arg22 : memref<!tpu.dma_semaphore, #tpu.memory_space<semaphore_mem>>)
    %dma_wait3A_128 = tpu.memref_slice %arg2[%add3A_79] : memref<1000000xf32, #tpu.memory_space<hbm>> -> memref<3968xf32, #tpu.memory_space<hbm>>
    %dma_wait3A_129 = tpu.memref_slice %arg2[%add3A_79] : memref<1000000xf32, #tpu.memory_space<hbm>> -> memref<3968xf32, #tpu.memory_space<hbm>>
    tpu.wait_dma2 semaphore(%arg20 : memref<!tpu.dma_semaphore, #tpu.memory_space<semaphore_mem>>) src(%dma_wait3A_129 : memref<3968xf32, #tpu.memory_space<hbm>>) dst(%arg9 : memref<3968xf32, #tpu.memory_space<vmem>>)
    %dma_wait3A_130 = tpu.memref_slice %arg3[%add3A_83] : memref<1000000xi32, #tpu.memory_space<hbm>> -> memref<3968xi32, #tpu.memory_space<hbm>>
    %dma_wait3A_131 = tpu.memref_slice %arg3[%add3A_83] : memref<1000000xi32, #tpu.memory_space<hbm>> -> memref<3968xi32, #tpu.memory_space<hbm>>
    tpu.wait_dma2 semaphore(%arg23 : memref<!tpu.dma_semaphore, #tpu.memory_space<semaphore_mem>>) src(%dma_wait3A_131 : memref<3968xi32, #tpu.memory_space<hbm>>) dst(%arg12 : memref<3968xi32, #tpu.memory_space<vmem>>)
    %dma_wait3A_132 = tpu.memref_slice %arg6[%add3A_75] : memref<1000000xf32, #tpu.memory_space<hbm>> -> memref<3968xf32, #tpu.memory_space<hbm>>
    %dma_wait3A_133 = tpu.memref_slice %arg6[%add3A_75] : memref<1000000xf32, #tpu.memory_space<hbm>> -> memref<3968xf32, #tpu.memory_space<hbm>>
    tpu.wait_dma2 semaphore(%arg26 : memref<!tpu.dma_semaphore, #tpu.memory_space<semaphore_mem>>) src(%arg15 : memref<3968xf32, #tpu.memory_space<vmem>>) dst(%dma_wait3A_133 : memref<3968xf32, #tpu.memory_space<hbm>>)
    %parallel_loop3A_134 = arith.constant 0 : i32
    %parallel_loop3A_135 = arith.constant 248 : i32
    %parallel_loop3A_136 = arith.constant 1 : i32
    scf.for %parallel_loop3A_173 = %parallel_loop3A_134 to %parallel_loop3A_135 step %parallel_loop3A_136  : i32 {
      %parallel_loop3A_174 = arith.constant 16 : i32
      %parallel_loop3A_175 = arith.muli %parallel_loop3A_173, %parallel_loop3A_174 : i32
      %parallel_loop3A_176 = arith.index_cast %parallel_loop3A_175 : i32 to index
      %parallel_loop3A_177 = tpu.vector_load %arg9[%parallel_loop3A_176] {strides = array<i32>} : memref<3968xf32, #tpu.memory_space<vmem>>, vector<16xf32>,
      %parallel_loop3A_178 = arith.constant 16 : i32
      %parallel_loop3A_179 = arith.muli %parallel_loop3A_173, %parallel_loop3A_178 : i32
      %parallel_loop3A_180 = arith.index_cast %parallel_loop3A_179 : i32 to index
      %parallel_loop3A_181 = tpu.vector_load %arg12[%parallel_loop3A_180] {strides = array<i32>} : memref<3968xi32, #tpu.memory_space<vmem>>, vector<16xi32>,
      %parallel_loop3A_182 = arith.constant 10 : i32
      %parallel_loop3A_183 = vector.broadcast %parallel_loop3A_182 : i32 to vector<16xi32>
      %parallel_loop3A_184 = arith.minsi %parallel_loop3A_181, %parallel_loop3A_183 : vector<16xi32>
      %parallel_loop3A_185 = tpu.vector_load_idx %arg16[%parallel_loop3A_184] : memref<11xf32, #tpu.memory_space<vmem>>[vector<16xi32>], vector<16xf32>,
      %parallel_loop3A_186 = arith.mulf %parallel_loop3A_177, %parallel_loop3A_185 : vector<16xf32>
      %parallel_loop3A_187 = arith.mulf %parallel_loop3A_186, %div3A_22 : vector<16xf32>
      %parallel_loop3A_188 = math.exp %parallel_loop3A_187 : vector<16xf32>
      %parallel_loop3A_189 = arith.constant 1.000000e+00 : f32
      %parallel_loop3A_190 = vector.broadcast %parallel_loop3A_189 : f32 to vector<16xf32>
      %parallel_loop3A_191 = arith.addf %parallel_loop3A_188, %parallel_loop3A_190 : vector<16xf32>
      %parallel_loop3A_192 = arith.divf %add3A_20, %parallel_loop3A_191 : vector<16xf32>
      %parallel_loop3A_193 = arith.subf %get3A_19, %parallel_loop3A_192 : vector<16xf32>
      %parallel_loop3A_194 = arith.constant 16 : i32
      %parallel_loop3A_195 = arith.muli %parallel_loop3A_173, %parallel_loop3A_194 : i32
      %parallel_loop3A_196 = arith.index_cast %parallel_loop3A_195 : i32 to index
      %parallel_loop3A_197 = tpu.vector_load %arg15[%parallel_loop3A_196] {strides = array<i32>} : memref<3968xf32, #tpu.memory_space<vmem>>, vector<16xf32>,
      tpu.vector_store %arg15[%parallel_loop3A_196], %parallel_loop3A_193 {strides = array<i32>} : memref<3968xf32, #tpu.memory_space<vmem>>, vector<16xf32>,
    } {sc.loop_unroll_factor = 8 : i64, sc.parallel_access}
    %add3A_137 = arith.constant 19840 : i32
    %add3A_138 = arith.addi %min3A_3, %add3A_137 : i32
    %dma_start3A_139 = tpu.memref_slice %arg6[%add3A_138] : memref<1000000xf32, #tpu.memory_space<hbm>> -> memref<3968xf32, #tpu.memory_space<hbm>>
    %dma_start3A_140 = tpu.memref_slice %arg6[%add3A_138] : memref<1000000xf32, #tpu.memory_space<hbm>> -> memref<3968xf32, #tpu.memory_space<hbm>>
    tpu.enqueue_dma source(%arg15 : memref<3968xf32, #tpu.memory_space<vmem>>) target(%dma_start3A_140 : memref<3968xf32, #tpu.memory_space<hbm>>) target_semaphore(%arg26 : memref<!tpu.dma_semaphore, #tpu.memory_space<semaphore_mem>>)
    %dma_wait3A_141 = tpu.memref_slice %arg2[%add3A_100] : memref<1000000xf32, #tpu.memory_space<hbm>> -> memref<3968xf32, #tpu.memory_space<hbm>>
    %dma_wait3A_142 = tpu.memref_slice %arg2[%add3A_100] : memref<1000000xf32, #tpu.memory_space<hbm>> -> memref<3968xf32, #tpu.memory_space<hbm>>
    tpu.wait_dma2 semaphore(%arg18 : memref<!tpu.dma_semaphore, #tpu.memory_space<semaphore_mem>>) src(%dma_wait3A_142 : memref<3968xf32, #tpu.memory_space<hbm>>) dst(%arg7 : memref<3968xf32, #tpu.memory_space<vmem>>)
    %dma_wait3A_143 = tpu.memref_slice %arg3[%add3A_104] : memref<1000000xi32, #tpu.memory_space<hbm>> -> memref<3968xi32, #tpu.memory_space<hbm>>
    %dma_wait3A_144 = tpu.memref_slice %arg3[%add3A_104] : memref<1000000xi32, #tpu.memory_space<hbm>> -> memref<3968xi32, #tpu.memory_space<hbm>>
    tpu.wait_dma2 semaphore(%arg21 : memref<!tpu.dma_semaphore, #tpu.memory_space<semaphore_mem>>) src(%dma_wait3A_144 : memref<3968xi32, #tpu.memory_space<hbm>>) dst(%arg10 : memref<3968xi32, #tpu.memory_space<vmem>>)
    %dma_wait3A_145 = tpu.memref_slice %arg6[%add3A_96] : memref<1000000xf32, #tpu.memory_space<hbm>> -> memref<3968xf32, #tpu.memory_space<hbm>>
    %dma_wait3A_146 = tpu.memref_slice %arg6[%add3A_96] : memref<1000000xf32, #tpu.memory_space<hbm>> -> memref<3968xf32, #tpu.memory_space<hbm>>
    tpu.wait_dma2 semaphore(%arg24 : memref<!tpu.dma_semaphore, #tpu.memory_space<semaphore_mem>>) src(%arg13 : memref<3968xf32, #tpu.memory_space<vmem>>) dst(%dma_wait3A_146 : memref<3968xf32, #tpu.memory_space<hbm>>)
    %parallel_loop3A_147 = arith.constant 0 : i32
    %parallel_loop3A_148 = arith.constant 248 : i32
    %parallel_loop3A_149 = arith.constant 1 : i32
    scf.for %parallel_loop3A_173 = %parallel_loop3A_147 to %parallel_loop3A_148 step %parallel_loop3A_149  : i32 {
      %parallel_loop3A_174 = arith.constant 16 : i32
      %parallel_loop3A_175 = arith.muli %parallel_loop3A_173, %parallel_loop3A_174 : i32
      %parallel_loop3A_176 = arith.index_cast %parallel_loop3A_175 : i32 to index
      %parallel_loop3A_177 = tpu.vector_load %arg7[%parallel_loop3A_176] {strides = array<i32>} : memref<3968xf32, #tpu.memory_space<vmem>>, vector<16xf32>,
      %parallel_loop3A_178 = arith.constant 16 : i32
      %parallel_loop3A_179 = arith.muli %parallel_loop3A_173, %parallel_loop3A_178 : i32
      %parallel_loop3A_180 = arith.index_cast %parallel_loop3A_179 : i32 to index
      %parallel_loop3A_181 = tpu.vector_load %arg10[%parallel_loop3A_180] {strides = array<i32>} : memref<3968xi32, #tpu.memory_space<vmem>>, vector<16xi32>,
      %parallel_loop3A_182 = arith.constant 10 : i32
      %parallel_loop3A_183 = vector.broadcast %parallel_loop3A_182 : i32 to vector<16xi32>
      %parallel_loop3A_184 = arith.minsi %parallel_loop3A_181, %parallel_loop3A_183 : vector<16xi32>
      %parallel_loop3A_185 = tpu.vector_load_idx %arg16[%parallel_loop3A_184] : memref<11xf32, #tpu.memory_space<vmem>>[vector<16xi32>], vector<16xf32>,
      %parallel_loop3A_186 = arith.mulf %parallel_loop3A_177, %parallel_loop3A_185 : vector<16xf32>
      %parallel_loop3A_187 = arith.mulf %parallel_loop3A_186, %div3A_22 : vector<16xf32>
      %parallel_loop3A_188 = math.exp %parallel_loop3A_187 : vector<16xf32>
      %parallel_loop3A_189 = arith.constant 1.000000e+00 : f32
      %parallel_loop3A_190 = vector.broadcast %parallel_loop3A_189 : f32 to vector<16xf32>
      %parallel_loop3A_191 = arith.addf %parallel_loop3A_188, %parallel_loop3A_190 : vector<16xf32>
      %parallel_loop3A_192 = arith.divf %add3A_20, %parallel_loop3A_191 : vector<16xf32>
      %parallel_loop3A_193 = arith.subf %get3A_19, %parallel_loop3A_192 : vector<16xf32>
      %parallel_loop3A_194 = arith.constant 16 : i32
      %parallel_loop3A_195 = arith.muli %parallel_loop3A_173, %parallel_loop3A_194 : i32
      %parallel_loop3A_196 = arith.index_cast %parallel_loop3A_195 : i32 to index
      %parallel_loop3A_197 = tpu.vector_load %arg13[%parallel_loop3A_196] {strides = array<i32>} : memref<3968xf32, #tpu.memory_space<vmem>>, vector<16xf32>,
      tpu.vector_store %arg13[%parallel_loop3A_196], %parallel_loop3A_193 {strides = array<i32>} : memref<3968xf32, #tpu.memory_space<vmem>>, vector<16xf32>,
    } {sc.loop_unroll_factor = 8 : i64, sc.parallel_access}
    %add3A_150 = arith.constant 23808 : i32
    %add3A_151 = arith.addi %min3A_3, %add3A_150 : i32
    %dma_start3A_152 = tpu.memref_slice %arg6[%add3A_151] : memref<1000000xf32, #tpu.memory_space<hbm>> -> memref<3968xf32, #tpu.memory_space<hbm>>
    %dma_start3A_153 = tpu.memref_slice %arg6[%add3A_151] : memref<1000000xf32, #tpu.memory_space<hbm>> -> memref<3968xf32, #tpu.memory_space<hbm>>
    tpu.enqueue_dma source(%arg13 : memref<3968xf32, #tpu.memory_space<vmem>>) target(%dma_start3A_153 : memref<3968xf32, #tpu.memory_space<hbm>>) target_semaphore(%arg24 : memref<!tpu.dma_semaphore, #tpu.memory_space<semaphore_mem>>)
    %dma_wait3A_154 = tpu.memref_slice %arg2[%add3A_121] : memref<1000000xf32, #tpu.memory_space<hbm>> -> memref<3968xf32, #tpu.memory_space<hbm>>
    %dma_wait3A_155 = tpu.memref_slice %arg2[%add3A_121] : memref<1000000xf32, #tpu.memory_space<hbm>> -> memref<3968xf32, #tpu.memory_space<hbm>>
    tpu.wait_dma2 semaphore(%arg19 : memref<!tpu.dma_semaphore, #tpu.memory_space<semaphore_mem>>) src(%dma_wait3A_155 : memref<3968xf32, #tpu.memory_space<hbm>>) dst(%arg8 : memref<3968xf32, #tpu.memory_space<vmem>>)
    %dma_wait3A_156 = tpu.memref_slice %arg3[%add3A_125] : memref<1000000xi32, #tpu.memory_space<hbm>> -> memref<3968xi32, #tpu.memory_space<hbm>>
    %dma_wait3A_157 = tpu.memref_slice %arg3[%add3A_125] : memref<1000000xi32, #tpu.memory_space<hbm>> -> memref<3968xi32, #tpu.memory_space<hbm>>
    tpu.wait_dma2 semaphore(%arg22 : memref<!tpu.dma_semaphore, #tpu.memory_space<semaphore_mem>>) src(%dma_wait3A_157 : memref<3968xi32, #tpu.memory_space<hbm>>) dst(%arg11 : memref<3968xi32, #tpu.memory_space<vmem>>)
    %dma_wait3A_158 = tpu.memref_slice %arg6[%add3A_117] : memref<1000000xf32, #tpu.memory_space<hbm>> -> memref<3968xf32, #tpu.memory_space<hbm>>
    %dma_wait3A_159 = tpu.memref_slice %arg6[%add3A_117] : memref<1000000xf32, #tpu.memory_space<hbm>> -> memref<3968xf32, #tpu.memory_space<hbm>>
    tpu.wait_dma2 semaphore(%arg25 : memref<!tpu.dma_semaphore, #tpu.memory_space<semaphore_mem>>) src(%arg14 : memref<3968xf32, #tpu.memory_space<vmem>>) dst(%dma_wait3A_159 : memref<3968xf32, #tpu.memory_space<hbm>>)
    %parallel_loop3A_160 = arith.constant 0 : i32
    %parallel_loop3A_161 = arith.constant 248 : i32
    %parallel_loop3A_162 = arith.constant 1 : i32
    scf.for %parallel_loop3A_173 = %parallel_loop3A_160 to %parallel_loop3A_161 step %parallel_loop3A_162  : i32 {
      %parallel_loop3A_174 = arith.constant 16 : i32
      %parallel_loop3A_175 = arith.muli %parallel_loop3A_173, %parallel_loop3A_174 : i32
      %parallel_loop3A_176 = arith.index_cast %parallel_loop3A_175 : i32 to index
      %parallel_loop3A_177 = tpu.vector_load %arg8[%parallel_loop3A_176] {strides = array<i32>} : memref<3968xf32, #tpu.memory_space<vmem>>, vector<16xf32>,
      %parallel_loop3A_178 = arith.constant 16 : i32
      %parallel_loop3A_179 = arith.muli %parallel_loop3A_173, %parallel_loop3A_178 : i32
      %parallel_loop3A_180 = arith.index_cast %parallel_loop3A_179 : i32 to index
      %parallel_loop3A_181 = tpu.vector_load %arg11[%parallel_loop3A_180] {strides = array<i32>} : memref<3968xi32, #tpu.memory_space<vmem>>, vector<16xi32>,
      %parallel_loop3A_182 = arith.constant 10 : i32
      %parallel_loop3A_183 = vector.broadcast %parallel_loop3A_182 : i32 to vector<16xi32>
      %parallel_loop3A_184 = arith.minsi %parallel_loop3A_181, %parallel_loop3A_183 : vector<16xi32>
      %parallel_loop3A_185 = tpu.vector_load_idx %arg16[%parallel_loop3A_184] : memref<11xf32, #tpu.memory_space<vmem>>[vector<16xi32>], vector<16xf32>,
      %parallel_loop3A_186 = arith.mulf %parallel_loop3A_177, %parallel_loop3A_185 : vector<16xf32>
      %parallel_loop3A_187 = arith.mulf %parallel_loop3A_186, %div3A_22 : vector<16xf32>
      %parallel_loop3A_188 = math.exp %parallel_loop3A_187 : vector<16xf32>
      %parallel_loop3A_189 = arith.constant 1.000000e+00 : f32
      %parallel_loop3A_190 = vector.broadcast %parallel_loop3A_189 : f32 to vector<16xf32>
      %parallel_loop3A_191 = arith.addf %parallel_loop3A_188, %parallel_loop3A_190 : vector<16xf32>
      %parallel_loop3A_192 = arith.divf %add3A_20, %parallel_loop3A_191 : vector<16xf32>
      %parallel_loop3A_193 = arith.subf %get3A_19, %parallel_loop3A_192 : vector<16xf32>
      %parallel_loop3A_194 = arith.constant 16 : i32
      %parallel_loop3A_195 = arith.muli %parallel_loop3A_173, %parallel_loop3A_194 : i32
      %parallel_loop3A_196 = arith.index_cast %parallel_loop3A_195 : i32 to index
      %parallel_loop3A_197 = tpu.vector_load %arg14[%parallel_loop3A_196] {strides = array<i32>} : memref<3968xf32, #tpu.memory_space<vmem>>, vector<16xf32>,
      tpu.vector_store %arg14[%parallel_loop3A_196], %parallel_loop3A_193 {strides = array<i32>} : memref<3968xf32, #tpu.memory_space<vmem>>, vector<16xf32>,
    } {sc.loop_unroll_factor = 8 : i64, sc.parallel_access}
    %add3A_163 = arith.constant 27776 : i32
    %add3A_164 = arith.addi %min3A_3, %add3A_163 : i32
    %dma_start3A_165 = tpu.memref_slice %arg6[%add3A_164] : memref<1000000xf32, #tpu.memory_space<hbm>> -> memref<3968xf32, #tpu.memory_space<hbm>>
    %dma_start3A_166 = tpu.memref_slice %arg6[%add3A_164] : memref<1000000xf32, #tpu.memory_space<hbm>> -> memref<3968xf32, #tpu.memory_space<hbm>>
    tpu.enqueue_dma source(%arg14 : memref<3968xf32, #tpu.memory_space<vmem>>) target(%dma_start3A_166 : memref<3968xf32, #tpu.memory_space<hbm>>) target_semaphore(%arg25 : memref<!tpu.dma_semaphore, #tpu.memory_space<semaphore_mem>>)
    %dma_wait3A_167 = tpu.memref_slice %arg6[%add3A_138] : memref<1000000xf32, #tpu.memory_space<hbm>> -> memref<3968xf32, #tpu.memory_space<hbm>>
    %dma_wait3A_168 = tpu.memref_slice %arg6[%add3A_138] : memref<1000000xf32, #tpu.memory_space<hbm>> -> memref<3968xf32, #tpu.memory_space<hbm>>
    tpu.wait_dma2 semaphore(%arg26 : memref<!tpu.dma_semaphore, #tpu.memory_space<semaphore_mem>>) src(%arg15 : memref<3968xf32, #tpu.memory_space<vmem>>) dst(%dma_wait3A_168 : memref<3968xf32, #tpu.memory_space<hbm>>)
    %dma_wait3A_169 = tpu.memref_slice %arg6[%add3A_151] : memref<1000000xf32, #tpu.memory_space<hbm>> -> memref<3968xf32, #tpu.memory_space<hbm>>
    %dma_wait3A_170 = tpu.memref_slice %arg6[%add3A_151] : memref<1000000xf32, #tpu.memory_space<hbm>> -> memref<3968xf32, #tpu.memory_space<hbm>>
    tpu.wait_dma2 semaphore(%arg24 : memref<!tpu.dma_semaphore, #tpu.memory_space<semaphore_mem>>) src(%arg13 : memref<3968xf32, #tpu.memory_space<vmem>>) dst(%dma_wait3A_170 : memref<3968xf32, #tpu.memory_space<hbm>>)
    %dma_wait3A_171 = tpu.memref_slice %arg6[%add3A_164] : memref<1000000xf32, #tpu.memory_space<hbm>> -> memref<3968xf32, #tpu.memory_space<hbm>>
    %dma_wait3A_172 = tpu.memref_slice %arg6[%add3A_164] : memref<1000000xf32, #tpu.memory_space<hbm>> -> memref<3968xf32, #tpu.memory_space<hbm>>
    tpu.wait_dma2 semaphore(%arg25 : memref<!tpu.dma_semaphore, #tpu.memory_space<semaphore_mem>>) src(%arg14 : memref<3968xf32, #tpu.memory_space<vmem>>) dst(%dma_wait3A_172 : memref<3968xf32, #tpu.memory_space<hbm>>)
    return
  }
}

</mosaic_0001>

<sc_bundles>
// kernel: kernel.3.cloned.1.call-start
scs
__scs_entry_jumppad:
0x0: {  	(pc) =	sbr.rel $0x88, $3  }
0x1: {  	(tag) =	ssettag $0x0;
	lr =	simm.s32 $0x1  }
0x2: {  	[smem:$0x3F9D] =	sst lr;
	_ =	strace $0xD0000000  }
0x3: {  	_ = 	snop  }
0x4: {  	_ = 	snop  }
0x5: {  	_ = 	snop  }
0x6: {  	_ = 	snop  }
0x7: {  	_ = 	snop  }
__scs_overlays_trampoline_lowered:
0x8: {  	[smem:$0x3FAC] =	sst s0  }
0x9: {  	[smem:$0x3FAD] =	sst s1  }
0xa: {  	[smem:$0x3FAE] =	sst s2  }
0xb: {  	[smem:$0x3FAF] =	sst s3  }
0xc: {  	[smem:$0x3FB0] =	sst s4  }
0xd: {  	[smem:$0x3FB1] =	sst s5  }
0xe: {  	[smem:$0x3FB2] =	sst s6  }
0xf: {  	[smem:$0x3FB3] =	sst s7  }
0x10: {  	[smem:$0x3FB4] =	sst s8  }
0x11: {  	[smem:$0x3FB5] =	sst s9;
	s0 =	simm.s32 @!p0 $0x0  }
0x12: {  	s1 =	sld [smem:$0x3F9B];
	s0 =	simm.s32 @p0 $0x1  }
0x13: {  	[smem:$0x3FB6] =	sst s0;
	s0 =	simm.s32 @!p1 $0x0  }
0x14: {  	s2 =	sld [smem:$0x3F9A];
	s0 =	simm.s32 @p1 $0x1  }
0x15: {  	[smem:$0x3FB7] =	sst s0;
	s0 =	simm.s32 @!p2 $0x0  }
0x16: {  	s3 =	sld [smem:$0x3FDB];
	s0 =	simm.s32 @p2 $0x1  }
0x17: {  	s4 =	simm.s32 $0x1BF5;
	[smem:$0x3FB9] =	sst s0  }
0x18: {  	s0 =	sld [smem:$0x3F9C];
	_ =	swait.ge [sflag:s4], $0x0  }
0x19: {  	s7 =	sld [smem:$0x3F9D]  }
0x1a: {  	s8 =	sadd.s32 $0xFFFFE003, lr  }
0x1b: {  	s9 =	sadd.s32 $0xFFFFFEF7, lr;
	s5 =	simm.s32 $0xFFFFFFFF;
	p2 =	slt.u32 s8, $0xFFFFF086  }
0x1c: {  	p1 =	slt.u32 s9, $0xF7A;
	s5 =	simm.s32 @!p2 $0x0  }
0x1d: {  	s5 =	simm.s32 @p1 $0x1;
	p0 =	seq.s32 s7, s2  }
0x1e: {  	s7 =	smul.u32 @!p0 $0xF7A, s2;
	p2 =	seq.s32 @!p0 s5, $0x0  }
0x1f: {  	s9 =	smul.u32 $0xF7A, s1;
	s8 =	simm.s32 @!p0 $0x1BF5;
	p2 =	por !p2, p0  }
0x20: {  	[sflag:s8] =	ssyncset.s32 @!p0 $0xFFFFF086;
	s6 =	sadd.s32 @!p0 s3, s7;
	s7 =	simm.s32 @!p0 $0x108  }
0x21: {  	s3 =	sadd.s32 s3, s9;
	s6 =	sadd.s32 @!p0 $0x88, s6;
	s7 =	simm.s32 @p2 $0x1082  }
0x22: {  	[simem:s7], [sflag:s8] =	dma.local @!p0 [hbm:s6], $0xF7A  }
0x23: {  	s9 =	sor.u32 $0xD0000000, s2;
	s6 =	simm.s32 $0x108;
	_ =	swait.ge @!p0 [sflag:s8], $0x0  }
0x24: {  	s3 =	sadd.s32 $0x88, s3;
	s6 =	simm.s32 @!p1 $0x1082;
	[sflag:s4] =	ssyncset.s32 $0xFFFFF086  }
0x25: {  	[simem:s6], [sflag:s4] =	dma.local [hbm:s3], $0xF7A  }
0x26: {  	[smem:$0x3F9D] =	sst s1;
	(tag) =	ssettag s2;
	_ =	strace s9  }
0x27: {  	s1 =	sld [smem:$0x3FAD]  }
0x28: {  	s2 =	sld [smem:$0x3FAE]  }
0x29: {  	s4 =	sld [smem:$0x3FB0]  }
0x2a: {  	p0 =	seq.s32 s5, $0x0;
	s5 =	sld [smem:$0x3FB1]  }
0x2b: {  	s6 =	sld [smem:$0x3FB2]  }
0x2c: {  	s7 =	sld [smem:$0x3FB3]  }
0x2d: {  	s3 =	simm.s32 $0x108;
	s8 =	sld [smem:$0x3FB4]  }
0x2e: {  	s3 =	simm.s32 @!p0 $0x1082;
	s9 =	sld [smem:$0x3FB5]  }
0x2f: {  	lr =	sadd.s32 s0, s3;
	s0 =	sld [smem:$0x3FAC]  }
0x30: {  	s3 =	sld [smem:$0x3FAF]  }
0x31: {  	[smem:$0x3FB8] =	sst s10  }
0x32: {  	s10 =	sld [smem:$0x3FB6];
	_ =	sdelay $0x3  }
0x33: {  	p0 =	seq.s32 s10, $0x1;
	s10 =	sld [smem:$0x3FB8];
	_ =	sdelay $0x3  }
0x34: {  	[smem:$0x3FB8] =	sst s10  }
0x35: {  	s10 =	sld [smem:$0x3FB7];
	_ =	sdelay $0x3  }
0x36: {  	p1 =	seq.s32 s10, $0x1;
	s10 =	sld [smem:$0x3FB8];
	_ =	sdelay $0x3  }
0x37: {  	[smem:$0x3FB8] =	sst s10  }
0x38: {  	s10 =	sld [smem:$0x3FB9]  }
0x39: {  	_ = 	snop;
	(pc) =	sbr.ind lr, $3  }
0x3a: {  	_ = 	snop  }
0x3b: {  	_ = 	snop  }
0x3c: {  	p2 =	seq.s32 s10, $0x1;
	s10 =	sld [smem:$0x3FB8]  }
0x3d: {  	_ =	shalt  }
0x3e: {  	_ =	shalt  }
0x3f: {  	_ =	shalt  }
0x40: {  	_ =	shalt  }
0x41: {  	_ =	shalt  }
0x42: {  	_ =	shalt  }
0x43: {  	_ =	shalt  }
0x44: {  	_ =	shalt  }
0x45: {  	_ =	shalt  }
0x46: {  	_ =	shalt  }
0x47: {  	_ =	shalt  }
0x48: {  	_ =	shalt  }
0x49: {  	_ =	shalt  }
0x4a: {  	_ =	shalt  }
0x4b: {  	_ =	shalt  }
0x4c: {  	_ =	shalt  }
0x4d: {  	_ =	shalt  }
0x4e: {  	_ =	shalt  }
0x4f: {  	_ =	shalt  }
0x50: {  	_ =	shalt  }
0x51: {  	_ =	shalt  }
0x52: {  	_ =	shalt  }
0x53: {  	_ =	shalt  }
0x54: {  	_ =	shalt  }
0x55: {  	_ =	shalt  }
0x56: {  	_ =	shalt  }
0x57: {  	_ =	shalt  }
0x58: {  	_ =	shalt  }
0x59: {  	_ =	shalt  }
0x5a: {  	_ =	shalt  }
0x5b: {  	_ =	shalt  }
0x5c: {  	_ =	shalt  }
0x5d: {  	_ =	shalt  }
0x5e: {  	_ =	shalt  }
0x5f: {  	_ =	shalt  }
0x60: {  	_ =	shalt  }
0x61: {  	_ =	shalt  }
0x62: {  	_ =	shalt  }
0x63: {  	_ =	shalt  }
0x64: {  	_ =	shalt  }
0x65: {  	_ =	shalt  }
0x66: {  	_ =	shalt  }
0x67: {  	_ =	shalt  }
0x68: {  	_ =	shalt  }
0x69: {  	_ =	shalt  }
0x6a: {  	_ =	shalt  }
0x6b: {  	_ =	shalt  }
0x6c: {  	_ =	shalt  }
0x6d: {  	_ =	shalt  }
0x6e: {  	_ =	shalt  }
0x6f: {  	_ =	shalt  }
0x70: {  	_ =	shalt  }
0x71: {  	_ =	shalt  }
0x72: {  	_ =	shalt  }
0x73: {  	_ =	shalt  }
0x74: {  	_ =	shalt  }
0x75: {  	_ =	shalt  }
0x76: {  	_ =	shalt  }
0x77: {  	_ =	shalt  }
0x78: {  	_ =	shalt  }
0x79: {  	_ =	shalt  }
0x7a: {  	_ =	shalt  }
0x7b: {  	_ =	shalt  }
0x7c: {  	_ =	shalt  }
0x7d: {  	_ =	shalt  }
0x7e: {  	_ =	shalt  }
0x7f: {  	_ =	shalt  }
0x80: {  	_ =	shalt  }
0x81: {  	_ =	shalt  }
0x82: {  	_ =	shalt  }
0x83: {  	_ =	shalt  }
0x84: {  	_ =	shalt  }
0x85: {  	_ =	shalt  }
0x86: {  	_ =	shalt  }
0x87: {  	_ =	shalt  }
.Lfunc_end0:
.L_simem_size_0:
called_computation_lowered:
.L_overlay_start_0:
0x88: {  	s2 =	sld [smem:$0x3FD9]  }
0x89: {  	s3 =	sld [smem:$0x3FFE];
	_ =	sdelay $0x1  }
0x8a: {  	s1 =	srdreg.scid  }
0x8b: {  	s0 =	sand.u32 $0x1, s1  }
0x8c: {  	s17 =	sshll.u32 s0, $0xA;
	s2 =	sadd.s32 s3, s2  }
0x8d: {  	s2 =	sadd.s32 s2, s17  }
0x8e: {  	[smem:$0x3FC4] =	sst s2  }
0x8f: {  	_ = 	snop  }
0x90: {  	s2 =	sld [smem:$0x3FC9]  }
0x91: {  	s18 =	sld [smem:$0x3FC8]  }
0x92: {  	s4 =	sld [smem:$0x3FC7]  }
0x93: {  	s5 =	sld [smem:$0x3FD0];
	(tm) =	ssettm $0x1  }
0x94: {  	s6 =	sld [smem:$0x3FFB];
	_ =	sdelay $0x3  }
0x95: {  	_ =	strace s6  }
0x96: {  	s6 =	sld [smem:$0x3FFC];
	_ =	sdelay $0x3  }
0x97: {  	_ =	strace s6  }
0x98: {  	s6 =	sld [smem:$0x3FFD];
	_ =	sdelay $0x3  }
0x99: {  	_ =	strace s6  }
0x9a: {  	_ =	strace $0x8FFFFFFF  }
0x9b: {  	s19 =	sld [smem:$0x3FDB];
	_ =	sdelay $0x1  }
0x9c: {  	s7 =	simm.s32 $_scs_section_size  }
0x9d: {  	s8 =	simm.s32 $_size__tile_overlayer_lowered;
	s9 =	simm.s32 $_tile_overlayer_lowered  }
0x9e: {  	s22 =	simm.s32 $0x1BFF;
	s21 =	sshll.u32 s9, $0x1;
	s6 =	sadd.s32 s7, s19  }
0x9f: {  	s10 =	simm.s32 $0x0;
	s20 =	sshll.u32 s8, $0x1;
	s8 =	sadd.s32 s21, s6  }
0xa0: {  	[timem:s10], [sflag:s22] =	dma.local [hbm:s8], s20  }
0xa1: {  	_ =	swait.ge [sflag:s22], s20  }
0xa2: {  	s7 =	ssub.s32 $0x0, s20;
	[sflag:s22] =	ssyncset.done $0x0  }
0xa3: {  	[sflag:s22] =	ssyncadd.s32 s7;
	_ =	sdelay $0x1  }
0xa4: {  	s23 =	simm.s32 $0x1B8B  }
0xa5: {  	_ =	swait.ge [sflag:s23], $0x1  }
0xa6: {  	[sflag:s23] =	ssyncset.done $0x0  }
0xa7: {  	s25 =	simm.s32 $0x1B8E;
	s24 =	sld [smem:$0x3FFE];
	[sflag:s23] =	ssyncadd.s32 $0xFFFFFFFF  }
0xa8: {  	s26 =	simm.s32 $execute0_lowered;
	[smem:$0x3FD2] =	sst s25  }
0xa9: {  	s8 =	sshll.u32 s26, $0x1;
	_ =	strace $0x80000046;
	[dreg:$0x1] =	wrdreg $0xFFFFFFFF  }
0xaa: {  	s28 =	simm.s32 $_size_execute0_lowered;
	s6 =	sadd.s32 s6, s8;
	[dreg:$0x0] =	wrdreg $0x0  }
0xab: {  	s8 =	sshll.u32 s28, $0x1;
	[dreg:$0x2] =	wrdreg s6  }
0xac: {  	[dreg:$0x3] =	wrdreg s8  }
0xad: {  	[dreg:$0x4] =	wrdreg $0xC0  }
0xae: {  	_ =	task [dreg:s10], $0x5FFFF  }
0xaf: {  	[dreg:$0x1] =	wrdreg $0xFFFFFFFF  }
0xb0: {  	[dreg:$0x0] =	wrdreg $0x60  }
0xb1: {  	[dreg:$0x2] =	wrdreg s2  }
0xb2: {  	[dreg:$0x3] =	wrdreg s18  }
0xb3: {  	[dreg:$0x4] =	wrdreg s4  }
0xb4: {  	[dreg:$0x5] =	wrdreg s24  }
0xb5: {  	[dreg:$0x6] =	wrdreg s5  }
0xb6: {  	[dreg:$0x7] =	wrdreg $0x9  }
0xb7: {  	_ =	task.clear_ibuf [dreg:s10], $0x8FFFF;
	_ =	strace $0x90000046  }
0xb8: {  	s29 =	simm.s32 $0x9;
	_ =	strace $0x80000048  }
0xb9: {  	_ =	swait.ge [sflag:s29], $0x1  }
0xba: {  	[sflag:s29] =	ssyncadd.s32 $0xFFFFFFFF  }
0xbb: {  	_ =	strace $0x90000048  }
0xbc: {  	_ =	sfence  }
0xbd: {  	s30 =	sld [smem:$0x0];
	_ =	sdelay $0x2  }
0xbe: {  	s31 =	sshll.u32 s1, $0xD;
	s1 =	sshrl.u32 s1, $0x2  }
0xbf: {  	s3 =	sand.u32 $0x4000, s31;
	s1 =	sadd.s32 s1, s30  }
0xc0: {  	s0 =	sor.u32 s3, s0;
	s1 =	sshll.u32 s1, $0x11  }
0xc1: {  	s0 =	sor.u32 s1, s0  }
0xc2: {  	s0 =	sadd.s32 $0x8F2B, s0  }
0xc3: {  	[sflag:s0] =	ssyncadd.remote.s32 $0x1  }
0xc4: {  	_ =	sfence.sel $0xFFFF  }
0xc5: {  	[dreg:$0x0] =	wrdreg $0xFFFFFFFF;
	(pc) =	sbr.abs _section_cstart, $3  }
0xc6: {  	[dreg:$0x1] =	wrdreg $0xFFFFFFFF  }
0xc7: {  	_ =	task.clear_ibuf [dreg:s10], $0x2FFFF;
	_ =	strace $0x9FFFFFFF  }
0xc8: {  	(tm) =	ssettm $0x7FFFFFFF  }
0xc9: {  	_ =	shalt  }
tec
execute0_lowered:
.L_overlay_start_1:
0x0: {  	(tag) =	ssettag $0x1  }
0x1: {  	s0 =	srdreg.scid;
	s1 =	stileid.u32  }
0x2: {  	s0 =	sand.u32 $0x1, s0;
	s1 =	sshll.u32 s1, $0x1  }
0x3: {  	s1 =	sor.u32 s0, s1  }
0x4: {  	s2 =	rddreg [dreg:$0x0];
	s4 =	smul.u32 $0x7C00, s1  }
0x5: {  	s3 =	rddreg [dreg:$0x1]  }
0x6: {  	s5 =	rddreg [dreg:$0x4];
	s4 =	smin.u32 s4, $0xEC640  }
0x7: {  	s24 =	rddreg [dreg:$0x3];
	s1 =	simm.s32 $0x0;
	s4 =	sshrl.u32 s4, $0x3  }
0x8: {  	[smem:$0x7FF] =	sst s1;
	s25 =	sadd.s32 s2, s4  }
0x9: {  	s31 =	simm.s32 $0x2E80;
	s7 =	sadd.s32 s3, s4;
	[dreg:$0x6] =	wrdreg s25  }
0xa: {  	s26 =	sadd.s32 $0x1F0, s4;
	s14 =	sadd.s32 s5, s4;
	[dreg:$0x7] =	wrdreg s7  }
0xb: {  	s29 =	sadd.s32 $0x400, s24;
	s10 =	sadd.s32 s2, s26;
	[dreg:$0xc] =	wrdreg s14  }
0xc: {  	s11 =	sadd.s32 $0x3E0, s4;
	s8 =	sadd.s32 s3, s26;
	[dreg:$0x8] =	wrdreg s10  }
0xd: {  	s0 =	ssub.s32 $0x2, s0;
	s12 =	sadd.s32 s2, s11;
	[dreg:$0x9] =	wrdreg s8  }
0xe: {  	s13 =	sadd.s32 $0x5D0, s4;
	s9 =	sadd.s32 s3, s11;
	[dreg:$0xa] =	wrdreg s12  }
0xf: {  	s6 =	sshrl.u32 s0, $0x1;
	s15 =	sadd.s32 s2, s13;
	[dreg:$0xb] =	wrdreg s9  }
0x10: {  	s0 =	ssub.s32 s0, s6;
	s16 =	sadd.s32 s3, s13;
	[dreg:$0xd] =	wrdreg s15  }
0x11: {  	s17 =	sadd.s32 $0x7C0, s4;
	s6 =	sadd.s32 s5, s26;
	[dreg:$0xe] =	wrdreg s16  }
0x12: {  	s30 =	smax.u32 s0, $0x1;
	s18 =	sadd.s32 s2, s17;
	[dreg:$0xf] =	wrdreg s6  }
0x13: {  	s0 =	simm.s32 $0x3E00;
	s19 =	sadd.s32 s3, s17;
	[dreg:$0x10] =	wrdreg s18  }
0x14: {  	s20 =	sadd.s32 $0x9B0, s4;
	s7 =	sadd.s32 s5, s11;
	[dreg:$0x11] =	wrdreg s19  }
0x15: {  	s22 =	sadd.s32 $0xBA0, s4;
	s21 =	sadd.s32 s2, s20;
	[dreg:$0x12] =	wrdreg s7  }
0x16: {  	s4 =	sadd.s32 $0xD90, s4;
	s23 =	sadd.s32 s2, s22;
	[dreg:$0x13] =	wrdreg s21  }
0x17: {  	s2 =	sadd.s32 s2, s4;
	s25 =	sadd.s32 s3, s20;
	[dreg:$0x15] =	wrdreg s23  }
0x18: {  	s26 =	sadd.s32 s3, s22;
	s3 =	sadd.s32 s3, s4;
	[dreg:$0x17] =	wrdreg s2  }
0x19: {  	s28 =	sadd.s32 s5, s4;
	s4 =	simm.s32 $0x1;
	[dreg:$0x18] =	wrdreg s25  }
0x1a: {  	s11 =	simm.s32 $0x6;
	s14 =	simm.s32 $0x9;
	[dreg:$0x19] =	wrdreg s26  }
0x1b: {  	s8 =	sadd.s32 s5, s13;
	s6 =	sadd.s32 s5, s17;
	[dreg:$0x1a] =	wrdreg s3  }
0x1c: {  	s25 =	sadd.s32 s5, s20;
	s26 =	sadd.s32 s5, s22;
	s20 =	simm.s32 $0x8B80  }
0x1d: {  	s21 =	simm.s32 $0xF80;
	s2 =	simm.s32 $0xA;
	s3 =	simm.s32 $0xB  }
0x1e: {  	s5 =	simm.s32 $0x4;
	s7 =	simm.s32 $0x2;
	s9 =	simm.s32 $0x6C80  }
0x1f: {  	s10 =	simm.s32 $0x3;
	s12 =	simm.s32 $0x7;
	[dreg:$0x14] =	wrdreg s8  }
0x20: {  	s13 =	simm.s32 $0x8;
	s15 =	simm.s32 $0x0;
	[dreg:$0x16] =	wrdreg s6  }
0x21: {  	s6 =	simm.s32 $0x5D00;
	s8 =	simm.s32 $0x5;
	_ =	strace $0x80000047  }
.LBB2_1:
0x22: {  	s16 =	rddreg [dreg:$0x6]  }
0x23: {  	[tilespmem:s1], [sflag:$0x1] =	stream.linear.gather [hbm4b:s16+s1], $0xF80, $0x38;
	[tilespmem:$0x8C80] =	vst v63  }
0x24: {  	s19 =	rddreg [dreg:$0x7]  }
0x25: {  	[tilespmem:s31], [sflag:$0x4] =	stream.linear.gather [hbm4b:s19+s1], $0xF80, $0x38;
	[tilespmem:$0x8C80] =	vst v63  }
0x26: {  	s22 =	rddreg [dreg:$0x2]  }
0x27: {  	[tilespmem:s20], [sflag:$0xA] =	stream.linear.gather [hbm4b:s22+s1], $0x80, $0x38;
	[tilespmem:$0x8C80] =	vst v63  }
0x28: {  	s23 =	simm.s32 $0x8C00  }
0x29: {  	[tilespmem:s23], [sflag:$0xB] =	stream.linear.gather [hbm4b:s29+s1], $0x80, $0x38;
	[tilespmem:$0x8C80] =	vst v63  }
0x2a: {  	s24 =	rddreg [dreg:$0x8]  }
0x2b: {  	[tilespmem:s21], [sflag:$0x2] =	stream.linear.gather [hbm4b:s24+s1], $0xF80, $0x38;
	[tilespmem:$0x8C80] =	vst v63  }
0x2c: {  	s17 =	rddreg [dreg:$0x9]  }
0x2d: {  	[tilespmem:s0], [sflag:$0x5] =	stream.linear.gather [hbm4b:s17+s1], $0xF80, $0x38;
	[tilespmem:$0x8C80] =	vst v63  }
0x2e: {  	_ =	swait.ge [sflag:s2], $0x80  }
0x2f: {  	[sflag:s2] =	ssyncset.done $0x0  }
0x30: {  	[sflag:s2] =	ssyncadd.s32 $0xFFFFFF80  }
0x31: {  	_ =	swait.ge [sflag:s3], $0x80  }
0x32: {  	[sflag:s3] =	ssyncset.done $0x0  }
0x33: {  	[sflag:s3] =	ssyncadd.s32 $0xFFFFFF80  }
0x34: {  	v0 =	vld [tilespmem:$0x8C00];
	_ =	sdelay $0x4  }
0x35: {  	(erf) = vrcp.f32 v0;
	_ =	sdelay $0x5  }
0x36: {  	s17 =	simm.s32 $0x1F00;
	s18 =	rddreg [dreg:$0xa]  }
0x37: {  	[tilespmem:s17], [sflag:$0x3] =	stream.linear.gather [hbm4b:s18+s1], $0xF80, $0x38;
	[tilespmem:$0x8C80] =	vst v63  }
0x38: {  	s22 =	simm.s32 $0x4D80;
	s19 =	rddreg [dreg:$0xb]  }
0x39: {  	[tilespmem:s22], [sflag:$0x6] =	stream.linear.gather [hbm4b:s19+s1], $0xF80, $0x38;
	v1 =	vpop (erf);
	[tilespmem:$0x8C80] =	vst v63  }
0x3a: {  	_ =	swait.ge [sflag:s4], $0xF80  }
0x3b: {  	[sflag:s4] =	ssyncset.done $0x0  }
0x3c: {  	[sflag:s4] =	ssyncadd.s32 $0xFFFFF080  }
0x3d: {  	_ =	swait.ge [sflag:s5], $0xF80  }
0x3e: {  	[sflag:s5] =	ssyncset.done $0x0  }
0x3f: {  	s23 =	simm.s32 $0x2EC0;
	[sflag:s5] =	ssyncadd.s32 $0xFFFFF080  }
0x40: {  	v2 =	vld [tilespmem:s23+$0xFFFFFFC0]  }
0x41: {  	v3 =	vld [tilespmem:s23+$0xFFFFFFE0]  }
0x42: {  	v4 =	vld [tilespmem:s23+$0x0]  }
0x43: {  	v5 =	vld [tilespmem:s23+$0x30]  }
0x44: {  	v6 =	vld [tilespmem:s23+$0xFFFFFFF0]  }
0x45: {  	v7 =	vld [tilespmem:s23+$0xFFFFFFD0]  }
0x46: {  	v8 =	vld [tilespmem:s23+$0x10]  }
0x47: {  	s24 =	simm.s32 $0x40;
	v9 =	vld [tilespmem:s23+$0x20]  }
0x48: {  	v10 =	vld [tilespmem:s24+$0x0]  }
0x49: {  	v12 =	vld [tilespmem:s24+$0xFFFFFFC0]  }
0x4a: {  	v14 =	vld [tilespmem:s24+$0x10]  }
0x4b: {  	v15 =	vld [tilespmem:s24+$0xFFFFFFD0]  }
0x4c: {  	v16 =	vld [tilespmem:s24+$0x30]  }
0x4d: {  	s18 =	simm.s32 $0x2F40;
	v17 =	vld [tilespmem:s24+$0x20]  }
0x4e: {  	v18 =	vld [tilespmem:s18+$0xFFFFFFE0]  }
0x4f: {  	v19 =	vld [tilespmem:s18+$0x0]  }
0x50: {  	v20 =	vld [tilespmem:s18+$0x30];
	vm0 =	vlt.s32 v2, $0xA  }
0x51: {  	v21 =	vld [tilespmem:s18+$0xFFFFFFD0];
	vm10 =	vlt.s32 v3, $0xA;
	v2 =	vnsel vm0, $0xA, v2  }
0x52: {  	v22 =	vld [tilespmem:s18+$0xFFFFFFF0];
	vm11 =	vlt.s32 v4, $0xA;
	v3 =	vnsel vm10, $0xA, v3  }
0x53: {  	v24 =	vld [tilespmem:s24+$0xFFFFFFF0];
	s23 =	simm.s32 $0x140;
	v4 =	vnsel vm11, $0xA, v4  }
0x54: {  	v25 =	vld [tilespmem:s23+$0x0];
	vm12 =	vlt.s32 v5, $0xA  }
0x55: {  	v28 =	vld [tilespmem:s23+$0xFFFFFFF0];
	vm14 =	vlt.s32 v7, $0xA;
	v5 =	vnsel vm12, $0xA, v5  }
0x56: {  	vm15 =	vlt.s32 v9, $0xA;
	v7 =	vnsel vm14, $0xA, v7;
	v11 =	vld.idx.msk [tilespmem:v2+s20+$0x0], $0xffff  }
0x57: {  	vm1 =	vlt.s32 v6, $0xA;
	vm5 =	vlt.s32 v18, $0xA;
	v9 =	vnsel vm15, $0xA, v9;
	v3 =	vld.idx.msk [tilespmem:v3+s20+$0x0], $0xffff  }
0x58: {  	vm13 =	vlt.s32 v8, $0xA;
	vm6 =	vlt.s32 v19, $0xA;
	v18 =	vnsel vm5, $0xA, v18;
	v4 =	vld.idx.msk [tilespmem:v4+s20+$0x0], $0xffff  }
0x59: {  	v19 =	vnsel vm6, $0xA, v19;
	v2 =	vnsel vm1, $0xA, v6;
	v6 =	vnsel vm13, $0xA, v8;
	v8 =	vld [tilespmem:s24+$0xFFFFFFE0]  }
0x5a: {  	v5 =	vld.idx.msk [tilespmem:v5+s20+$0x0], $0xffff  }
0x5b: {  	v7 =	vld.idx.msk [tilespmem:v7+s20+$0x0], $0xffff  }
0x5c: {  	v9 =	vld.idx.msk [tilespmem:v9+s20+$0x0], $0xffff  }
0x5d: {  	v18 =	vld.idx.msk [tilespmem:v18+s20+$0x0], $0xffff  }
0x5e: {  	v19 =	vld.idx.msk [tilespmem:v19+s20+$0x0], $0xffff  }
0x5f: {  	v13 =	vld.idx.msk [tilespmem:v2+s20+$0x0], $0xffff  }
0x60: {  	v2 =	vld [tilespmem:s18+$0xFFFFFFC0]  }
0x61: {  	vm7 =	vlt.s32 v20, $0xA;
	v6 =	vld.idx.msk [tilespmem:v6+s20+$0x0], $0xffff  }
0x62: {  	s24 =	simm.s32 $0x3040;
	v11 =	vmul.f32 v11, v12;
	v12 =	vld [tilespmem:s18+$0x20];
	v7 =	vmul.f32 v7, v15;
	v15 =	vnsel vm7, $0xA, v20  }
0x63: {  	v26 =	vld [tilespmem:s24+$0xFFFFFFC0]  }
0x64: {  	s19 =	simm.s32 $0xC0;
	v27 =	vld [tilespmem:s24+$0xFFFFFFE0];
	v3 =	vmul.f32 v3, v8  }
0x65: {  	s22 =	simm.s32 $0x2FC0;
	v8 =	vld [tilespmem:s19+$0x0];
	v4 =	vmul.f32 v4, v10;
	v5 =	vmul.f32 v5, v16;
	vm4 =	vlt.s32 v2, $0xA  }
0x66: {  	v9 =	vmul.f32 v9, v17;
	v16 =	vld [tilespmem:s22+$0xFFFFFFC0];
	v23 =	vnsel vm4, $0xA, v2;
	v2 =	vadd.f32 v1, v1  }
0x67: {  	vm11 =	vlt.s32 v12, $0xA;
	v6 =	vmul.f32 v6, v14;
	v14 =	vld.idx.msk [tilespmem:v15+s20+$0x0], $0xffff;
	v13 =	vmul.f32 v13, v24  }
0x68: {  	v15 =	vld [tilespmem:s19+$0xFFFFFFD0];
	v12 =	vnsel vm11, $0xA, v12;
	v11 =	vmul.f32 v11, v2;
	v3 =	vmul.f32 v3, v2  }
0x69: {  	vm10 =	vlt.s32 v21, $0xA;
	v1 =	vld [tilespmem:s18+$0x10];
	v7 =	vmul.f32 v7, v2;
	v4 =	vmul.f32 v4, v2  }
0x6a: {  	v21 =	vnsel vm10, $0xA, v21;
	v5 =	vmul.f32 v5, v2;
	v10 =	vmul.f32 $1.442695020e+00, v11;
	v11 =	vld [tilespmem:s19+$0xFFFFFFC0]  }
0x6b: {  	v6 =	vmul.f32 v6, v2;
	v7 =	vmul.f32 $1.442695020e+00, v7;
	v20 =	vld.idx.msk [tilespmem:v23+s20+$0x0], $0xffff  }
0x6c: {  	v9 =	vmul.f32 v9, v2;
	v4 =	vmul.f32 $1.442695020e+00, v4;
	v23 =	vld [tilespmem:s19+$0xFFFFFFE0]  }
0x6d: {  	v13 =	vmul.f32 v13, v2;
	v12 =	vld.idx.msk [tilespmem:v12+s20+$0x0], $0xffff;
	(erf) = vpow2.f32 v7  }
0x6e: {  	v5 =	vmul.f32 $1.442695020e+00, v5;
	vm9 =	vlt.s32 v1, $0xA;
	(erf) = vpow2.f32 v4;
	v4 =	vld [tilespmem:s19+$0x10]  }
0x6f: {  	v6 =	vmul.f32 $1.442695020e+00, v6;
	v1 =	vnsel vm9, $0xA, v1;
	(erf) = vpow2.f32 v10;
	v10 =	vld.idx.msk [tilespmem:v21+s20+$0x0], $0xffff  }
0x70: {  	(erf) = vpow2.f32 v5;
	v5 =	vmul.f32 v19, v8;
	v8 =	vld [tilespmem:s19+$0x20]  }
0x71: {  	vm8 =	vlt.s32 v22, $0xA;
	v9 =	vmul.f32 $1.442695020e+00, v9;
	v17 =	vmul.f32 v18, v23;
	v18 =	vld [tilespmem:s19+$0x30]  }
0x72: {  	vm12 =	vlt.s32 v16, $0xA;
	v3 =	vmul.f32 $1.442695020e+00, v3;
	v11 =	vmul.f32 v20, v11;
	v20 =	vld [tilespmem:s22+$0xFFFFFFE0]  }
0x73: {  	v16 =	vnsel vm12, $0xA, v16;
	v13 =	vmul.f32 $1.442695020e+00, v13;
	(erf) = vpow2.f32 v6;
	v6 =	vld [tilespmem:s22+$0x0]  }
0x74: {  	v22 =	vnsel vm8, $0xA, v22;
	v1 =	vld.idx.msk [tilespmem:v1+s20+$0x0], $0xffff;
	v5 =	vmul.f32 v5, v2;
	(erf) = vpow2.f32 v3  }
0x75: {  	v3 =	vld [tilespmem:s22+$0x10];
	v11 =	vmul.f32 v11, v2;
	v17 =	vmul.f32 v17, v2  }
0x76: {  	v24 =	vld [tilespmem:s22+$0xFFFFFFD0];
	v10 =	vmul.f32 v10, v15;
	v5 =	vmul.f32 $1.442695020e+00, v5  }
0x77: {  	v15 =	vld [tilespmem:s22+$0xFFFFFFF0];
	v11 =	vmul.f32 $1.442695020e+00, v11;
	v8 =	vmul.f32 v12, v8;
	v19 =	vpop (erf);
	vm13 =	vlt.s32 v20, $0xA  }
0x78: {  	v16 =	vld.idx.msk [tilespmem:v16+s20+$0x0], $0xffff;
	v14 =	vmul.f32 v14, v18;
	v10 =	vmul.f32 v10, v2;
	vm14 =	vlt.s32 v6, $0xA;
	v21 =	vpop (erf)  }
0x79: {  	v7 =	vld.idx.msk [tilespmem:v22+s20+$0x0], $0xffff;
	v1 =	vmul.f32 v1, v4;
	v20 =	vnsel vm13, $0xA, v20;
	v6 =	vnsel vm14, $0xA, v6;
	v22 =	vpop (erf)  }
0x7a: {  	v18 =	vld [tilespmem:s22+$0x20];
	vm4 =	vlt.s32 v3, $0xA;
	v8 =	vmul.f32 v8, v2;
	v22 =	vadd.f32 $1.000000000e+00, v22  }
0x7b: {  	v4 =	vld [tilespmem:s22+$0x30];
	v21 =	vadd.f32 $1.000000000e+00, v21;
	v14 =	vmul.f32 v14, v2;
	v3 =	vnsel vm4, $0xA, v3  }
0x7c: {  	v10 =	vmul.f32 $1.442695020e+00, v10;
	vm6 =	vlt.s32 v15, $0xA;
	(erf) = vrcp.f32 v22;
	v22 =	vld [tilespmem:s19+$0xFFFFFFF0]  }
0x7d: {  	v23 =	vmul.f32 v1, v2;
	v15 =	vnsel vm6, $0xA, v15;
	(erf) = vpow2.f32 v13;
	v13 =	vld [tilespmem:s23+$0xFFFFFFC0]  }
0x7e: {  	v8 =	vmul.f32 $1.442695020e+00, v8;
	v6 =	vld.idx.msk [tilespmem:v6+s20+$0x0], $0xffff;
	(erf) = vrcp.f32 v21  }
0x7f: {  	vm5 =	vlt.s32 v24, $0xA;
	v14 =	vmul.f32 $1.442695020e+00, v14;
	v20 =	vld.idx.msk [tilespmem:v20+s20+$0x0], $0xffff;
	(erf) = vpow2.f32 v10  }
0x80: {  	v23 =	vmul.f32 $1.442695020e+00, v23;
	vm15 =	vlt.s32 v4, $0xA;
	v3 =	vld.idx.msk [tilespmem:v3+s20+$0x0], $0xffff;
	(erf) = vpow2.f32 v5  }
0x81: {  	v12 =	vpop (erf);
	v4 =	vnsel vm15, $0xA, v4;
	v5 =	vld [tilespmem:s23+$0xFFFFFFE0];
	(erf) = vpow2.f32 v11;
	v7 =	vmul.f32 v7, v22  }
0x82: {  	v24 =	vnsel vm5, $0xA, v24;
	v10 =	vpop (erf);
	v15 =	vld.idx.msk [tilespmem:v15+s20+$0x0], $0xffff;
	v13 =	vmul.f32 v16, v13;
	(erf) = vpow2.f32 v9  }
0x83: {  	vm8 =	vlt.s32 v26, $0xA;
	v16 =	vld [tilespmem:s23+$0x10];
	v9 =	vmul.f32 $1.442695020e+00, v17;
	v6 =	vmul.f32 v6, v25  }
0x84: {  	v1 =	vadd.f32 v0, v0;
	v21 =	vpop (erf);
	(erf) = vpow2.f32 v14;
	v7 =	vmul.f32 v7, v2  }
0x85: {  	vm7 =	vlt.s32 v18, $0xA;
	v22 =	vld [tilespmem:s23+$0xFFFFFFD0];
	v13 =	vmul.f32 v13, v2;
	v6 =	vmul.f32 v6, v2  }
0x86: {  	v17 =	vnsel vm7, $0xA, v18;
	v4 =	vld.idx.msk [tilespmem:v4+s20+$0x0], $0xffff;
	v11 =	vpop (erf);
	v5 =	vmul.f32 v20, v5;
	(erf) = vpow2.f32 v23  }
0x87: {  	v19 =	vadd.f32 $1.000000000e+00, v19;
	v20 =	vld.idx.msk [tilespmem:v24+s20+$0x0], $0xffff;
	v7 =	vmul.f32 $1.442695020e+00, v7;
	v28 =	vmul.f32 v15, v28  }
0x88: {  	vm9 =	vlt.s32 v27, $0xA;
	v11 =	vmul.f32 v11, v1;
	v18 =	vpop (erf);
	v3 =	vmul.f32 v3, v16;
	v16 =	vld [tilespmem:s23+$0x30]  }
0x89: {  	v10 =	vadd.f32 $1.000000000e+00, v10;
	v13 =	vmul.f32 $1.442695020e+00, v13;
	(erf) = vrcp.f32 v19;
	v14 =	vpop (erf)  }
0x8a: {  	v12 =	vadd.f32 $1.000000000e+00, v12;
	v6 =	vmul.f32 $1.442695020e+00, v6;
	(erf) = vpow2.f32 v9;
	v24 =	vpop (erf)  }
0x8b: {  	v21 =	vadd.f32 $1.000000000e+00, v21;
	v5 =	vmul.f32 v5, v2;
	(erf) = vrcp.f32 v10;
	v10 =	vld.idx.msk [tilespmem:v17+s20+$0x0], $0xffff;
	v25 =	vpop (erf)  }
0x8c: {  	v18 =	vadd.f32 $1.000000000e+00, v18;
	v23 =	vpop (erf);
	v20 =	vmul.f32 v20, v22;
	v22 =	vadd.f32 $1.000000000e+00, v25;
	v25 =	vld [tilespmem:s24+$0x0]  }
0x8d: {  	v14 =	vmul.f32 v14, v1;
	v19 =	vadd.f32 $1.000000000e+00, v23;
	v23 =	vld [tilespmem:s24+$0x30];
	v4 =	vmul.f32 v4, v16  }
0x8e: {  	v11 =	vsub.f32 v0, v11;
	v17 =	vld [tilespmem:s24+$0xFFFFFFF0];
	v3 =	vmul.f32 v3, v2;
	v16 =	vmul.f32 v20, v2  }
0x8f: {  	v20 =	vnsel vm8, $0xA, v26;
	v26 =	vld [tilespmem:s24+$0x10];
	(erf) = vrcp.f32 v19;
	v4 =	vmul.f32 v4, v2  }
0x90: {  	v14 =	vsub.f32 v0, v14;
	v9 =	vpop (erf);
	v30 =	vmul.f32 $1.442695020e+00, v3;
	v19 =	vld [tilespmem:s23+$0x20];
	(erf) = vrcp.f32 v21  }
0x91: {  	v9 =	vadd.f32 $1.000000000e+00, v9;
	v16 =	vmul.f32 $1.442695020e+00, v16;
	(erf) = vrcp.f32 v12  }
0x92: {  	v21 =	vld [tilespmem:s24+$0xFFFFFFD0];
	v12 =	vnsel vm9, $0xA, v27;
	vm11 =	vlt.s32 v25, $0xA;
	vm10 =	vlt.s32 v23, $0xA  }
0x93: {  	v27 =	vld [tilespmem:s24+$0x20];
	(erf) = vpow2.f32 v7;
	v7 =	vnsel vm11, $0xA, v25;
	v25 =	vmul.f32 $1.442695020e+00, v4;
	v4 =	vpop (erf)  }
0x94: {  	s22 =	simm.s32 $0x1C0;
	vm12 =	vlt.s32 v17, $0xA;
	v20 =	vld.idx.msk [tilespmem:v20+s20+$0x0], $0xffff;
	(erf) = vrcp.f32 v9;
	v9 =	vnsel vm10, $0xA, v23;
	v23 =	vpop (erf)  }
0x95: {  	vm13 =	vlt.s32 v26, $0xA;
	v10 =	vmul.f32 v10, v19;
	v19 =	vld [tilespmem:s22+$0xFFFFFFC0];
	(erf) = vrcp.f32 v18;
	v18 =	vpop (erf)  }
0x96: {  	v31 =	vld [tilespmem:s22+$0x0];
	v29 =	vnsel vm12, $0xA, v17;
	v26 =	vnsel vm13, $0xA, v26;
	(erf) = vrcp.f32 v22;
	v22 =	vpop (erf)  }
0x97: {  	v34 =	vld [tilespmem:s22+$0x10];
	vm14 =	vlt.s32 v21, $0xA;
	v10 =	vmul.f32 v10, v2;
	(erf) = vpow2.f32 v16;
	v16 =	vpop (erf)  }
0x98: {  	v12 =	vld.idx.msk [tilespmem:v12+s20+$0x0], $0xffff;
	v21 =	vnsel vm14, $0xA, v21;
	v18 =	vmul.f32 v18, v1;
	(erf) = vpow2.f32 v6;
	v17 =	vpop (erf)  }
0x99: {  	vm15 =	vlt.s32 v27, $0xA;
	v6 =	vld [tilespmem:s22+$0xFFFFFFE0];
	(erf) = vpow2.f32 v13;
	v13 =	vmul.f32 v17, v1  }
0x9a: {  	v23 =	vadd.f32 $1.000000000e+00, v23;
	v32 =	vld.idx.msk [tilespmem:v7+s20+$0x0], $0xffff;
	v3 =	vmul.f32 $1.442695020e+00, v10;
	v7 =	vmul.f32 v20, v19  }
0x9b: {  	v27 =	vnsel vm15, $0xA, v27;
	v36 =	vld.idx.msk [tilespmem:v26+s20+$0x0], $0xffff;
	v16 =	vmul.f32 v16, v1;
	v20 =	vmul.f32 $1.442695020e+00, v5;
	v10 =	vpop (erf)  }
0x9c: {  	s19 =	simm.s32 $0x5D40;
	v15 =	vadd.f32 $1.000000000e+00, v22;
	(erf) = vpow2.f32 v8;
	v19 =	vmul.f32 v10, v1;
	v10 =	vld.idx.msk [tilespmem:v9+s20+$0x0], $0xffff;
	v9 =	vpop (erf)  }
0x9d: {  	[tilespmem:s19+$0xFFFFFFC0] =	vst v11;
	(erf) = vpow2.f32 v25;
	v33 =	vsub.f32 v0, v13;
	v35 =	vmul.f32 v9, v1;
	v13 =	vpop (erf)  }
0x9e: {  	[tilespmem:s19+$0x0] =	vst v14;
	v22 =	vld [tilespmem:s22+$0x30];
	v5 =	vsub.f32 v0, v18;
	v9 =	vmul.f32 v7, v2;
	v12 =	vmul.f32 v12, v6;
	v6 =	vpop (erf)  }
0x9f: {  	v18 =	vmul.f32 v32, v31;
	v37 =	vsub.f32 v0, v19;
	v19 =	vld.idx.msk [tilespmem:v21+s20+$0x0], $0xffff;
	v21 =	vmul.f32 v28, v2;
	v8 =	vpop (erf)  }
0xa0: {  	s16 =	simm.s32 $0x5DC0;
	[tilespmem:s19+$0xFFFFFFD0] =	vst v5;
	v7 =	vld.idx.msk [tilespmem:v29+s20+$0x0], $0xffff;
	v31 =	vsub.f32 v0, v16;
	v9 =	vmul.f32 $1.442695020e+00, v9;
	v25 =	vmul.f32 v36, v34;
	v11 =	vpop (erf)  }
0xa1: {  	v26 =	vld [tilespmem:s22+$0xFFFFFFD0];
	[tilespmem:s16+$0xFFFFFFC0] =	vst v33;
	v16 =	vsub.f32 v0, v35;
	v29 =	vmul.f32 v6, v1;
	v14 =	vmul.f32 v8, v1;
	v6 =	vpop (erf)  }
0xa2: {  	s17 =	simm.s32 $0x5E40;
	v17 =	vadd.f32 $1.000000000e+00, v24;
	[tilespmem:s19+$0x10] =	vst v31;
	v5 =	vmul.f32 v12, v2;
	v8 =	vld.idx.msk [tilespmem:v27+s20+$0x0], $0xffff;
	v27 =	vmul.f32 v18, v2;
	v24 =	vpop (erf)  }
0xa3: {  	s18 =	simm.s32 $0x5E40;
	s23 =	simm.s32 $0x18;
	s24 =	simm.s32 $0x30C0;
	[tilespmem:s19+$0xFFFFFFE0] =	vst v37;
	v12 =	vld [tilespmem:s22+$0x20];
	v18 =	vsub.f32 v0, v29;
	v14 =	vsub.f32 v0, v14;
	v28 =	vpop (erf);
	(erf) = vpow2.f32 v30  }
.LBB2_2:
0xa4: {  	v29 =	vld [tilespmem:s24+$0xFFFFFFC0];
	s23 =	sadd.s32 $0x8, s23;
	v25 =	vmul.f32 v25, v2;
	v28 =	vadd.f32 $1.000000000e+00, v28;
	s18 =	sadd.s32 $0x80, s18;
	(erf) = vrcp.f32 v17;
	[tilespmem:s19+$0x30] =	vst v16  }
0xa5: {  	v13 =	vadd.f32 $1.000000000e+00, v13;
	v11 =	vmul.f32 v11, v1;
	v16 =	vld [tilespmem:s24+$0x30];
	p0 =	slt.u32 s23, $0xF0;
	v17 =	vmul.f32 $1.442695020e+00, v27;
	v27 =	vpop (erf);
	[tilespmem:s19+$0x20] =	vst v18  }
0xa6: {  	v24 =	vadd.f32 $1.000000000e+00, v24;
	v18 =	vld [tilespmem:s24+$0xFFFFFFE0];
	v19 =	vmul.f32 v19, v26;
	(erf) = vpow2.f32 v20;
	[tilespmem:s19+$0xFFFFFFF0] =	vst v14;
	s19 =	smov.u32 s16;
	s16 =	smov.u32 s17;
	s17 =	smov.u32 s18  }
0xa7: {  	v14 =	vld [tilespmem:s24+$0x0];
	v10 =	vmul.f32 v10, v22;
	v20 =	vpop (erf);
	v22 =	vadd.f32 $1.000000000e+00, v27;
	(erf) = vrcp.f32 v23  }
0xa8: {  	v26 =	vadd.f32 $1.000000000e+00, v4;
	v23 =	vld [tilespmem:s24+$0xFFFFFFD0];
	v19 =	vmul.f32 v19, v2;
	(erf) = vrcp.f32 v28;
	v4 =	vmovc v20  }
0xa9: {  	v30 =	vmul.f32 $1.442695020e+00, v21;
	vm0 =	vlt.s32 v29, $0xA;
	v20 =	vld [tilespmem:s24+$0xFFFFFFF0];
	v10 =	vmul.f32 v10, v2  }
0xaa: {  	v27 =	vnsel vm0, $0xA, v29;
	v28 =	vld [tilespmem:s24+$0x10];
	v19 =	vmul.f32 $1.442695020e+00, v19;
	(erf) = vrcp.f32 v15  }
0xab: {  	vm1 =	vlt.s32 v16, $0xA;
	vm0 =	vlt.s32 v18, $0xA;
	v15 =	vld [tilespmem:s24+$0x20];
	(erf) = vrcp.f32 v26  }
0xac: {  	v18 =	vnsel vm0, $0xA, v18;
	vm0 =	vlt.s32 v14, $0xA;
	(erf) = vpow2.f32 v30;
	v21 =	vpop (erf)  }
0xad: {  	v29 =	vmul.f32 $1.442695020e+00, v10;
	v14 =	vnsel vm0, $0xA, v14;
	v26 =	vld [tilespmem:s22+$0xFFFFFFF0];
	s22 =	sadd.s32 $0x80, s22;
	v30 =	vpop (erf);
	(erf) = vrcp.f32 v22  }
0xae: {  	v31 =	vsub.f32 v0, v11;
	v10 =	vnsel vm1, $0xA, v16;
	vm0 =	vlt.s32 v20, $0xA;
	v22 =	vld [tilespmem:s22+$0x0]  }
0xaf: {  	v8 =	vmul.f32 v8, v12;
	v16 =	vld.idx.msk [tilespmem:v27+s20+$0x0], $0xffff;
	vm1 =	vlt.s32 v28, $0xA;
	v12 =	vpop (erf);
	(erf) = vrcp.f32 v13  }
0xb0: {  	v20 =	vnsel vm0, $0xA, v20;
	v13 =	vld [tilespmem:s22+$0xFFFFFFC0];
	v27 =	vnsel vm1, $0xA, v28;
	(erf) = vrcp.f32 v24;
	[tilespmem:s19+$0x0] =	vst v31;
	v11 =	vpop (erf)  }
0xb1: {  	v8 =	vmul.f32 v8, v2;
	vm0 =	vlt.s32 v15, $0xA;
	v18 =	vld.idx.msk [tilespmem:v18+s20+$0x0], $0xffff;
	(erf) = vpow2.f32 v19;
	v19 =	vpop (erf)  }
0xb2: {  	vm1 =	vlt.s32 v23, $0xA;
	v31 =	vmul.f32 $1.442695020e+00, v25;
	v14 =	vld.idx.msk [tilespmem:v14+s20+$0x0], $0xffff;
	(erf) = vpow2.f32 v17  }
0xb3: {  	v8 =	vmul.f32 $1.442695020e+00, v8;
	v23 =	vnsel vm1, $0xA, v23;
	v17 =	vmul.f32 v19, v1;
	v24 =	vld [tilespmem:s22+$0xFFFFFFE0];
	v19 =	vpop (erf)  }
0xb4: {  	v15 =	vnsel vm0, $0xA, v15;
	v10 =	vld.idx.msk [tilespmem:v10+s20+$0x0], $0xffff;
	(erf) = vpow2.f32 v9;
	v9 =	vmul.f32 v30, v1;
	v25 =	vpop (erf)  }
0xb5: {  	v28 =	vmul.f32 v19, v1;
	v16 =	vmul.f32 v16, v13;
	v30 =	vld.idx.msk [tilespmem:v20+s20+$0x0], $0xffff;
	v20 =	vsub.f32 v0, v17;
	v13 =	vpop (erf)  }
0xb6: {  	v7 =	vmul.f32 v7, v26;
	v17 =	vadd.f32 $1.000000000e+00, v6;
	v33 =	vmul.f32 v25, v1;
	v32 =	vld [tilespmem:s22+$0x10];
	v25 =	vpop (erf)  }
0xb7: {  	v16 =	vmul.f32 v16, v2;
	v27 =	vld.idx.msk [tilespmem:v27+s20+$0x0], $0xffff;
	[tilespmem:s16+$0xFFFFFFC0] =	vst v20;
	(erf) = vpow2.f32 v3;
	v3 =	vmov v8  }
0xb8: {  	v34 =	vmul.f32 v11, v1;
	v28 =	vsub.f32 v0, v28;
	v19 =	vld.idx.msk [tilespmem:v23+s20+$0x0], $0xffff;
	v18 =	vmul.f32 v18, v24;
	v23 =	vpop (erf)  }
0xb9: {  	v20 =	vmul.f32 $1.442695020e+00, v5;
	v5 =	vsub.f32 v0, v9;
	v8 =	vld.idx.msk [tilespmem:v15+s20+$0x0], $0xffff;
	(erf) = vpow2.f32 v29;
	v11 =	vpop (erf)  }
.Ltmp0:
0xba: {  	v29 =	vmul.f32 v14, v22;
	v15 =	vadd.f32 $1.000000000e+00, v12;
	v12 =	vmul.f32 v23, v1;
	v6 =	vpop (erf);
	(pc) =	sbr.rel @p0 .LBB2_2-.Ltmp0, $4  }
0xbb: {  	v35 =	vmul.f32 v25, v1;
	v9 =	vmul.f32 $1.442695020e+00, v16;
	v23 =	vadd.f32 $1.000000000e+00, v21;
	v24 =	vpop (erf);
	[tilespmem:s19+$0xFFFFFFD0] =	vst v5  }
0xbc: {  	v34 =	vsub.f32 v0, v34;
	v21 =	vmul.f32 v7, v2;
	v5 =	vmul.f32 v18, v2;
	v26 =	vld [tilespmem:s22+$0xFFFFFFD0];
	[tilespmem:s19+$0xFFFFFFE0] =	vst v28  }
0xbd: {  	v16 =	vsub.f32 v0, v33;
	v14 =	vsub.f32 v0, v12;
	v25 =	vmul.f32 v27, v32;
	v22 =	vld [tilespmem:s22+$0x30];
	v28 =	vpop (erf)  }
0xbe: {  	s24 =	sadd.s32 $0x80, s24;
	v7 =	vmovc v30;
	v18 =	vsub.f32 v0, v35;
	v27 =	vmul.f32 v29, v2;
	v12 =	vld [tilespmem:s22+$0x20];
	(erf) = vpow2.f32 v31;
	[tilespmem:s19+$0x10] =	vst v34  }
0xbf: {  	(erf) = vrcp.f32 v17;
	v17 =	vadd.f32 $1.000000000e+00, v28;
	_ =	sdelay $0x1  }
0xc0: {  	(erf) = vpow2.f32 v20  }
0xc1: {  	(erf) = vrcp.f32 v23  }
0xc2: {  	v4 =	vadd.f32 $1.000000000e+00, v4;
	v19 =	vmul.f32 v19, v26;
	(erf) = vrcp.f32 v17;
	v17 =	vpop (erf)  }
0xc3: {  	v20 =	vmul.f32 $1.442695020e+00, v21;
	(erf) = vrcp.f32 v15;
	v15 =	vadd.f32 $1.000000000e+00, v17  }
0xc4: {  	(erf) = vrcp.f32 v4;
	v4 =	vadd.f32 $1.000000000e+00, v13;
	v13 =	vmul.f32 v19, v2  }
0xc5: {  	v17 =	vadd.f32 $1.000000000e+00, v24;
	(erf) = vpow2.f32 v20  }
0xc6: {  	v19 =	vpop (erf);
	(erf) = vrcp.f32 v15;
	v13 =	vmul.f32 $1.442695020e+00, v13  }
0xc7: {  	v15 =	vpop (erf);
	(erf) = vrcp.f32 v4;
	v4 =	vmul.f32 $1.442695020e+00, v27  }
0xc8: {  	v20 =	vpop (erf);
	(erf) = vrcp.f32 v17  }
0xc9: {  	v17 =	vpop (erf);
	(erf) = vpow2.f32 v13  }
0xca: {  	v13 =	vpop (erf);
	(erf) = vpow2.f32 v4  }
0xcb: {  	v4 =	vpop (erf);
	(erf) = vpow2.f32 v9;
	v9 =	vmul.f32 v10, v22  }
0xcc: {  	v10 =	vpop (erf)  }
0xcd: {  	v21 =	vpop (erf);
	v9 =	vmul.f32 v9, v2  }
0xce: {  	v23 =	vmul.f32 v25, v2;
	v22 =	vpop (erf)  }
0xcf: {  	v25 =	vpop (erf);
	(erf) = vpow2.f32 v3;
	v3 =	vmul.f32 $1.442695020e+00, v9  }
0xd0: {  	v24 =	vld [tilespmem:s22+$0xFFFFFFF0]  }
0xd1: {  	v23 =	vmul.f32 $1.442695020e+00, v23;
	v9 =	vpop (erf)  }
0xd2: {  	v26 =	vpop (erf)  }
0xd3: {  	v6 =	vadd.f32 $1.000000000e+00, v6;
	(erf) = vpow2.f32 v3;
	v3 =	vpop (erf)  }
0xd4: {  	v5 =	vmul.f32 $1.442695020e+00, v5;
	(erf) = vpow2.f32 v23;
	v27 =	vpop (erf)  }
0xd5: {  	v7 =	vmul.f32 v7, v24;
	v15 =	vadd.f32 $1.000000000e+00, v15;
	(erf) = vrcp.f32 v6;
	v23 =	vpop (erf)  }
0xd6: {  	(erf) = vpow2.f32 v5;
	v6 =	vadd.f32 $1.000000000e+00, v23  }
0xd7: {  	v7 =	vmul.f32 v7, v2;
	v5 =	vadd.f32 $1.000000000e+00, v17;
	(erf) = vrcp.f32 v15  }
0xd8: {  	v8 =	vmul.f32 v8, v12;
	(erf) = vrcp.f32 v6;
	v6 =	vadd.f32 $1.000000000e+00, v19  }
0xd9: {  	v7 =	vmul.f32 $1.442695020e+00, v7;
	(erf) = vrcp.f32 v5  }
0xda: {  	v12 =	vpop (erf);
	(erf) = vrcp.f32 v6;
	v6 =	vmul.f32 v8, v2  }
0xdb: {  	v5 =	vadd.f32 $1.000000000e+00, v12;
	v8 =	vadd.f32 $1.000000000e+00, v22  }
0xdc: {  	(erf) = vpow2.f32 v7;
	v7 =	vadd.f32 $1.000000000e+00, v27  }
0xdd: {  	v12 =	vpop (erf);
	(erf) = vrcp.f32 v5  }
0xde: {  	v5 =	vmul.f32 $1.442695020e+00, v6;
	v6 =	vpop (erf);
	(erf) = vrcp.f32 v8  }
0xdf: {  	v8 =	vpop (erf);
	(erf) = vrcp.f32 v7  }
0xe0: {  	v4 =	vmul.f32 v4, v1;
	v7 =	vpop (erf);
	(erf) = vpow2.f32 v5  }
0xe1: {  	[tilespmem:s19+$0x30] =	vst v16;
	v16 =	vmul.f32 v20, v1;
	v5 =	vmul.f32 v11, v1;
	v11 =	vpop (erf)  }
0xe2: {  	[tilespmem:s19+$0xFFFFFFF0] =	vst v14;
	v4 =	vsub.f32 v0, v4;
	v15 =	vpop (erf)  }
0xe3: {  	[tilespmem:s19+$0x20] =	vst v18;
	v13 =	vmul.f32 v13, v1;
	v9 =	vmul.f32 v9, v1;
	v5 =	vsub.f32 v0, v5;
	v17 =	vpop (erf)  }
0xe4: {  	v10 =	vmul.f32 v10, v1;
	v14 =	vmul.f32 v21, v1;
	[tilespmem:s17+$0xFFFFFFC0] =	vst v4;
	v3 =	vadd.f32 $1.000000000e+00, v3;
	v18 =	vpop (erf)  }
0xe5: {  	v4 =	vmul.f32 v25, v1;
	v6 =	vadd.f32 $1.000000000e+00, v6;
	[tilespmem:s16+$0x0] =	vst v5;
	v5 =	vsub.f32 v0, v16;
	v16 =	vpop (erf)  }
0xe6: {  	v10 =	vsub.f32 v0, v10;
	v7 =	vadd.f32 $1.000000000e+00, v7;
	(erf) = vrcp.f32 v3;
	v19 =	vpop (erf)  }
0xe7: {  	v4 =	vsub.f32 v0, v4;
	(erf) = vrcp.f32 v6;
	[tilespmem:s16+$0xFFFFFFD0] =	vst v5;
	v5 =	vsub.f32 v0, v9;
	v9 =	vpop (erf)  }
0xe8: {  	[tilespmem:s16+$0xFFFFFFE0] =	vst v10;
	v3 =	vsub.f32 v0, v14;
	(erf) = vrcp.f32 v7;
	v7 =	vmul.f32 v15, v1;
	v14 =	vpop (erf)  }
0xe9: {  	v10 =	vmul.f32 v26, v1;
	[tilespmem:s16+$0x20] =	vst v4;
	v12 =	vadd.f32 $1.000000000e+00, v12;
	v4 =	vmul.f32 v8, v1;
	v6 =	vpop (erf)  }
0xea: {  	[tilespmem:s16+$0xFFFFFFF0] =	vst v5;
	v5 =	vsub.f32 v0, v7;
	v7 =	vmul.f32 v17, v1;
	v6 =	vadd.f32 $1.000000000e+00, v6  }
0xeb: {  	s18 =	sadd.s32 $0x80, s18;
	[tilespmem:s16+$0x30] =	vst v3;
	v3 =	vsub.f32 v0, v10;
	v8 =	vadd.f32 $1.000000000e+00, v16;
	(erf) = vrcp.f32 v12  }
0xec: {  	[tilespmem:s18+$0xFFFFFFC0] =	vst v5;
	v5 =	vsub.f32 v0, v7;
	(erf) = vrcp.f32 v6;
	v6 =	vmul.f32 v18, v1  }
0xed: {  	v4 =	vsub.f32 v0, v4;
	[tilespmem:s17+$0x0] =	vst v3;
	v3 =	vmul.f32 v11, v1;
	(erf) = vrcp.f32 v8  }
0xee: {  	v13 =	vsub.f32 v0, v13;
	[tilespmem:s17+$0xFFFFFFE0] =	vst v5;
	v5 =	vsub.f32 v0, v6  }
0xef: {  	[tilespmem:s17+$0xFFFFFFD0] =	vst v4;
	v4 =	vmul.f32 v19, v1;
	v3 =	vsub.f32 v0, v3  }
0xf0: {  	[tilespmem:s16+$0x10] =	vst v13;
	v7 =	vmul.f32 v9, v1;
	v6 =	vpop (erf)  }
0xf1: {  	[tilespmem:s17+$0x10] =	vst v3;
	v3 =	vsub.f32 v0, v4;
	v4 =	vmul.f32 v14, v1;
	v8 =	vpop (erf)  }
0xf2: {  	v7 =	vsub.f32 v0, v7;
	[tilespmem:s17+$0x30] =	vst v5;
	v6 =	vmul.f32 v6, v1;
	v5 =	vpop (erf)  }
0xf3: {  	[tilespmem:s17+$0x20] =	vst v3;
	v3 =	vsub.f32 v0, v4;
	v4 =	vmul.f32 v5, v1  }
0xf4: {  	[tilespmem:s17+$0xFFFFFFF0] =	vst v7;
	v7 =	vmul.f32 v8, v1;
	v5 =	vpop (erf);
	v6 =	vsub.f32 v0, v6  }
0xf5: {  	[tilespmem:s18+$0x0] =	vst v3;
	v3 =	vmul.f32 v5, v1;
	v5 =	vpop (erf);
	v4 =	vsub.f32 v0, v4  }
0xf6: {  	[tilespmem:s18+$0xFFFFFFD0] =	vst v6;
	v6 =	vsub.f32 v0, v7;
	v8 =	vpop (erf);
	v5 =	vmul.f32 v5, v1  }
0xf7: {  	v3 =	vsub.f32 v0, v3;
	v7 =	vmul.f32 v8, v1;
	[tilespmem:s18+$0xFFFFFFE0] =	vst v4  }
0xf8: {  	[tilespmem:s18+$0x10] =	vst v6;
	v4 =	vsub.f32 v0, v5  }
0xf9: {  	[tilespmem:s18+$0x30] =	vst v3;
	v5 =	vsub.f32 v0, v7  }
0xfa: {  	[tilespmem:s18+$0x20] =	vst v4  }
0xfb: {  	[tilespmem:s18+$0xFFFFFFF0] =	vst v5  }
0xfc: {  	s16 =	rddreg [dreg:$0xc]  }
0xfd: {  	[hbm4b:s16+s1] =	stream.linear.scatter [tilespmem:s6], [sflag:$0x7], $0xF80, $0x38;
	[tilespmem:$0x8C80] =	vst v63  }
0xfe: {  	s19 =	rddreg [dreg:$0xd]  }
0xff: {  	[tilespmem:s1], [sflag:$0x1] =	stream.linear.gather [hbm4b:s19+s1], $0xF80, $0x38;
	[tilespmem:$0x8C80] =	vst v63  }
0x100: {  	s22 =	rddreg [dreg:$0xe]  }
0x101: {  	[tilespmem:s31], [sflag:$0x4] =	stream.linear.gather [hbm4b:s22+s1], $0xF80, $0x38;
	[tilespmem:$0x8C80] =	vst v63  }
0x102: {  	_ =	swait.ge [sflag:s7], $0xF80  }
0x103: {  	[sflag:s7] =	ssyncset.done $0x0  }
0x104: {  	[sflag:s7] =	ssyncadd.s32 $0xFFFFF080  }
0x105: {  	_ =	swait.ge [sflag:s8], $0xF80  }
0x106: {  	[sflag:s8] =	ssyncset.done $0x0  }
0x107: {  	s23 =	simm.s32 $0x3E40;
	[sflag:s8] =	ssyncadd.s32 $0xFFFFF080  }
0x108: {  	v3 =	vld [tilespmem:s23+$0xFFFFFFC0]  }
0x109: {  	v4 =	vld [tilespmem:s23+$0xFFFFFFE0]  }
0x10a: {  	v5 =	vld [tilespmem:s23+$0x0]  }
0x10b: {  	v6 =	vld [tilespmem:s23+$0x30]  }
0x10c: {  	v7 =	vld [tilespmem:s23+$0xFFFFFFF0]  }
0x10d: {  	v8 =	vld [tilespmem:s23+$0xFFFFFFD0]  }
0x10e: {  	v9 =	vld [tilespmem:s23+$0x10]  }
0x10f: {  	s24 =	simm.s32 $0xFC0;
	v10 =	vld [tilespmem:s23+$0x20]  }
0x110: {  	v11 =	vld [tilespmem:s24+$0x0]  }
0x111: {  	v12 =	vld [tilespmem:s24+$0xFFFFFFC0]  }
0x112: {  	v13 =	vld [tilespmem:s24+$0xFFFFFFE0]  }
0x113: {  	v14 =	vld [tilespmem:s24+$0x10]  }
0x114: {  	v15 =	vld [tilespmem:s24+$0xFFFFFFD0]  }
0x115: {  	s18 =	simm.s32 $0x3EC0;
	v16 =	vld [tilespmem:s24+$0x30]  }
0x116: {  	v17 =	vld [tilespmem:s18+$0xFFFFFFC0]  }
0x117: {  	v18 =	vld [tilespmem:s24+$0x20]  }
0x118: {  	v19 =	vld [tilespmem:s18+$0xFFFFFFE0]  }
0x119: {  	v20 =	vld [tilespmem:s18+$0x0]  }
0x11a: {  	v21 =	vld [tilespmem:s18+$0x30];
	vm0 =	vlt.s32 v3, $0xA  }
0x11b: {  	v22 =	vld [tilespmem:s18+$0xFFFFFFD0];
	vm10 =	vlt.s32 v4, $0xA;
	v3 =	vnsel vm0, $0xA, v3  }
0x11c: {  	v23 =	vld [tilespmem:s18+$0xFFFFFFF0];
	vm11 =	vlt.s32 v5, $0xA;
	v4 =	vnsel vm10, $0xA, v4  }
0x11d: {  	v24 =	vld [tilespmem:s18+$0x10];
	vm12 =	vlt.s32 v6, $0xA;
	v5 =	vnsel vm11, $0xA, v5  }
0x11e: {  	v25 =	vld [tilespmem:s24+$0xFFFFFFF0];
	s24 =	simm.s32 $0x3FC0;
	vm1 =	vlt.s32 v7, $0xA;
	v6 =	vnsel vm12, $0xA, v6  }
0x11f: {  	v26 =	vld [tilespmem:s24+$0xFFFFFFC0];
	vm13 =	vlt.s32 v9, $0xA;
	v7 =	vnsel vm1, $0xA, v7  }
0x120: {  	vm14 =	vlt.s32 v8, $0xA;
	v9 =	vnsel vm13, $0xA, v9;
	v3 =	vld.idx.msk [tilespmem:v3+s20+$0x0], $0xffff  }
0x121: {  	vm15 =	vlt.s32 v10, $0xA;
	v8 =	vnsel vm14, $0xA, v8;
	v4 =	vld.idx.msk [tilespmem:v4+s20+$0x0], $0xffff  }
0x122: {  	vm4 =	vlt.s32 v17, $0xA;
	v10 =	vnsel vm15, $0xA, v10;
	v5 =	vld.idx.msk [tilespmem:v5+s20+$0x0], $0xffff  }
0x123: {  	vm5 =	vlt.s32 v19, $0xA;
	v17 =	vnsel vm4, $0xA, v17;
	v6 =	vld.idx.msk [tilespmem:v6+s20+$0x0], $0xffff  }
0x124: {  	vm6 =	vlt.s32 v20, $0xA;
	v19 =	vnsel vm5, $0xA, v19;
	v7 =	vld.idx.msk [tilespmem:v7+s20+$0x0], $0xffff  }
0x125: {  	v20 =	vnsel vm6, $0xA, v20;
	v9 =	vld.idx.msk [tilespmem:v9+s20+$0x0], $0xffff  }
0x126: {  	v8 =	vld.idx.msk [tilespmem:v8+s20+$0x0], $0xffff  }
0x127: {  	v10 =	vld.idx.msk [tilespmem:v10+s20+$0x0], $0xffff  }
0x128: {  	v17 =	vld.idx.msk [tilespmem:v17+s20+$0x0], $0xffff  }
0x129: {  	v19 =	vld.idx.msk [tilespmem:v19+s20+$0x0], $0xffff  }
0x12a: {  	vm7 =	vlt.s32 v21, $0xA;
	vm8 =	vlt.s32 v23, $0xA;
	v20 =	vld.idx.msk [tilespmem:v20+s20+$0x0], $0xffff  }
0x12b: {  	s19 =	simm.s32 $0x1040;
	vm9 =	vlt.s32 v24, $0xA;
	vm10 =	vlt.s32 v22, $0xA;
	v3 =	vmul.f32 v3, v12;
	v12 =	vld [tilespmem:s18+$0x20]  }
0x12c: {  	v4 =	vmul.f32 v4, v13;
	v13 =	vld [tilespmem:s19+$0x0];
	v8 =	vmul.f32 v8, v15;
	v15 =	vnsel vm7, $0xA, v21  }
0x12d: {  	v22 =	vnsel vm10, $0xA, v22;
	v5 =	vmul.f32 v5, v11;
	v11 =	vld [tilespmem:s19+$0xFFFFFFC0];
	v21 =	vnsel vm8, $0xA, v23  }
0x12e: {  	v23 =	vnsel vm9, $0xA, v24;
	v24 =	vld [tilespmem:s19+$0xFFFFFFE0];
	v9 =	vmul.f32 v9, v14;
	v6 =	vmul.f32 v6, v16  }
0x12f: {  	s23 =	simm.s32 $0x10C0;
	v10 =	vmul.f32 v10, v18;
	v16 =	vld [tilespmem:s19+$0xFFFFFFD0];
	v7 =	vmul.f32 v7, v25  }
0x130: {  	v25 =	vld [tilespmem:s23+$0x0];
	v3 =	vmul.f32 v3, v2;
	v8 =	vmul.f32 v8, v2  }
0x131: {  	v5 =	vmul.f32 v5, v2;
	v6 =	vmul.f32 v6, v2;
	v14 =	vld.idx.msk [tilespmem:v15+s20+$0x0], $0xffff  }
0x132: {  	s22 =	simm.s32 $0x3F40;
	v3 =	vmul.f32 $1.442695020e+00, v3;
	v8 =	vmul.f32 $1.442695020e+00, v8;
	v15 =	vld.idx.msk [tilespmem:v22+s20+$0x0], $0xffff  }
0x133: {  	v5 =	vmul.f32 $1.442695020e+00, v5;
	v11 =	vmul.f32 v17, v11;
	v17 =	vld [tilespmem:s22+$0xFFFFFFC0]  }
0x134: {  	v18 =	vmul.f32 v19, v24;
	v19 =	vld [tilespmem:s19+$0x30];
	(erf) = vpow2.f32 v8  }
0x135: {  	v9 =	vmul.f32 v9, v2;
	v24 =	vld [tilespmem:s22+$0xFFFFFFD0];
	(erf) = vpow2.f32 v5  }
0x136: {  	v6 =	vmul.f32 $1.442695020e+00, v6;
	v8 =	vld.idx.msk [tilespmem:v21+s20+$0x0], $0xffff;
	(erf) = vpow2.f32 v3  }
0x137: {  	v9 =	vmul.f32 $1.442695020e+00, v9;
	v21 =	vld [tilespmem:s22+$0xFFFFFFE0]  }
0x138: {  	v10 =	vmul.f32 v10, v2;
	vm11 =	vlt.s32 v12, $0xA;
	v5 =	vld [tilespmem:s19+$0x10];
	(erf) = vpow2.f32 v6  }
0x139: {  	v4 =	vmul.f32 v4, v2;
	v12 =	vnsel vm11, $0xA, v12;
	(erf) = vpow2.f32 v9;
	v9 =	vld [tilespmem:s22+$0x0]  }
0x13a: {  	v7 =	vmul.f32 v7, v2;
	v10 =	vmul.f32 $1.442695020e+00, v10;
	v3 =	vld.idx.msk [tilespmem:v23+s20+$0x0], $0xffff  }
0x13b: {  	v4 =	vmul.f32 $1.442695020e+00, v4;
	v6 =	vmul.f32 v20, v13;
	v13 =	vld [tilespmem:s19+$0x20];
	vm12 =	vlt.s32 v17, $0xA  }
0x13c: {  	v11 =	vmul.f32 v11, v2;
	v15 =	vmul.f32 v15, v16;
	v16 =	vld [tilespmem:s22+$0xFFFFFFF0];
	v17 =	vnsel vm12, $0xA, v17  }
0x13d: {  	vm8 =	vlt.s32 v26, $0xA;
	v7 =	vmul.f32 $1.442695020e+00, v7;
	v14 =	vmul.f32 v14, v19;
	v19 =	vld [tilespmem:s22+$0x20];
	v20 =	vpop (erf)  }
0x13e: {  	v18 =	vmul.f32 v18, v2;
	v11 =	vmul.f32 $1.442695020e+00, v11;
	v12 =	vld.idx.msk [tilespmem:v12+s20+$0x0], $0xffff;
	vm14 =	vlt.s32 v9, $0xA;
	v22 =	vpop (erf)  }
0x13f: {  	v6 =	vmul.f32 v6, v2;
	(erf) = vpow2.f32 v4;
	v4 =	vld [tilespmem:s22+$0x10];
	v9 =	vnsel vm14, $0xA, v9;
	v23 =	vpop (erf)  }
0x140: {  	vm13 =	vlt.s32 v21, $0xA;
	v3 =	vmul.f32 v3, v5;
	v5 =	vld [tilespmem:s22+$0x30];
	v23 =	vadd.f32 $1.000000000e+00, v23  }
0x141: {  	v15 =	vmul.f32 v15, v2;
	v21 =	vnsel vm13, $0xA, v21;
	v14 =	vmul.f32 v14, v2;
	v17 =	vld.idx.msk [tilespmem:v17+s20+$0x0], $0xffff  }
0x142: {  	vm5 =	vlt.s32 v24, $0xA;
	v6 =	vmul.f32 $1.442695020e+00, v6;
	(erf) = vrcp.f32 v23;
	v23 =	vld [tilespmem:s19+$0xFFFFFFF0]  }
0x143: {  	v15 =	vmul.f32 $1.442695020e+00, v15;
	v22 =	vadd.f32 $1.000000000e+00, v22;
	(erf) = vpow2.f32 v7;
	v7 =	vld [tilespmem:s23+$0xFFFFFFC0]  }
0x144: {  	v14 =	vmul.f32 $1.442695020e+00, v14;
	vm4 =	vlt.s32 v4, $0xA;
	v12 =	vmul.f32 v12, v13;
	v9 =	vld.idx.msk [tilespmem:v9+s20+$0x0], $0xffff  }
0x145: {  	v3 =	vmul.f32 v3, v2;
	v4 =	vnsel vm4, $0xA, v4;
	(erf) = vrcp.f32 v22  }
0x146: {  	v24 =	vnsel vm5, $0xA, v24;
	v21 =	vld.idx.msk [tilespmem:v21+s20+$0x0], $0xffff;
	v13 =	vpop (erf);
	v12 =	vmul.f32 v12, v2;
	(erf) = vpow2.f32 v15  }
0x147: {  	vm6 =	vlt.s32 v16, $0xA;
	v3 =	vmul.f32 $1.442695020e+00, v3;
	v15 =	vpop (erf);
	(erf) = vpow2.f32 v6;
	v6 =	vld [tilespmem:s23+$0xFFFFFFE0]  }
0x148: {  	v28 =	vld [tilespmem:s24+$0x20];
	vm7 =	vlt.s32 v19, $0xA;
	v12 =	vmul.f32 $1.442695020e+00, v12;
	v8 =	vmul.f32 v8, v23  }
0x149: {  	vm15 =	vlt.s32 v5, $0xA;
	v7 =	vmul.f32 v17, v7;
	v9 =	vmul.f32 v9, v25  }
0x14a: {  	v5 =	vnsel vm15, $0xA, v5;
	v4 =	vld.idx.msk [tilespmem:v4+s20+$0x0], $0xffff;
	v22 =	vpop (erf);
	(erf) = vpow2.f32 v11;
	v8 =	vmul.f32 v8, v2  }
0x14b: {  	v16 =	vnsel vm6, $0xA, v16;
	v17 =	vld [tilespmem:s23+$0x10];
	v7 =	vmul.f32 v7, v2;
	v9 =	vmul.f32 v9, v2  }
0x14c: {  	v20 =	vadd.f32 $1.000000000e+00, v20;
	v23 =	vld [tilespmem:s23+$0xFFFFFFD0];
	v11 =	vpop (erf);
	(erf) = vpow2.f32 v10;
	v6 =	vmul.f32 v21, v6  }
0x14d: {  	vm15 =	vlt.s32 v28, $0xA;
	v10 =	vmul.f32 $1.442695020e+00, v18;
	v21 =	vld.idx.msk [tilespmem:v24+s20+$0x0], $0xffff;
	v8 =	vmul.f32 $1.442695020e+00, v8  }
0x14e: {  	v18 =	vnsel vm7, $0xA, v19;
	v11 =	vmul.f32 v11, v1;
	v19 =	vpop (erf);
	(erf) = vpow2.f32 v14  }
0x14f: {  	v28 =	vnsel vm15, $0xA, v28;
	v5 =	vld.idx.msk [tilespmem:v5+s20+$0x0], $0xffff;
	v7 =	vmul.f32 $1.442695020e+00, v7;
	v9 =	vmul.f32 $1.442695020e+00, v9;
	v14 =	vpop (erf)  }
0x150: {  	v22 =	vadd.f32 $1.000000000e+00, v22;
	v4 =	vmul.f32 v4, v17;
	v17 =	vld [tilespmem:s23+$0x30];
	(erf) = vpow2.f32 v3;
	v24 =	vpop (erf)  }
0x151: {  	v3 =	vadd.f32 $1.000000000e+00, v15;
	(erf) = vrcp.f32 v20;
	v14 =	vmul.f32 v14, v1;
	v20 =	vld [tilespmem:s24+$0xFFFFFFE0];
	v25 =	vpop (erf)  }
0x152: {  	(erf) = vpow2.f32 v10;
	v21 =	vmul.f32 v21, v23;
	v23 =	vadd.f32 $1.000000000e+00, v25;
	v25 =	vld [tilespmem:s24+$0x0]  }
0x153: {  	v19 =	vadd.f32 $1.000000000e+00, v19;
	v27 =	vmul.f32 v4, v2;
	v15 =	vpop (erf);
	(erf) = vrcp.f32 v3;
	v3 =	vld.idx.msk [tilespmem:v18+s20+$0x0], $0xffff  }
0x154: {  	v6 =	vmul.f32 v6, v2;
	v11 =	vsub.f32 v0, v11;
	v18 =	vld [tilespmem:s23+$0x20];
	v4 =	vadd.f32 $1.000000000e+00, v15  }
0x155: {  	v14 =	vsub.f32 v0, v14;
	v15 =	vld [tilespmem:s24+$0x30];
	v31 =	vmul.f32 $1.442695020e+00, v27;
	v5 =	vmul.f32 v5, v17  }
0x156: {  	v17 =	vmul.f32 v21, v2;
	(erf) = vrcp.f32 v4;
	v4 =	vadd.f32 $1.000000000e+00, v13  }
0x157: {  	v21 =	vnsel vm8, $0xA, v26;
	v26 =	vld [tilespmem:s24+$0x10];
	vm9 =	vlt.s32 v20, $0xA;
	v5 =	vmul.f32 v5, v2  }
0x158: {  	v13 =	vld [tilespmem:s24+$0xFFFFFFF0];
	v10 =	vpop (erf);
	v17 =	vmul.f32 $1.442695020e+00, v17;
	(erf) = vrcp.f32 v22;
	v20 =	vnsel vm9, $0xA, v20  }
0x159: {  	v16 =	vld.idx.msk [tilespmem:v16+s20+$0x0], $0xffff;
	v10 =	vadd.f32 $1.000000000e+00, v10;
	(erf) = vrcp.f32 v4;
	vm11 =	vlt.s32 v25, $0xA  }
0x15a: {  	v22 =	vld [tilespmem:s24+$0xFFFFFFD0];
	v3 =	vmul.f32 v3, v18;
	vm10 =	vlt.s32 v15, $0xA;
	(erf) = vpow2.f32 v8;
	v4 =	vpop (erf)  }
0x15b: {  	v8 =	vnsel vm11, $0xA, v25;
	v5 =	vmul.f32 $1.442695020e+00, v5;
	v25 =	vld [tilespmem:s23+$0xFFFFFFF0];
	(erf) = vrcp.f32 v10;
	v29 =	vpop (erf)  }
0x15c: {  	s22 =	simm.s32 $0x1140;
	v10 =	vnsel vm10, $0xA, v15;
	v15 =	vld.idx.msk [tilespmem:v21+s20+$0x0], $0xffff;
	v3 =	vmul.f32 v3, v2;
	(erf) = vrcp.f32 v19;
	v18 =	vpop (erf)  }
0x15d: {  	vm13 =	vlt.s32 v26, $0xA;
	vm12 =	vlt.s32 v13, $0xA;
	v19 =	vld [tilespmem:s22+$0xFFFFFFC0];
	(erf) = vrcp.f32 v23;
	v23 =	vpop (erf)  }
0x15e: {  	v26 =	vnsel vm13, $0xA, v26;
	v20 =	vld.idx.msk [tilespmem:v20+s20+$0x0], $0xffff;
	v3 =	vmul.f32 $1.442695020e+00, v3;
	(erf) = vpow2.f32 v17;
	v30 =	vpop (erf)  }
0x15f: {  	v21 =	vnsel vm12, $0xA, v13;
	v18 =	vmul.f32 v18, v1;
	(erf) = vpow2.f32 v9;
	v9 =	vld [tilespmem:s22+$0xFFFFFFE0];
	v13 =	vpop (erf)  }
0x160: {  	v27 =	vld [tilespmem:s22+$0x0];
	vm14 =	vlt.s32 v22, $0xA;
	v16 =	vmul.f32 v16, v25;
	v13 =	vmul.f32 v13, v1  }
0x161: {  	v22 =	vnsel vm14, $0xA, v22;
	v8 =	vld.idx.msk [tilespmem:v8+s20+$0x0], $0xffff;
	(erf) = vpow2.f32 v7;
	v30 =	vmul.f32 v30, v1  }
0x162: {  	s19 =	simm.s32 $0x6CC0;
	v17 =	vadd.f32 $1.000000000e+00, v24;
	v10 =	vld.idx.msk [tilespmem:v10+s20+$0x0], $0xffff;
	v7 =	vpop (erf);
	v15 =	vmul.f32 v15, v19;
	(erf) = vpow2.f32 v12  }
0x163: {  	[tilespmem:s19+$0xFFFFFFC0] =	vst v11;
	v12 =	vld [tilespmem:s22+$0x10];
	v7 =	vmul.f32 v7, v1;
	v19 =	vpop (erf);
	(erf) = vpow2.f32 v5;
	v5 =	vsub.f32 v0, v18  }
0x164: {  	v34 =	vld.idx.msk [tilespmem:v26+s20+$0x0], $0xffff;
	v32 =	vsub.f32 v0, v13;
	v33 =	vmul.f32 v19, v1;
	v24 =	vmul.f32 v20, v9;
	v13 =	vpop (erf)  }
0x165: {  	[tilespmem:s19+$0x0] =	vst v14;
	v26 =	vld [tilespmem:s22+$0xFFFFFFD0];
	v30 =	vsub.f32 v0, v30;
	v9 =	vmul.f32 v15, v2;
	v20 =	vmul.f32 $1.442695020e+00, v6;
	v25 =	vpop (erf)  }
0x166: {  	v35 =	vsub.f32 v0, v7;
	v7 =	vld.idx.msk [tilespmem:v21+s20+$0x0], $0xffff;
	v18 =	vmul.f32 v8, v27;
	v21 =	vmul.f32 v16, v2;
	v11 =	vpop (erf)  }
0x167: {  	v19 =	vld.idx.msk [tilespmem:v22+s20+$0x0], $0xffff;
	v15 =	vadd.f32 $1.000000000e+00, v23;
	[tilespmem:s19+$0xFFFFFFD0] =	vst v5;
	v9 =	vmul.f32 $1.442695020e+00, v9;
	v14 =	vmul.f32 v11, v1;
	v11 =	vpop (erf)  }
0x168: {  	s16 =	simm.s32 $0x6D40;
	v8 =	vld.idx.msk [tilespmem:v28+s20+$0x0], $0xffff;
	v23 =	vadd.f32 $1.000000000e+00, v29;
	[tilespmem:s19+$0x10] =	vst v30;
	v5 =	vmul.f32 v24, v2;
	v29 =	vmul.f32 v25, v1;
	v6 =	vpop (erf)  }
0x169: {  	s17 =	simm.s32 $0x6DC0;
	v22 =	vld [tilespmem:s22+$0x30];
	[tilespmem:s16+$0xFFFFFFC0] =	vst v32;
	v16 =	vsub.f32 v0, v33;
	v27 =	vmul.f32 v18, v2;
	v25 =	vmul.f32 v34, v12;
	v24 =	vpop (erf)  }
0x16a: {  	s18 =	simm.s32 $0x6DC0;
	s24 =	simm.s32 $0x4040;
	s23 =	simm.s32 $0x18;
	[tilespmem:s19+$0xFFFFFFE0] =	vst v35;
	v12 =	vld [tilespmem:s22+$0x20];
	v18 =	vsub.f32 v0, v29;
	v14 =	vsub.f32 v0, v14;
	v28 =	vpop (erf);
	(erf) = vpow2.f32 v31  }
.LBB2_4:
0x16b: {  	v29 =	vld [tilespmem:s24+$0xFFFFFFC0];
	s23 =	sadd.s32 $0x8, s23;
	v25 =	vmul.f32 v25, v2;
	v28 =	vadd.f32 $1.000000000e+00, v28;
	s18 =	sadd.s32 $0x80, s18;
	(erf) = vrcp.f32 v17;
	[tilespmem:s19+$0x30] =	vst v16  }
0x16c: {  	v13 =	vadd.f32 $1.000000000e+00, v13;
	v11 =	vmul.f32 v11, v1;
	v16 =	vld [tilespmem:s24+$0x30];
	p0 =	slt.u32 s23, $0xF0;
	v17 =	vmul.f32 $1.442695020e+00, v27;
	v27 =	vpop (erf);
	[tilespmem:s19+$0x20] =	vst v18  }
0x16d: {  	v24 =	vadd.f32 $1.000000000e+00, v24;
	v18 =	vld [tilespmem:s24+$0xFFFFFFE0];
	v19 =	vmul.f32 v19, v26;
	(erf) = vpow2.f32 v20;
	[tilespmem:s19+$0xFFFFFFF0] =	vst v14;
	s19 =	smov.u32 s16;
	s16 =	smov.u32 s17;
	s17 =	smov.u32 s18  }
0x16e: {  	v14 =	vld [tilespmem:s24+$0x0];
	v10 =	vmul.f32 v10, v22;
	v20 =	vpop (erf);
	v22 =	vadd.f32 $1.000000000e+00, v27;
	(erf) = vrcp.f32 v23  }
0x16f: {  	v26 =	vadd.f32 $1.000000000e+00, v4;
	v23 =	vld [tilespmem:s24+$0xFFFFFFD0];
	v19 =	vmul.f32 v19, v2;
	(erf) = vrcp.f32 v28;
	v4 =	vmovc v20  }
0x170: {  	v30 =	vmul.f32 $1.442695020e+00, v21;
	vm0 =	vlt.s32 v29, $0xA;
	v20 =	vld [tilespmem:s24+$0xFFFFFFF0];
	v10 =	vmul.f32 v10, v2  }
0x171: {  	v27 =	vnsel vm0, $0xA, v29;
	v28 =	vld [tilespmem:s24+$0x10];
	v19 =	vmul.f32 $1.442695020e+00, v19;
	(erf) = vrcp.f32 v15  }
0x172: {  	vm1 =	vlt.s32 v16, $0xA;
	vm0 =	vlt.s32 v18, $0xA;
	v15 =	vld [tilespmem:s24+$0x20];
	(erf) = vrcp.f32 v26  }
0x173: {  	v18 =	vnsel vm0, $0xA, v18;
	vm0 =	vlt.s32 v14, $0xA;
	(erf) = vpow2.f32 v30;
	v21 =	vpop (erf)  }
0x174: {  	v29 =	vmul.f32 $1.442695020e+00, v10;
	v14 =	vnsel vm0, $0xA, v14;
	v26 =	vld [tilespmem:s22+$0xFFFFFFF0];
	s22 =	sadd.s32 $0x80, s22;
	v30 =	vpop (erf);
	(erf) = vrcp.f32 v22  }
0x175: {  	v31 =	vsub.f32 v0, v11;
	v10 =	vnsel vm1, $0xA, v16;
	vm0 =	vlt.s32 v20, $0xA;
	v22 =	vld [tilespmem:s22+$0x0]  }
0x176: {  	v8 =	vmul.f32 v8, v12;
	v16 =	vld.idx.msk [tilespmem:v27+s20+$0x0], $0xffff;
	vm1 =	vlt.s32 v28, $0xA;
	v12 =	vpop (erf);
	(erf) = vrcp.f32 v13  }
0x177: {  	v20 =	vnsel vm0, $0xA, v20;
	v13 =	vld [tilespmem:s22+$0xFFFFFFC0];
	v27 =	vnsel vm1, $0xA, v28;
	(erf) = vrcp.f32 v24;
	[tilespmem:s19+$0x0] =	vst v31;
	v11 =	vpop (erf)  }
0x178: {  	v8 =	vmul.f32 v8, v2;
	vm0 =	vlt.s32 v15, $0xA;
	v18 =	vld.idx.msk [tilespmem:v18+s20+$0x0], $0xffff;
	(erf) = vpow2.f32 v19;
	v19 =	vpop (erf)  }
0x179: {  	vm1 =	vlt.s32 v23, $0xA;
	v31 =	vmul.f32 $1.442695020e+00, v25;
	v14 =	vld.idx.msk [tilespmem:v14+s20+$0x0], $0xffff;
	(erf) = vpow2.f32 v17  }
0x17a: {  	v8 =	vmul.f32 $1.442695020e+00, v8;
	v23 =	vnsel vm1, $0xA, v23;
	v17 =	vmul.f32 v19, v1;
	v24 =	vld [tilespmem:s22+$0xFFFFFFE0];
	v19 =	vpop (erf)  }
0x17b: {  	v15 =	vnsel vm0, $0xA, v15;
	v10 =	vld.idx.msk [tilespmem:v10+s20+$0x0], $0xffff;
	(erf) = vpow2.f32 v9;
	v9 =	vmul.f32 v30, v1;
	v25 =	vpop (erf)  }
0x17c: {  	v28 =	vmul.f32 v19, v1;
	v16 =	vmul.f32 v16, v13;
	v30 =	vld.idx.msk [tilespmem:v20+s20+$0x0], $0xffff;
	v20 =	vsub.f32 v0, v17;
	v13 =	vpop (erf)  }
0x17d: {  	v7 =	vmul.f32 v7, v26;
	v17 =	vadd.f32 $1.000000000e+00, v6;
	v33 =	vmul.f32 v25, v1;
	v32 =	vld [tilespmem:s22+$0x10];
	v25 =	vpop (erf)  }
0x17e: {  	v16 =	vmul.f32 v16, v2;
	v27 =	vld.idx.msk [tilespmem:v27+s20+$0x0], $0xffff;
	[tilespmem:s16+$0xFFFFFFC0] =	vst v20;
	(erf) = vpow2.f32 v3;
	v3 =	vmov v8  }
0x17f: {  	v34 =	vmul.f32 v11, v1;
	v28 =	vsub.f32 v0, v28;
	v19 =	vld.idx.msk [tilespmem:v23+s20+$0x0], $0xffff;
	v18 =	vmul.f32 v18, v24;
	v23 =	vpop (erf)  }
0x180: {  	v20 =	vmul.f32 $1.442695020e+00, v5;
	v5 =	vsub.f32 v0, v9;
	v8 =	vld.idx.msk [tilespmem:v15+s20+$0x0], $0xffff;
	(erf) = vpow2.f32 v29;
	v11 =	vpop (erf)  }
.Ltmp1:
0x181: {  	v29 =	vmul.f32 v14, v22;
	v15 =	vadd.f32 $1.000000000e+00, v12;
	v12 =	vmul.f32 v23, v1;
	v6 =	vpop (erf);
	(pc) =	sbr.rel @p0 .LBB2_4-.Ltmp1, $4  }
0x182: {  	v35 =	vmul.f32 v25, v1;
	v9 =	vmul.f32 $1.442695020e+00, v16;
	v23 =	vadd.f32 $1.000000000e+00, v21;
	v24 =	vpop (erf);
	[tilespmem:s19+$0xFFFFFFD0] =	vst v5  }
0x183: {  	v34 =	vsub.f32 v0, v34;
	v21 =	vmul.f32 v7, v2;
	v5 =	vmul.f32 v18, v2;
	v26 =	vld [tilespmem:s22+$0xFFFFFFD0];
	[tilespmem:s19+$0xFFFFFFE0] =	vst v28  }
0x184: {  	v16 =	vsub.f32 v0, v33;
	v14 =	vsub.f32 v0, v12;
	v25 =	vmul.f32 v27, v32;
	v22 =	vld [tilespmem:s22+$0x30];
	v28 =	vpop (erf)  }
0x185: {  	s24 =	sadd.s32 $0x80, s24;
	v7 =	vmovc v30;
	v18 =	vsub.f32 v0, v35;
	v27 =	vmul.f32 v29, v2;
	v12 =	vld [tilespmem:s22+$0x20];
	(erf) = vpow2.f32 v31;
	[tilespmem:s19+$0x10] =	vst v34  }
0x186: {  	(erf) = vrcp.f32 v17;
	v17 =	vadd.f32 $1.000000000e+00, v28;
	_ =	sdelay $0x1  }
0x187: {  	(erf) = vpow2.f32 v20  }
0x188: {  	(erf) = vrcp.f32 v23  }
0x189: {  	v4 =	vadd.f32 $1.000000000e+00, v4;
	v19 =	vmul.f32 v19, v26;
	(erf) = vrcp.f32 v17;
	v17 =	vpop (erf)  }
0x18a: {  	v20 =	vmul.f32 $1.442695020e+00, v21;
	(erf) = vrcp.f32 v15;
	v15 =	vadd.f32 $1.000000000e+00, v17  }
0x18b: {  	(erf) = vrcp.f32 v4;
	v4 =	vadd.f32 $1.000000000e+00, v13;
	v13 =	vmul.f32 v19, v2  }
0x18c: {  	v17 =	vadd.f32 $1.000000000e+00, v24;
	(erf) = vpow2.f32 v20  }
0x18d: {  	v19 =	vpop (erf);
	(erf) = vrcp.f32 v15;
	v13 =	vmul.f32 $1.442695020e+00, v13  }
0x18e: {  	v15 =	vpop (erf);
	(erf) = vrcp.f32 v4;
	v4 =	vmul.f32 $1.442695020e+00, v27  }
0x18f: {  	v20 =	vpop (erf);
	(erf) = vrcp.f32 v17  }
0x190: {  	v17 =	vpop (erf);
	(erf) = vpow2.f32 v13  }
0x191: {  	v13 =	vpop (erf);
	(erf) = vpow2.f32 v4  }
0x192: {  	v4 =	vpop (erf);
	(erf) = vpow2.f32 v9;
	v9 =	vmul.f32 v10, v22  }
0x193: {  	v10 =	vpop (erf)  }
0x194: {  	v21 =	vpop (erf);
	v9 =	vmul.f32 v9, v2  }
0x195: {  	v23 =	vmul.f32 v25, v2;
	v22 =	vpop (erf)  }
0x196: {  	v25 =	vpop (erf);
	(erf) = vpow2.f32 v3;
	v3 =	vmul.f32 $1.442695020e+00, v9  }
0x197: {  	v24 =	vld [tilespmem:s22+$0xFFFFFFF0]  }
0x198: {  	v23 =	vmul.f32 $1.442695020e+00, v23;
	v9 =	vpop (erf)  }
0x199: {  	v26 =	vpop (erf)  }
0x19a: {  	v6 =	vadd.f32 $1.000000000e+00, v6;
	(erf) = vpow2.f32 v3;
	v3 =	vpop (erf)  }
0x19b: {  	v5 =	vmul.f32 $1.442695020e+00, v5;
	(erf) = vpow2.f32 v23;
	v27 =	vpop (erf)  }
0x19c: {  	v7 =	vmul.f32 v7, v24;
	v15 =	vadd.f32 $1.000000000e+00, v15;
	(erf) = vrcp.f32 v6;
	v23 =	vpop (erf)  }
0x19d: {  	(erf) = vpow2.f32 v5;
	v6 =	vadd.f32 $1.000000000e+00, v23  }
0x19e: {  	v7 =	vmul.f32 v7, v2;
	v5 =	vadd.f32 $1.000000000e+00, v17;
	(erf) = vrcp.f32 v15  }
0x19f: {  	v8 =	vmul.f32 v8, v12;
	(erf) = vrcp.f32 v6;
	v6 =	vadd.f32 $1.000000000e+00, v19  }
0x1a0: {  	v7 =	vmul.f32 $1.442695020e+00, v7;
	(erf) = vrcp.f32 v5  }
0x1a1: {  	v12 =	vpop (erf);
	(erf) = vrcp.f32 v6;
	v6 =	vmul.f32 v8, v2  }
0x1a2: {  	v5 =	vadd.f32 $1.000000000e+00, v12;
	v8 =	vadd.f32 $1.000000000e+00, v22  }
0x1a3: {  	(erf) = vpow2.f32 v7;
	v7 =	vadd.f32 $1.000000000e+00, v27  }
0x1a4: {  	v12 =	vpop (erf);
	(erf) = vrcp.f32 v5  }
0x1a5: {  	v5 =	vmul.f32 $1.442695020e+00, v6;
	v6 =	vpop (erf);
	(erf) = vrcp.f32 v8  }
0x1a6: {  	v8 =	vpop (erf);
	(erf) = vrcp.f32 v7  }
0x1a7: {  	v4 =	vmul.f32 v4, v1;
	v7 =	vpop (erf);
	(erf) = vpow2.f32 v5  }
0x1a8: {  	[tilespmem:s19+$0x30] =	vst v16;
	v16 =	vmul.f32 v20, v1;
	v5 =	vmul.f32 v11, v1;
	v11 =	vpop (erf)  }
0x1a9: {  	[tilespmem:s19+$0xFFFFFFF0] =	vst v14;
	v4 =	vsub.f32 v0, v4;
	v15 =	vpop (erf)  }
0x1aa: {  	[tilespmem:s19+$0x20] =	vst v18;
	v13 =	vmul.f32 v13, v1;
	v9 =	vmul.f32 v9, v1;
	v5 =	vsub.f32 v0, v5;
	v17 =	vpop (erf)  }
0x1ab: {  	v10 =	vmul.f32 v10, v1;
	v14 =	vmul.f32 v21, v1;
	[tilespmem:s17+$0xFFFFFFC0] =	vst v4;
	v3 =	vadd.f32 $1.000000000e+00, v3;
	v18 =	vpop (erf)  }
0x1ac: {  	v4 =	vmul.f32 v25, v1;
	v6 =	vadd.f32 $1.000000000e+00, v6;
	[tilespmem:s16+$0x0] =	vst v5;
	v5 =	vsub.f32 v0, v16;
	v16 =	vpop (erf)  }
0x1ad: {  	v10 =	vsub.f32 v0, v10;
	v7 =	vadd.f32 $1.000000000e+00, v7;
	(erf) = vrcp.f32 v3;
	v19 =	vpop (erf)  }
0x1ae: {  	v4 =	vsub.f32 v0, v4;
	(erf) = vrcp.f32 v6;
	[tilespmem:s16+$0xFFFFFFD0] =	vst v5;
	v5 =	vsub.f32 v0, v9;
	v9 =	vpop (erf)  }
0x1af: {  	[tilespmem:s16+$0xFFFFFFE0] =	vst v10;
	v3 =	vsub.f32 v0, v14;
	(erf) = vrcp.f32 v7;
	v7 =	vmul.f32 v15, v1;
	v14 =	vpop (erf)  }
0x1b0: {  	v10 =	vmul.f32 v26, v1;
	[tilespmem:s16+$0x20] =	vst v4;
	v12 =	vadd.f32 $1.000000000e+00, v12;
	v4 =	vmul.f32 v8, v1;
	v6 =	vpop (erf)  }
0x1b1: {  	[tilespmem:s16+$0xFFFFFFF0] =	vst v5;
	v5 =	vsub.f32 v0, v7;
	v7 =	vmul.f32 v17, v1;
	v6 =	vadd.f32 $1.000000000e+00, v6  }
0x1b2: {  	s18 =	sadd.s32 $0x80, s18;
	[tilespmem:s16+$0x30] =	vst v3;
	v3 =	vsub.f32 v0, v10;
	v8 =	vadd.f32 $1.000000000e+00, v16;
	(erf) = vrcp.f32 v12  }
0x1b3: {  	[tilespmem:s18+$0xFFFFFFC0] =	vst v5;
	v5 =	vsub.f32 v0, v7;
	(erf) = vrcp.f32 v6;
	v6 =	vmul.f32 v18, v1  }
0x1b4: {  	v4 =	vsub.f32 v0, v4;
	[tilespmem:s17+$0x0] =	vst v3;
	v3 =	vmul.f32 v11, v1;
	(erf) = vrcp.f32 v8  }
0x1b5: {  	v13 =	vsub.f32 v0, v13;
	[tilespmem:s17+$0xFFFFFFE0] =	vst v5;
	v5 =	vsub.f32 v0, v6  }
0x1b6: {  	[tilespmem:s17+$0xFFFFFFD0] =	vst v4;
	v4 =	vmul.f32 v19, v1;
	v3 =	vsub.f32 v0, v3  }
0x1b7: {  	[tilespmem:s16+$0x10] =	vst v13;
	v7 =	vmul.f32 v9, v1;
	v6 =	vpop (erf)  }
0x1b8: {  	[tilespmem:s17+$0x10] =	vst v3;
	v3 =	vsub.f32 v0, v4;
	v4 =	vmul.f32 v14, v1;
	v8 =	vpop (erf)  }
0x1b9: {  	v7 =	vsub.f32 v0, v7;
	[tilespmem:s17+$0x30] =	vst v5;
	v6 =	vmul.f32 v6, v1;
	v5 =	vpop (erf)  }
0x1ba: {  	[tilespmem:s17+$0x20] =	vst v3;
	v3 =	vsub.f32 v0, v4;
	v4 =	vmul.f32 v5, v1  }
0x1bb: {  	[tilespmem:s17+$0xFFFFFFF0] =	vst v7;
	v7 =	vmul.f32 v8, v1;
	v5 =	vpop (erf);
	v6 =	vsub.f32 v0, v6  }
0x1bc: {  	[tilespmem:s18+$0x0] =	vst v3;
	v3 =	vmul.f32 v5, v1;
	v5 =	vpop (erf);
	v4 =	vsub.f32 v0, v4  }
0x1bd: {  	[tilespmem:s18+$0xFFFFFFD0] =	vst v6;
	v6 =	vsub.f32 v0, v7;
	v8 =	vpop (erf);
	v5 =	vmul.f32 v5, v1  }
0x1be: {  	v3 =	vsub.f32 v0, v3;
	v7 =	vmul.f32 v8, v1;
	[tilespmem:s18+$0xFFFFFFE0] =	vst v4  }
0x1bf: {  	[tilespmem:s18+$0x10] =	vst v6;
	v4 =	vsub.f32 v0, v5  }
0x1c0: {  	[tilespmem:s18+$0x30] =	vst v3;
	v5 =	vsub.f32 v0, v7  }
0x1c1: {  	[tilespmem:s18+$0x20] =	vst v4  }
0x1c2: {  	[tilespmem:s18+$0xFFFFFFF0] =	vst v5  }
0x1c3: {  	s16 =	rddreg [dreg:$0xf]  }
0x1c4: {  	[hbm4b:s16+s1] =	stream.linear.scatter [tilespmem:s9], [sflag:$0x8], $0xF80, $0x38;
	[tilespmem:$0x8C80] =	vst v63  }
0x1c5: {  	s19 =	rddreg [dreg:$0x10]  }
0x1c6: {  	[tilespmem:s21], [sflag:$0x2] =	stream.linear.gather [hbm4b:s19+s1], $0xF80, $0x38;
	[tilespmem:$0x8C80] =	vst v63  }
0x1c7: {  	s22 =	rddreg [dreg:$0x11]  }
0x1c8: {  	[tilespmem:s0], [sflag:$0x5] =	stream.linear.gather [hbm4b:s22+s1], $0xF80, $0x38;
	[tilespmem:$0x8C80] =	vst v63  }
0x1c9: {  	_ =	swait.ge [sflag:s10], $0xF80  }
0x1ca: {  	[sflag:s10] =	ssyncset.done $0x0  }
0x1cb: {  	[sflag:s10] =	ssyncadd.s32 $0xFFFFF080  }
0x1cc: {  	_ =	swait.ge [sflag:s11], $0xF80  }
0x1cd: {  	[sflag:s11] =	ssyncset.done $0x0  }
0x1ce: {  	s23 =	simm.s32 $0x4DC0;
	[sflag:s11] =	ssyncadd.s32 $0xFFFFF080  }
0x1cf: {  	v3 =	vld [tilespmem:s23+$0xFFFFFFC0]  }
0x1d0: {  	v4 =	vld [tilespmem:s23+$0xFFFFFFE0]  }
0x1d1: {  	v5 =	vld [tilespmem:s23+$0x0]  }
0x1d2: {  	v6 =	vld [tilespmem:s23+$0x30]  }
0x1d3: {  	v7 =	vld [tilespmem:s23+$0xFFFFFFF0]  }
0x1d4: {  	v8 =	vld [tilespmem:s23+$0xFFFFFFD0]  }
0x1d5: {  	v9 =	vld [tilespmem:s23+$0x10]  }
0x1d6: {  	s24 =	simm.s32 $0x1F40;
	v10 =	vld [tilespmem:s23+$0x20]  }
0x1d7: {  	v11 =	vld [tilespmem:s24+$0x0]  }
0x1d8: {  	v12 =	vld [tilespmem:s24+$0xFFFFFFC0]  }
0x1d9: {  	v13 =	vld [tilespmem:s24+$0xFFFFFFE0]  }
0x1da: {  	v14 =	vld [tilespmem:s24+$0x10]  }
0x1db: {  	v15 =	vld [tilespmem:s24+$0xFFFFFFD0]  }
0x1dc: {  	s18 =	simm.s32 $0x4E40;
	v16 =	vld [tilespmem:s24+$0x30]  }
0x1dd: {  	v17 =	vld [tilespmem:s18+$0xFFFFFFC0]  }
0x1de: {  	v18 =	vld [tilespmem:s24+$0x20]  }
0x1df: {  	v19 =	vld [tilespmem:s18+$0xFFFFFFE0]  }
0x1e0: {  	v20 =	vld [tilespmem:s18+$0x0]  }
0x1e1: {  	v21 =	vld [tilespmem:s18+$0x30];
	vm0 =	vlt.s32 v3, $0xA  }
0x1e2: {  	v22 =	vld [tilespmem:s18+$0xFFFFFFD0];
	vm10 =	vlt.s32 v4, $0xA;
	v3 =	vnsel vm0, $0xA, v3  }
0x1e3: {  	v23 =	vld [tilespmem:s18+$0xFFFFFFF0];
	vm11 =	vlt.s32 v5, $0xA;
	v4 =	vnsel vm10, $0xA, v4  }
0x1e4: {  	v24 =	vld [tilespmem:s18+$0x10];
	vm12 =	vlt.s32 v6, $0xA;
	v5 =	vnsel vm11, $0xA, v5  }
0x1e5: {  	v25 =	vld [tilespmem:s24+$0xFFFFFFF0];
	s24 =	simm.s32 $0x4F40;
	vm1 =	vlt.s32 v7, $0xA;
	v6 =	vnsel vm12, $0xA, v6  }
0x1e6: {  	v26 =	vld [tilespmem:s24+$0xFFFFFFC0];
	vm13 =	vlt.s32 v9, $0xA;
	v7 =	vnsel vm1, $0xA, v7  }
0x1e7: {  	vm14 =	vlt.s32 v8, $0xA;
	v9 =	vnsel vm13, $0xA, v9;
	v3 =	vld.idx.msk [tilespmem:v3+s20+$0x0], $0xffff  }
0x1e8: {  	vm15 =	vlt.s32 v10, $0xA;
	v8 =	vnsel vm14, $0xA, v8;
	v4 =	vld.idx.msk [tilespmem:v4+s20+$0x0], $0xffff  }
0x1e9: {  	vm4 =	vlt.s32 v17, $0xA;
	v10 =	vnsel vm15, $0xA, v10;
	v5 =	vld.idx.msk [tilespmem:v5+s20+$0x0], $0xffff  }
0x1ea: {  	vm5 =	vlt.s32 v19, $0xA;
	v17 =	vnsel vm4, $0xA, v17;
	v6 =	vld.idx.msk [tilespmem:v6+s20+$0x0], $0xffff  }
0x1eb: {  	vm6 =	vlt.s32 v20, $0xA;
	v19 =	vnsel vm5, $0xA, v19;
	v7 =	vld.idx.msk [tilespmem:v7+s20+$0x0], $0xffff  }
0x1ec: {  	v20 =	vnsel vm6, $0xA, v20;
	v9 =	vld.idx.msk [tilespmem:v9+s20+$0x0], $0xffff  }
0x1ed: {  	v8 =	vld.idx.msk [tilespmem:v8+s20+$0x0], $0xffff  }
0x1ee: {  	v10 =	vld.idx.msk [tilespmem:v10+s20+$0x0], $0xffff  }
0x1ef: {  	v17 =	vld.idx.msk [tilespmem:v17+s20+$0x0], $0xffff  }
0x1f0: {  	v19 =	vld.idx.msk [tilespmem:v19+s20+$0x0], $0xffff  }
0x1f1: {  	vm7 =	vlt.s32 v21, $0xA;
	vm8 =	vlt.s32 v23, $0xA;
	v20 =	vld.idx.msk [tilespmem:v20+s20+$0x0], $0xffff  }
0x1f2: {  	s19 =	simm.s32 $0x1FC0;
	vm9 =	vlt.s32 v24, $0xA;
	vm10 =	vlt.s32 v22, $0xA;
	v3 =	vmul.f32 v3, v12;
	v12 =	vld [tilespmem:s18+$0x20]  }
0x1f3: {  	v4 =	vmul.f32 v4, v13;
	v13 =	vld [tilespmem:s19+$0x0];
	v8 =	vmul.f32 v8, v15;
	v15 =	vnsel vm7, $0xA, v21  }
0x1f4: {  	v22 =	vnsel vm10, $0xA, v22;
	v5 =	vmul.f32 v5, v11;
	v11 =	vld [tilespmem:s19+$0xFFFFFFC0];
	v21 =	vnsel vm8, $0xA, v23  }
0x1f5: {  	v23 =	vnsel vm9, $0xA, v24;
	v24 =	vld [tilespmem:s19+$0xFFFFFFE0];
	v9 =	vmul.f32 v9, v14;
	v6 =	vmul.f32 v6, v16  }
0x1f6: {  	s23 =	simm.s32 $0x2040;
	v10 =	vmul.f32 v10, v18;
	v16 =	vld [tilespmem:s19+$0xFFFFFFD0];
	v7 =	vmul.f32 v7, v25  }
0x1f7: {  	v25 =	vld [tilespmem:s23+$0x0];
	v3 =	vmul.f32 v3, v2;
	v8 =	vmul.f32 v8, v2  }
0x1f8: {  	v5 =	vmul.f32 v5, v2;
	v6 =	vmul.f32 v6, v2;
	v14 =	vld.idx.msk [tilespmem:v15+s20+$0x0], $0xffff  }
0x1f9: {  	s22 =	simm.s32 $0x4EC0;
	v3 =	vmul.f32 $1.442695020e+00, v3;
	v8 =	vmul.f32 $1.442695020e+00, v8;
	v15 =	vld.idx.msk [tilespmem:v22+s20+$0x0], $0xffff  }
0x1fa: {  	v5 =	vmul.f32 $1.442695020e+00, v5;
	v11 =	vmul.f32 v17, v11;
	v17 =	vld [tilespmem:s22+$0xFFFFFFC0]  }
0x1fb: {  	v18 =	vmul.f32 v19, v24;
	v19 =	vld [tilespmem:s19+$0x30];
	(erf) = vpow2.f32 v8  }
0x1fc: {  	v9 =	vmul.f32 v9, v2;
	v24 =	vld [tilespmem:s22+$0xFFFFFFD0];
	(erf) = vpow2.f32 v5  }
0x1fd: {  	v6 =	vmul.f32 $1.442695020e+00, v6;
	v8 =	vld.idx.msk [tilespmem:v21+s20+$0x0], $0xffff;
	(erf) = vpow2.f32 v3  }
0x1fe: {  	v9 =	vmul.f32 $1.442695020e+00, v9;
	v21 =	vld [tilespmem:s22+$0xFFFFFFE0]  }
0x1ff: {  	v10 =	vmul.f32 v10, v2;
	vm11 =	vlt.s32 v12, $0xA;
	v5 =	vld [tilespmem:s19+$0x10];
	(erf) = vpow2.f32 v6  }
0x200: {  	v4 =	vmul.f32 v4, v2;
	v12 =	vnsel vm11, $0xA, v12;
	(erf) = vpow2.f32 v9;
	v9 =	vld [tilespmem:s22+$0x0]  }
0x201: {  	v7 =	vmul.f32 v7, v2;
	v10 =	vmul.f32 $1.442695020e+00, v10;
	v3 =	vld.idx.msk [tilespmem:v23+s20+$0x0], $0xffff  }
0x202: {  	v4 =	vmul.f32 $1.442695020e+00, v4;
	v6 =	vmul.f32 v20, v13;
	v13 =	vld [tilespmem:s19+$0x20];
	vm12 =	vlt.s32 v17, $0xA  }
0x203: {  	v11 =	vmul.f32 v11, v2;
	v15 =	vmul.f32 v15, v16;
	v16 =	vld [tilespmem:s22+$0xFFFFFFF0];
	v17 =	vnsel vm12, $0xA, v17  }
0x204: {  	vm8 =	vlt.s32 v26, $0xA;
	v7 =	vmul.f32 $1.442695020e+00, v7;
	v14 =	vmul.f32 v14, v19;
	v19 =	vld [tilespmem:s22+$0x20];
	v20 =	vpop (erf)  }
0x205: {  	v18 =	vmul.f32 v18, v2;
	v11 =	vmul.f32 $1.442695020e+00, v11;
	v12 =	vld.idx.msk [tilespmem:v12+s20+$0x0], $0xffff;
	vm14 =	vlt.s32 v9, $0xA;
	v22 =	vpop (erf)  }
0x206: {  	v6 =	vmul.f32 v6, v2;
	(erf) = vpow2.f32 v4;
	v4 =	vld [tilespmem:s22+$0x10];
	v9 =	vnsel vm14, $0xA, v9;
	v23 =	vpop (erf)  }
0x207: {  	vm13 =	vlt.s32 v21, $0xA;
	v3 =	vmul.f32 v3, v5;
	v5 =	vld [tilespmem:s22+$0x30];
	v23 =	vadd.f32 $1.000000000e+00, v23  }
0x208: {  	v15 =	vmul.f32 v15, v2;
	v21 =	vnsel vm13, $0xA, v21;
	v14 =	vmul.f32 v14, v2;
	v17 =	vld.idx.msk [tilespmem:v17+s20+$0x0], $0xffff  }
0x209: {  	vm5 =	vlt.s32 v24, $0xA;
	v6 =	vmul.f32 $1.442695020e+00, v6;
	(erf) = vrcp.f32 v23;
	v23 =	vld [tilespmem:s19+$0xFFFFFFF0]  }
0x20a: {  	v15 =	vmul.f32 $1.442695020e+00, v15;
	v22 =	vadd.f32 $1.000000000e+00, v22;
	(erf) = vpow2.f32 v7;
	v7 =	vld [tilespmem:s23+$0xFFFFFFC0]  }
0x20b: {  	v14 =	vmul.f32 $1.442695020e+00, v14;
	vm4 =	vlt.s32 v4, $0xA;
	v12 =	vmul.f32 v12, v13;
	v9 =	vld.idx.msk [tilespmem:v9+s20+$0x0], $0xffff  }
0x20c: {  	v3 =	vmul.f32 v3, v2;
	v4 =	vnsel vm4, $0xA, v4;
	(erf) = vrcp.f32 v22  }
0x20d: {  	v24 =	vnsel vm5, $0xA, v24;
	v21 =	vld.idx.msk [tilespmem:v21+s20+$0x0], $0xffff;
	v13 =	vpop (erf);
	v12 =	vmul.f32 v12, v2;
	(erf) = vpow2.f32 v15  }
0x20e: {  	vm6 =	vlt.s32 v16, $0xA;
	v3 =	vmul.f32 $1.442695020e+00, v3;
	v15 =	vpop (erf);
	(erf) = vpow2.f32 v6;
	v6 =	vld [tilespmem:s23+$0xFFFFFFE0]  }
0x20f: {  	v28 =	vld [tilespmem:s24+$0x20];
	vm7 =	vlt.s32 v19, $0xA;
	v12 =	vmul.f32 $1.442695020e+00, v12;
	v8 =	vmul.f32 v8, v23  }
0x210: {  	vm15 =	vlt.s32 v5, $0xA;
	v7 =	vmul.f32 v17, v7;
	v9 =	vmul.f32 v9, v25  }
0x211: {  	v5 =	vnsel vm15, $0xA, v5;
	v4 =	vld.idx.msk [tilespmem:v4+s20+$0x0], $0xffff;
	v22 =	vpop (erf);
	(erf) = vpow2.f32 v11;
	v8 =	vmul.f32 v8, v2  }
0x212: {  	v16 =	vnsel vm6, $0xA, v16;
	v17 =	vld [tilespmem:s23+$0x10];
	v7 =	vmul.f32 v7, v2;
	v9 =	vmul.f32 v9, v2  }
0x213: {  	v20 =	vadd.f32 $1.000000000e+00, v20;
	v23 =	vld [tilespmem:s23+$0xFFFFFFD0];
	v11 =	vpop (erf);
	(erf) = vpow2.f32 v10;
	v6 =	vmul.f32 v21, v6  }
0x214: {  	vm15 =	vlt.s32 v28, $0xA;
	v10 =	vmul.f32 $1.442695020e+00, v18;
	v21 =	vld.idx.msk [tilespmem:v24+s20+$0x0], $0xffff;
	v8 =	vmul.f32 $1.442695020e+00, v8  }
0x215: {  	v18 =	vnsel vm7, $0xA, v19;
	v11 =	vmul.f32 v11, v1;
	v19 =	vpop (erf);
	(erf) = vpow2.f32 v14  }
0x216: {  	v28 =	vnsel vm15, $0xA, v28;
	v5 =	vld.idx.msk [tilespmem:v5+s20+$0x0], $0xffff;
	v7 =	vmul.f32 $1.442695020e+00, v7;
	v9 =	vmul.f32 $1.442695020e+00, v9;
	v14 =	vpop (erf)  }
0x217: {  	v22 =	vadd.f32 $1.000000000e+00, v22;
	v4 =	vmul.f32 v4, v17;
	v17 =	vld [tilespmem:s23+$0x30];
	(erf) = vpow2.f32 v3;
	v24 =	vpop (erf)  }
0x218: {  	v3 =	vadd.f32 $1.000000000e+00, v15;
	(erf) = vrcp.f32 v20;
	v14 =	vmul.f32 v14, v1;
	v20 =	vld [tilespmem:s24+$0xFFFFFFE0];
	v25 =	vpop (erf)  }
0x219: {  	(erf) = vpow2.f32 v10;
	v21 =	vmul.f32 v21, v23;
	v23 =	vadd.f32 $1.000000000e+00, v25;
	v25 =	vld [tilespmem:s24+$0x0]  }
0x21a: {  	v19 =	vadd.f32 $1.000000000e+00, v19;
	v27 =	vmul.f32 v4, v2;
	v15 =	vpop (erf);
	(erf) = vrcp.f32 v3;
	v3 =	vld.idx.msk [tilespmem:v18+s20+$0x0], $0xffff  }
0x21b: {  	v6 =	vmul.f32 v6, v2;
	v11 =	vsub.f32 v0, v11;
	v18 =	vld [tilespmem:s23+$0x20];
	v4 =	vadd.f32 $1.000000000e+00, v15  }
0x21c: {  	v14 =	vsub.f32 v0, v14;
	v15 =	vld [tilespmem:s24+$0x30];
	v31 =	vmul.f32 $1.442695020e+00, v27;
	v5 =	vmul.f32 v5, v17  }
0x21d: {  	v17 =	vmul.f32 v21, v2;
	(erf) = vrcp.f32 v4;
	v4 =	vadd.f32 $1.000000000e+00, v13  }
0x21e: {  	v21 =	vnsel vm8, $0xA, v26;
	v26 =	vld [tilespmem:s24+$0x10];
	vm9 =	vlt.s32 v20, $0xA;
	v5 =	vmul.f32 v5, v2  }
0x21f: {  	v13 =	vld [tilespmem:s24+$0xFFFFFFF0];
	v10 =	vpop (erf);
	v17 =	vmul.f32 $1.442695020e+00, v17;
	(erf) = vrcp.f32 v22;
	v20 =	vnsel vm9, $0xA, v20  }
0x220: {  	v16 =	vld.idx.msk [tilespmem:v16+s20+$0x0], $0xffff;
	v10 =	vadd.f32 $1.000000000e+00, v10;
	(erf) = vrcp.f32 v4;
	vm11 =	vlt.s32 v25, $0xA  }
0x221: {  	v22 =	vld [tilespmem:s24+$0xFFFFFFD0];
	v3 =	vmul.f32 v3, v18;
	vm10 =	vlt.s32 v15, $0xA;
	(erf) = vpow2.f32 v8;
	v4 =	vpop (erf)  }
0x222: {  	v8 =	vnsel vm11, $0xA, v25;
	v5 =	vmul.f32 $1.442695020e+00, v5;
	v25 =	vld [tilespmem:s23+$0xFFFFFFF0];
	(erf) = vrcp.f32 v10;
	v29 =	vpop (erf)  }
0x223: {  	s22 =	simm.s32 $0x20C0;
	v10 =	vnsel vm10, $0xA, v15;
	v15 =	vld.idx.msk [tilespmem:v21+s20+$0x0], $0xffff;
	v3 =	vmul.f32 v3, v2;
	(erf) = vrcp.f32 v19;
	v18 =	vpop (erf)  }
0x224: {  	vm13 =	vlt.s32 v26, $0xA;
	vm12 =	vlt.s32 v13, $0xA;
	v19 =	vld [tilespmem:s22+$0xFFFFFFC0];
	(erf) = vrcp.f32 v23;
	v23 =	vpop (erf)  }
0x225: {  	v26 =	vnsel vm13, $0xA, v26;
	v20 =	vld.idx.msk [tilespmem:v20+s20+$0x0], $0xffff;
	v3 =	vmul.f32 $1.442695020e+00, v3;
	(erf) = vpow2.f32 v17;
	v30 =	vpop (erf)  }
0x226: {  	v21 =	vnsel vm12, $0xA, v13;
	v18 =	vmul.f32 v18, v1;
	(erf) = vpow2.f32 v9;
	v9 =	vld [tilespmem:s22+$0xFFFFFFE0];
	v13 =	vpop (erf)  }
0x227: {  	v27 =	vld [tilespmem:s22+$0x0];
	vm14 =	vlt.s32 v22, $0xA;
	v16 =	vmul.f32 v16, v25;
	v13 =	vmul.f32 v13, v1  }
0x228: {  	v22 =	vnsel vm14, $0xA, v22;
	v8 =	vld.idx.msk [tilespmem:v8+s20+$0x0], $0xffff;
	(erf) = vpow2.f32 v7;
	v30 =	vmul.f32 v30, v1  }
0x229: {  	s19 =	simm.s32 $0x7C40;
	v17 =	vadd.f32 $1.000000000e+00, v24;
	v10 =	vld.idx.msk [tilespmem:v10+s20+$0x0], $0xffff;
	v7 =	vpop (erf);
	v15 =	vmul.f32 v15, v19;
	(erf) = vpow2.f32 v12  }
0x22a: {  	[tilespmem:s19+$0xFFFFFFC0] =	vst v11;
	v12 =	vld [tilespmem:s22+$0x10];
	v7 =	vmul.f32 v7, v1;
	v19 =	vpop (erf);
	(erf) = vpow2.f32 v5;
	v5 =	vsub.f32 v0, v18  }
0x22b: {  	v34 =	vld.idx.msk [tilespmem:v26+s20+$0x0], $0xffff;
	v32 =	vsub.f32 v0, v13;
	v33 =	vmul.f32 v19, v1;
	v24 =	vmul.f32 v20, v9;
	v13 =	vpop (erf)  }
0x22c: {  	[tilespmem:s19+$0x0] =	vst v14;
	v26 =	vld [tilespmem:s22+$0xFFFFFFD0];
	v30 =	vsub.f32 v0, v30;
	v9 =	vmul.f32 v15, v2;
	v20 =	vmul.f32 $1.442695020e+00, v6;
	v25 =	vpop (erf)  }
0x22d: {  	v35 =	vsub.f32 v0, v7;
	v7 =	vld.idx.msk [tilespmem:v21+s20+$0x0], $0xffff;
	v18 =	vmul.f32 v8, v27;
	v21 =	vmul.f32 v16, v2;
	v11 =	vpop (erf)  }
0x22e: {  	v19 =	vld.idx.msk [tilespmem:v22+s20+$0x0], $0xffff;
	v15 =	vadd.f32 $1.000000000e+00, v23;
	[tilespmem:s19+$0xFFFFFFD0] =	vst v5;
	v9 =	vmul.f32 $1.442695020e+00, v9;
	v14 =	vmul.f32 v11, v1;
	v11 =	vpop (erf)  }
0x22f: {  	s16 =	simm.s32 $0x7CC0;
	v8 =	vld.idx.msk [tilespmem:v28+s20+$0x0], $0xffff;
	v23 =	vadd.f32 $1.000000000e+00, v29;
	[tilespmem:s19+$0x10] =	vst v30;
	v5 =	vmul.f32 v24, v2;
	v29 =	vmul.f32 v25, v1;
	v6 =	vpop (erf)  }
0x230: {  	s17 =	simm.s32 $0x7D40;
	v22 =	vld [tilespmem:s22+$0x30];
	[tilespmem:s16+$0xFFFFFFC0] =	vst v32;
	v16 =	vsub.f32 v0, v33;
	v27 =	vmul.f32 v18, v2;
	v25 =	vmul.f32 v34, v12;
	v24 =	vpop (erf)  }
0x231: {  	s18 =	simm.s32 $0x7D40;
	s24 =	simm.s32 $0x4FC0;
	s23 =	simm.s32 $0x18;
	[tilespmem:s19+$0xFFFFFFE0] =	vst v35;
	v12 =	vld [tilespmem:s22+$0x20];
	v18 =	vsub.f32 v0, v29;
	v14 =	vsub.f32 v0, v14;
	v28 =	vpop (erf);
	(erf) = vpow2.f32 v31  }
.LBB2_6:
0x232: {  	v29 =	vld [tilespmem:s24+$0xFFFFFFC0];
	s23 =	sadd.s32 $0x8, s23;
	v25 =	vmul.f32 v25, v2;
	v28 =	vadd.f32 $1.000000000e+00, v28;
	s18 =	sadd.s32 $0x80, s18;
	(erf) = vrcp.f32 v17;
	[tilespmem:s19+$0x30] =	vst v16  }
0x233: {  	v13 =	vadd.f32 $1.000000000e+00, v13;
	v11 =	vmul.f32 v11, v1;
	v16 =	vld [tilespmem:s24+$0x30];
	p0 =	slt.u32 s23, $0xF0;
	v17 =	vmul.f32 $1.442695020e+00, v27;
	v27 =	vpop (erf);
	[tilespmem:s19+$0x20] =	vst v18  }
0x234: {  	v24 =	vadd.f32 $1.000000000e+00, v24;
	v18 =	vld [tilespmem:s24+$0xFFFFFFE0];
	v19 =	vmul.f32 v19, v26;
	(erf) = vpow2.f32 v20;
	[tilespmem:s19+$0xFFFFFFF0] =	vst v14;
	s19 =	smov.u32 s16;
	s16 =	smov.u32 s17;
	s17 =	smov.u32 s18  }
0x235: {  	v14 =	vld [tilespmem:s24+$0x0];
	v10 =	vmul.f32 v10, v22;
	v20 =	vpop (erf);
	v22 =	vadd.f32 $1.000000000e+00, v27;
	(erf) = vrcp.f32 v23  }
0x236: {  	v26 =	vadd.f32 $1.000000000e+00, v4;
	v23 =	vld [tilespmem:s24+$0xFFFFFFD0];
	v19 =	vmul.f32 v19, v2;
	(erf) = vrcp.f32 v28;
	v4 =	vmovc v20  }
0x237: {  	v30 =	vmul.f32 $1.442695020e+00, v21;
	vm0 =	vlt.s32 v29, $0xA;
	v20 =	vld [tilespmem:s24+$0xFFFFFFF0];
	v10 =	vmul.f32 v10, v2  }
0x238: {  	v27 =	vnsel vm0, $0xA, v29;
	v28 =	vld [tilespmem:s24+$0x10];
	v19 =	vmul.f32 $1.442695020e+00, v19;
	(erf) = vrcp.f32 v15  }
0x239: {  	vm1 =	vlt.s32 v16, $0xA;
	vm0 =	vlt.s32 v18, $0xA;
	v15 =	vld [tilespmem:s24+$0x20];
	(erf) = vrcp.f32 v26  }
0x23a: {  	v18 =	vnsel vm0, $0xA, v18;
	vm0 =	vlt.s32 v14, $0xA;
	(erf) = vpow2.f32 v30;
	v21 =	vpop (erf)  }
0x23b: {  	v29 =	vmul.f32 $1.442695020e+00, v10;
	v14 =	vnsel vm0, $0xA, v14;
	v26 =	vld [tilespmem:s22+$0xFFFFFFF0];
	s22 =	sadd.s32 $0x80, s22;
	v30 =	vpop (erf);
	(erf) = vrcp.f32 v22  }
0x23c: {  	v31 =	vsub.f32 v0, v11;
	v10 =	vnsel vm1, $0xA, v16;
	vm0 =	vlt.s32 v20, $0xA;
	v22 =	vld [tilespmem:s22+$0x0]  }
0x23d: {  	v8 =	vmul.f32 v8, v12;
	v16 =	vld.idx.msk [tilespmem:v27+s20+$0x0], $0xffff;
	vm1 =	vlt.s32 v28, $0xA;
	v12 =	vpop (erf);
	(erf) = vrcp.f32 v13  }
0x23e: {  	v20 =	vnsel vm0, $0xA, v20;
	v13 =	vld [tilespmem:s22+$0xFFFFFFC0];
	v27 =	vnsel vm1, $0xA, v28;
	(erf) = vrcp.f32 v24;
	[tilespmem:s19+$0x0] =	vst v31;
	v11 =	vpop (erf)  }
0x23f: {  	v8 =	vmul.f32 v8, v2;
	vm0 =	vlt.s32 v15, $0xA;
	v18 =	vld.idx.msk [tilespmem:v18+s20+$0x0], $0xffff;
	(erf) = vpow2.f32 v19;
	v19 =	vpop (erf)  }
0x240: {  	vm1 =	vlt.s32 v23, $0xA;
	v31 =	vmul.f32 $1.442695020e+00, v25;
	v14 =	vld.idx.msk [tilespmem:v14+s20+$0x0], $0xffff;
	(erf) = vpow2.f32 v17  }
0x241: {  	v8 =	vmul.f32 $1.442695020e+00, v8;
	v23 =	vnsel vm1, $0xA, v23;
	v17 =	vmul.f32 v19, v1;
	v24 =	vld [tilespmem:s22+$0xFFFFFFE0];
	v19 =	vpop (erf)  }
0x242: {  	v15 =	vnsel vm0, $0xA, v15;
	v10 =	vld.idx.msk [tilespmem:v10+s20+$0x0], $0xffff;
	(erf) = vpow2.f32 v9;
	v9 =	vmul.f32 v30, v1;
	v25 =	vpop (erf)  }
0x243: {  	v28 =	vmul.f32 v19, v1;
	v16 =	vmul.f32 v16, v13;
	v30 =	vld.idx.msk [tilespmem:v20+s20+$0x0], $0xffff;
	v20 =	vsub.f32 v0, v17;
	v13 =	vpop (erf)  }
0x244: {  	v7 =	vmul.f32 v7, v26;
	v17 =	vadd.f32 $1.000000000e+00, v6;
	v33 =	vmul.f32 v25, v1;
	v32 =	vld [tilespmem:s22+$0x10];
	v25 =	vpop (erf)  }
0x245: {  	v16 =	vmul.f32 v16, v2;
	v27 =	vld.idx.msk [tilespmem:v27+s20+$0x0], $0xffff;
	[tilespmem:s16+$0xFFFFFFC0] =	vst v20;
	(erf) = vpow2.f32 v3;
	v3 =	vmov v8  }
0x246: {  	v34 =	vmul.f32 v11, v1;
	v28 =	vsub.f32 v0, v28;
	v19 =	vld.idx.msk [tilespmem:v23+s20+$0x0], $0xffff;
	v18 =	vmul.f32 v18, v24;
	v23 =	vpop (erf)  }
0x247: {  	v20 =	vmul.f32 $1.442695020e+00, v5;
	v5 =	vsub.f32 v0, v9;
	v8 =	vld.idx.msk [tilespmem:v15+s20+$0x0], $0xffff;
	(erf) = vpow2.f32 v29;
	v11 =	vpop (erf)  }
.Ltmp2:
0x248: {  	v29 =	vmul.f32 v14, v22;
	v15 =	vadd.f32 $1.000000000e+00, v12;
	v12 =	vmul.f32 v23, v1;
	v6 =	vpop (erf);
	(pc) =	sbr.rel @p0 .LBB2_6-.Ltmp2, $4  }
0x249: {  	v35 =	vmul.f32 v25, v1;
	v9 =	vmul.f32 $1.442695020e+00, v16;
	v23 =	vadd.f32 $1.000000000e+00, v21;
	v24 =	vpop (erf);
	[tilespmem:s19+$0xFFFFFFD0] =	vst v5  }
0x24a: {  	v34 =	vsub.f32 v0, v34;
	v21 =	vmul.f32 v7, v2;
	v5 =	vmul.f32 v18, v2;
	v26 =	vld [tilespmem:s22+$0xFFFFFFD0];
	[tilespmem:s19+$0xFFFFFFE0] =	vst v28  }
0x24b: {  	v16 =	vsub.f32 v0, v33;
	v14 =	vsub.f32 v0, v12;
	v25 =	vmul.f32 v27, v32;
	v22 =	vld [tilespmem:s22+$0x30];
	v28 =	vpop (erf)  }
0x24c: {  	s24 =	sadd.s32 $0x80, s24;
	v7 =	vmovc v30;
	v18 =	vsub.f32 v0, v35;
	v27 =	vmul.f32 v29, v2;
	v12 =	vld [tilespmem:s22+$0x20];
	(erf) = vpow2.f32 v31;
	[tilespmem:s19+$0x10] =	vst v34  }
0x24d: {  	(erf) = vrcp.f32 v17;
	v17 =	vadd.f32 $1.000000000e+00, v28;
	_ =	sdelay $0x1  }
0x24e: {  	(erf) = vpow2.f32 v20  }
0x24f: {  	(erf) = vrcp.f32 v23  }
0x250: {  	v4 =	vadd.f32 $1.000000000e+00, v4;
	v19 =	vmul.f32 v19, v26;
	(erf) = vrcp.f32 v17;
	v17 =	vpop (erf)  }
0x251: {  	v20 =	vmul.f32 $1.442695020e+00, v21;
	(erf) = vrcp.f32 v15;
	v15 =	vadd.f32 $1.000000000e+00, v17  }
0x252: {  	(erf) = vrcp.f32 v4;
	v4 =	vadd.f32 $1.000000000e+00, v13;
	v13 =	vmul.f32 v19, v2  }
0x253: {  	v17 =	vadd.f32 $1.000000000e+00, v24;
	(erf) = vpow2.f32 v20  }
0x254: {  	v19 =	vpop (erf);
	(erf) = vrcp.f32 v15;
	v13 =	vmul.f32 $1.442695020e+00, v13  }
0x255: {  	v15 =	vpop (erf);
	(erf) = vrcp.f32 v4;
	v4 =	vmul.f32 $1.442695020e+00, v27  }
0x256: {  	v20 =	vpop (erf);
	(erf) = vrcp.f32 v17  }
0x257: {  	v17 =	vpop (erf);
	(erf) = vpow2.f32 v13  }
0x258: {  	v13 =	vpop (erf);
	(erf) = vpow2.f32 v4  }
0x259: {  	v4 =	vpop (erf);
	(erf) = vpow2.f32 v9;
	v9 =	vmul.f32 v10, v22  }
0x25a: {  	v10 =	vpop (erf)  }
0x25b: {  	v21 =	vpop (erf);
	v9 =	vmul.f32 v9, v2  }
0x25c: {  	v23 =	vmul.f32 v25, v2;
	v22 =	vpop (erf)  }
0x25d: {  	v25 =	vpop (erf);
	(erf) = vpow2.f32 v3;
	v3 =	vmul.f32 $1.442695020e+00, v9  }
0x25e: {  	v24 =	vld [tilespmem:s22+$0xFFFFFFF0]  }
0x25f: {  	v23 =	vmul.f32 $1.442695020e+00, v23;
	v9 =	vpop (erf)  }
0x260: {  	v26 =	vpop (erf)  }
0x261: {  	v6 =	vadd.f32 $1.000000000e+00, v6;
	(erf) = vpow2.f32 v3;
	v3 =	vpop (erf)  }
0x262: {  	v5 =	vmul.f32 $1.442695020e+00, v5;
	(erf) = vpow2.f32 v23;
	v27 =	vpop (erf)  }
0x263: {  	v7 =	vmul.f32 v7, v24;
	v15 =	vadd.f32 $1.000000000e+00, v15;
	(erf) = vrcp.f32 v6;
	v23 =	vpop (erf)  }
0x264: {  	(erf) = vpow2.f32 v5;
	v6 =	vadd.f32 $1.000000000e+00, v23  }
0x265: {  	v7 =	vmul.f32 v7, v2;
	v5 =	vadd.f32 $1.000000000e+00, v17;
	(erf) = vrcp.f32 v15  }
0x266: {  	v8 =	vmul.f32 v8, v12;
	(erf) = vrcp.f32 v6;
	v6 =	vadd.f32 $1.000000000e+00, v19  }
0x267: {  	v7 =	vmul.f32 $1.442695020e+00, v7;
	(erf) = vrcp.f32 v5  }
0x268: {  	v12 =	vpop (erf);
	(erf) = vrcp.f32 v6;
	v6 =	vmul.f32 v8, v2  }
0x269: {  	v5 =	vadd.f32 $1.000000000e+00, v12;
	v8 =	vadd.f32 $1.000000000e+00, v22  }
0x26a: {  	(erf) = vpow2.f32 v7;
	v7 =	vadd.f32 $1.000000000e+00, v27  }
0x26b: {  	v12 =	vpop (erf);
	(erf) = vrcp.f32 v5  }
0x26c: {  	v5 =	vmul.f32 $1.442695020e+00, v6;
	v6 =	vpop (erf);
	(erf) = vrcp.f32 v8  }
0x26d: {  	v8 =	vpop (erf);
	(erf) = vrcp.f32 v7  }
0x26e: {  	v4 =	vmul.f32 v4, v1;
	v7 =	vpop (erf);
	(erf) = vpow2.f32 v5  }
0x26f: {  	[tilespmem:s19+$0x30] =	vst v16;
	v16 =	vmul.f32 v20, v1;
	v5 =	vmul.f32 v11, v1;
	v11 =	vpop (erf)  }
0x270: {  	[tilespmem:s19+$0xFFFFFFF0] =	vst v14;
	v4 =	vsub.f32 v0, v4;
	v15 =	vpop (erf)  }
0x271: {  	[tilespmem:s19+$0x20] =	vst v18;
	v13 =	vmul.f32 v13, v1;
	v9 =	vmul.f32 v9, v1;
	v5 =	vsub.f32 v0, v5;
	v17 =	vpop (erf)  }
0x272: {  	v10 =	vmul.f32 v10, v1;
	v14 =	vmul.f32 v21, v1;
	[tilespmem:s17+$0xFFFFFFC0] =	vst v4;
	v3 =	vadd.f32 $1.000000000e+00, v3;
	v18 =	vpop (erf)  }
0x273: {  	v4 =	vmul.f32 v25, v1;
	v6 =	vadd.f32 $1.000000000e+00, v6;
	[tilespmem:s16+$0x0] =	vst v5;
	v5 =	vsub.f32 v0, v16;
	v16 =	vpop (erf)  }
0x274: {  	v10 =	vsub.f32 v0, v10;
	v7 =	vadd.f32 $1.000000000e+00, v7;
	(erf) = vrcp.f32 v3;
	v19 =	vpop (erf)  }
0x275: {  	v4 =	vsub.f32 v0, v4;
	(erf) = vrcp.f32 v6;
	[tilespmem:s16+$0xFFFFFFD0] =	vst v5;
	v5 =	vsub.f32 v0, v9;
	v9 =	vpop (erf)  }
0x276: {  	[tilespmem:s16+$0xFFFFFFE0] =	vst v10;
	v3 =	vsub.f32 v0, v14;
	(erf) = vrcp.f32 v7;
	v7 =	vmul.f32 v15, v1;
	v14 =	vpop (erf)  }
0x277: {  	v10 =	vmul.f32 v26, v1;
	[tilespmem:s16+$0x20] =	vst v4;
	v12 =	vadd.f32 $1.000000000e+00, v12;
	v4 =	vmul.f32 v8, v1;
	v6 =	vpop (erf)  }
0x278: {  	[tilespmem:s16+$0xFFFFFFF0] =	vst v5;
	v5 =	vsub.f32 v0, v7;
	v7 =	vmul.f32 v17, v1;
	v6 =	vadd.f32 $1.000000000e+00, v6  }
0x279: {  	s23 =	sadd.s32 $0x80, s18;
	[tilespmem:s16+$0x30] =	vst v3;
	v3 =	vsub.f32 v0, v10;
	v8 =	vadd.f32 $1.000000000e+00, v16;
	(erf) = vrcp.f32 v12  }
0x27a: {  	[tilespmem:s23+$0xFFFFFFC0] =	vst v5;
	v5 =	vsub.f32 v0, v7;
	(erf) = vrcp.f32 v6;
	v6 =	vmul.f32 v18, v1  }
0x27b: {  	v4 =	vsub.f32 v0, v4;
	[tilespmem:s17+$0x0] =	vst v3;
	v3 =	vmul.f32 v11, v1;
	(erf) = vrcp.f32 v8  }
0x27c: {  	v13 =	vsub.f32 v0, v13;
	[tilespmem:s17+$0xFFFFFFE0] =	vst v5;
	v5 =	vsub.f32 v0, v6  }
0x27d: {  	[tilespmem:s17+$0xFFFFFFD0] =	vst v4;
	v4 =	vmul.f32 v19, v1;
	v3 =	vsub.f32 v0, v3  }
0x27e: {  	[tilespmem:s16+$0x10] =	vst v13;
	v7 =	vmul.f32 v9, v1;
	v6 =	vpop (erf)  }
0x27f: {  	[tilespmem:s17+$0x10] =	vst v3;
	v3 =	vsub.f32 v0, v4;
	v4 =	vmul.f32 v14, v1;
	v8 =	vpop (erf)  }
0x280: {  	v7 =	vsub.f32 v0, v7;
	[tilespmem:s17+$0x30] =	vst v5;
	v6 =	vmul.f32 v6, v1;
	v5 =	vpop (erf)  }
0x281: {  	[tilespmem:s17+$0x20] =	vst v3;
	v3 =	vsub.f32 v0, v4;
	v4 =	vmul.f32 v5, v1  }
0x282: {  	[tilespmem:s17+$0xFFFFFFF0] =	vst v7;
	v7 =	vmul.f32 v8, v1;
	v5 =	vpop (erf);
	v6 =	vsub.f32 v0, v6  }
0x283: {  	[tilespmem:s23+$0x0] =	vst v3;
	v3 =	vmul.f32 v5, v1;
	v5 =	vpop (erf);
	v4 =	vsub.f32 v0, v4  }
0x284: {  	[tilespmem:s23+$0xFFFFFFD0] =	vst v6;
	v6 =	vsub.f32 v0, v7;
	v8 =	vpop (erf);
	v5 =	vmul.f32 v5, v1  }
0x285: {  	v3 =	vsub.f32 v0, v3;
	v7 =	vmul.f32 v8, v1;
	[tilespmem:s23+$0xFFFFFFE0] =	vst v4  }
0x286: {  	[tilespmem:s23+$0x10] =	vst v6;
	v4 =	vsub.f32 v0, v5  }
0x287: {  	[tilespmem:s23+$0x30] =	vst v3;
	v5 =	vsub.f32 v0, v7  }
0x288: {  	[tilespmem:s23+$0x20] =	vst v4  }
0x289: {  	[tilespmem:s23+$0xFFFFFFF0] =	vst v5  }
0x28a: {  	s24 =	simm.s32 $0x7C00;
	s16 =	rddreg [dreg:$0x12]  }
0x28b: {  	[hbm4b:s16+s1] =	stream.linear.scatter [tilespmem:s24], [sflag:$0x9], $0xF80, $0x38;
	[tilespmem:$0x8C80] =	vst v63  }
0x28c: {  	s18 =	simm.s32 $0x1F00;
	s17 =	rddreg [dreg:$0x13]  }
0x28d: {  	[tilespmem:s18], [sflag:$0x3] =	stream.linear.gather [hbm4b:s17+s1], $0xF80, $0x38;
	[tilespmem:$0x8C80] =	vst v63  }
0x28e: {  	s22 =	simm.s32 $0x4D80;
	s19 =	rddreg [dreg:$0x18]  }
0x28f: {  	[tilespmem:s22], [sflag:$0x6] =	stream.linear.gather [hbm4b:s19+s1], $0xF80, $0x38;
	[tilespmem:$0x8C80] =	vst v63  }
0x290: {  	_ =	swait.ge [sflag:s4], $0xF80  }
0x291: {  	[sflag:s4] =	ssyncset.done $0x0  }
0x292: {  	[sflag:s4] =	ssyncadd.s32 $0xFFFFF080  }
0x293: {  	_ =	swait.ge [sflag:s5], $0xF80  }
0x294: {  	[sflag:s5] =	ssyncset.done $0x0  }
0x295: {  	[sflag:s5] =	ssyncadd.s32 $0xFFFFF080  }
0x296: {  	_ =	swait.ge [sflag:s12], $0xF80  }
0x297: {  	[sflag:s12] =	ssyncset.done $0x0  }
0x298: {  	s23 =	simm.s32 $0x2EC0;
	[sflag:s12] =	ssyncadd.s32 $0xFFFFF080  }
0x299: {  	v3 =	vld [tilespmem:s23+$0xFFFFFFC0]  }
0x29a: {  	v4 =	vld [tilespmem:s23+$0xFFFFFFE0]  }
0x29b: {  	v5 =	vld [tilespmem:s23+$0x0]  }
0x29c: {  	v6 =	vld [tilespmem:s23+$0x30]  }
0x29d: {  	v7 =	vld [tilespmem:s23+$0xFFFFFFF0]  }
0x29e: {  	v8 =	vld [tilespmem:s23+$0xFFFFFFD0]  }
0x29f: {  	v9 =	vld [tilespmem:s23+$0x10]  }
0x2a0: {  	s24 =	simm.s32 $0x40;
	v10 =	vld [tilespmem:s23+$0x20]  }
0x2a1: {  	v11 =	vld [tilespmem:s24+$0x0]  }
0x2a2: {  	v12 =	vld [tilespmem:s24+$0xFFFFFFC0]  }
0x2a3: {  	v13 =	vld [tilespmem:s24+$0xFFFFFFE0]  }
0x2a4: {  	v14 =	vld [tilespmem:s24+$0x10]  }
0x2a5: {  	v15 =	vld [tilespmem:s24+$0xFFFFFFD0]  }
0x2a6: {  	s18 =	simm.s32 $0x2F40;
	v16 =	vld [tilespmem:s24+$0x30]  }
0x2a7: {  	v17 =	vld [tilespmem:s18+$0xFFFFFFC0]  }
0x2a8: {  	v18 =	vld [tilespmem:s24+$0x20]  }
0x2a9: {  	v19 =	vld [tilespmem:s18+$0xFFFFFFE0]  }
0x2aa: {  	v20 =	vld [tilespmem:s18+$0x0]  }
0x2ab: {  	v21 =	vld [tilespmem:s18+$0x30];
	vm0 =	vlt.s32 v3, $0xA  }
0x2ac: {  	v22 =	vld [tilespmem:s18+$0xFFFFFFD0];
	vm10 =	vlt.s32 v4, $0xA;
	v3 =	vnsel vm0, $0xA, v3  }
0x2ad: {  	v23 =	vld [tilespmem:s18+$0xFFFFFFF0];
	vm11 =	vlt.s32 v5, $0xA;
	v4 =	vnsel vm10, $0xA, v4  }
0x2ae: {  	v24 =	vld [tilespmem:s18+$0x10];
	vm12 =	vlt.s32 v6, $0xA;
	v5 =	vnsel vm11, $0xA, v5  }
0x2af: {  	v25 =	vld [tilespmem:s24+$0xFFFFFFF0];
	s24 =	simm.s32 $0x3040;
	vm1 =	vlt.s32 v7, $0xA;
	v6 =	vnsel vm12, $0xA, v6  }
0x2b0: {  	v26 =	vld [tilespmem:s24+$0xFFFFFFC0];
	vm13 =	vlt.s32 v9, $0xA;
	v7 =	vnsel vm1, $0xA, v7  }
0x2b1: {  	vm14 =	vlt.s32 v8, $0xA;
	v9 =	vnsel vm13, $0xA, v9;
	v3 =	vld.idx.msk [tilespmem:v3+s20+$0x0], $0xffff  }
0x2b2: {  	vm15 =	vlt.s32 v10, $0xA;
	v8 =	vnsel vm14, $0xA, v8;
	v4 =	vld.idx.msk [tilespmem:v4+s20+$0x0], $0xffff  }
0x2b3: {  	vm4 =	vlt.s32 v17, $0xA;
	v10 =	vnsel vm15, $0xA, v10;
	v5 =	vld.idx.msk [tilespmem:v5+s20+$0x0], $0xffff  }
0x2b4: {  	vm5 =	vlt.s32 v19, $0xA;
	v17 =	vnsel vm4, $0xA, v17;
	v6 =	vld.idx.msk [tilespmem:v6+s20+$0x0], $0xffff  }
0x2b5: {  	vm6 =	vlt.s32 v20, $0xA;
	v19 =	vnsel vm5, $0xA, v19;
	v7 =	vld.idx.msk [tilespmem:v7+s20+$0x0], $0xffff  }
0x2b6: {  	v20 =	vnsel vm6, $0xA, v20;
	v9 =	vld.idx.msk [tilespmem:v9+s20+$0x0], $0xffff  }
0x2b7: {  	v8 =	vld.idx.msk [tilespmem:v8+s20+$0x0], $0xffff  }
0x2b8: {  	v10 =	vld.idx.msk [tilespmem:v10+s20+$0x0], $0xffff  }
0x2b9: {  	v17 =	vld.idx.msk [tilespmem:v17+s20+$0x0], $0xffff  }
0x2ba: {  	v19 =	vld.idx.msk [tilespmem:v19+s20+$0x0], $0xffff  }
0x2bb: {  	vm7 =	vlt.s32 v21, $0xA;
	vm8 =	vlt.s32 v23, $0xA;
	v20 =	vld.idx.msk [tilespmem:v20+s20+$0x0], $0xffff  }
0x2bc: {  	s19 =	simm.s32 $0xC0;
	vm9 =	vlt.s32 v24, $0xA;
	vm10 =	vlt.s32 v22, $0xA;
	v3 =	vmul.f32 v3, v12;
	v12 =	vld [tilespmem:s18+$0x20]  }
0x2bd: {  	v4 =	vmul.f32 v4, v13;
	v13 =	vld [tilespmem:s19+$0x0];
	v8 =	vmul.f32 v8, v15;
	v15 =	vnsel vm7, $0xA, v21  }
0x2be: {  	v22 =	vnsel vm10, $0xA, v22;
	v5 =	vmul.f32 v5, v11;
	v11 =	vld [tilespmem:s19+$0xFFFFFFC0];
	v21 =	vnsel vm8, $0xA, v23  }
0x2bf: {  	v23 =	vnsel vm9, $0xA, v24;
	v24 =	vld [tilespmem:s19+$0xFFFFFFE0];
	v9 =	vmul.f32 v9, v14;
	v6 =	vmul.f32 v6, v16  }
0x2c0: {  	s23 =	simm.s32 $0x140;
	v10 =	vmul.f32 v10, v18;
	v16 =	vld [tilespmem:s19+$0xFFFFFFD0];
	v7 =	vmul.f32 v7, v25  }
0x2c1: {  	v25 =	vld [tilespmem:s23+$0x0];
	v3 =	vmul.f32 v3, v2;
	v8 =	vmul.f32 v8, v2  }
0x2c2: {  	v5 =	vmul.f32 v5, v2;
	v6 =	vmul.f32 v6, v2;
	v14 =	vld.idx.msk [tilespmem:v15+s20+$0x0], $0xffff  }
0x2c3: {  	s22 =	simm.s32 $0x2FC0;
	v3 =	vmul.f32 $1.442695020e+00, v3;
	v8 =	vmul.f32 $1.442695020e+00, v8;
	v15 =	vld.idx.msk [tilespmem:v22+s20+$0x0], $0xffff  }
0x2c4: {  	v5 =	vmul.f32 $1.442695020e+00, v5;
	v11 =	vmul.f32 v17, v11;
	v17 =	vld [tilespmem:s22+$0xFFFFFFC0]  }
0x2c5: {  	v18 =	vmul.f32 v19, v24;
	v19 =	vld [tilespmem:s19+$0x30];
	(erf) = vpow2.f32 v8  }
0x2c6: {  	v9 =	vmul.f32 v9, v2;
	v24 =	vld [tilespmem:s22+$0xFFFFFFD0];
	(erf) = vpow2.f32 v5  }
0x2c7: {  	v6 =	vmul.f32 $1.442695020e+00, v6;
	v8 =	vld.idx.msk [tilespmem:v21+s20+$0x0], $0xffff;
	(erf) = vpow2.f32 v3  }
0x2c8: {  	v9 =	vmul.f32 $1.442695020e+00, v9;
	v21 =	vld [tilespmem:s22+$0xFFFFFFE0]  }
0x2c9: {  	v10 =	vmul.f32 v10, v2;
	vm11 =	vlt.s32 v12, $0xA;
	v5 =	vld [tilespmem:s19+$0x10];
	(erf) = vpow2.f32 v6  }
0x2ca: {  	v4 =	vmul.f32 v4, v2;
	v12 =	vnsel vm11, $0xA, v12;
	(erf) = vpow2.f32 v9;
	v9 =	vld [tilespmem:s22+$0x0]  }
0x2cb: {  	v7 =	vmul.f32 v7, v2;
	v10 =	vmul.f32 $1.442695020e+00, v10;
	v3 =	vld.idx.msk [tilespmem:v23+s20+$0x0], $0xffff  }
0x2cc: {  	v4 =	vmul.f32 $1.442695020e+00, v4;
	v6 =	vmul.f32 v20, v13;
	v13 =	vld [tilespmem:s19+$0x20];
	vm12 =	vlt.s32 v17, $0xA  }
0x2cd: {  	v11 =	vmul.f32 v11, v2;
	v15 =	vmul.f32 v15, v16;
	v16 =	vld [tilespmem:s22+$0xFFFFFFF0];
	v17 =	vnsel vm12, $0xA, v17  }
0x2ce: {  	vm8 =	vlt.s32 v26, $0xA;
	v7 =	vmul.f32 $1.442695020e+00, v7;
	v14 =	vmul.f32 v14, v19;
	v19 =	vld [tilespmem:s22+$0x20];
	v20 =	vpop (erf)  }
0x2cf: {  	v18 =	vmul.f32 v18, v2;
	v11 =	vmul.f32 $1.442695020e+00, v11;
	v12 =	vld.idx.msk [tilespmem:v12+s20+$0x0], $0xffff;
	vm14 =	vlt.s32 v9, $0xA;
	v22 =	vpop (erf)  }
0x2d0: {  	v6 =	vmul.f32 v6, v2;
	(erf) = vpow2.f32 v4;
	v4 =	vld [tilespmem:s22+$0x10];
	v9 =	vnsel vm14, $0xA, v9;
	v23 =	vpop (erf)  }
0x2d1: {  	vm13 =	vlt.s32 v21, $0xA;
	v3 =	vmul.f32 v3, v5;
	v5 =	vld [tilespmem:s22+$0x30];
	v23 =	vadd.f32 $1.000000000e+00, v23  }
0x2d2: {  	v15 =	vmul.f32 v15, v2;
	v21 =	vnsel vm13, $0xA, v21;
	v14 =	vmul.f32 v14, v2;
	v17 =	vld.idx.msk [tilespmem:v17+s20+$0x0], $0xffff  }
0x2d3: {  	vm5 =	vlt.s32 v24, $0xA;
	v6 =	vmul.f32 $1.442695020e+00, v6;
	(erf) = vrcp.f32 v23;
	v23 =	vld [tilespmem:s19+$0xFFFFFFF0]  }
0x2d4: {  	v15 =	vmul.f32 $1.442695020e+00, v15;
	v22 =	vadd.f32 $1.000000000e+00, v22;
	(erf) = vpow2.f32 v7;
	v7 =	vld [tilespmem:s23+$0xFFFFFFC0]  }
0x2d5: {  	v14 =	vmul.f32 $1.442695020e+00, v14;
	vm4 =	vlt.s32 v4, $0xA;
	v12 =	vmul.f32 v12, v13;
	v9 =	vld.idx.msk [tilespmem:v9+s20+$0x0], $0xffff  }
0x2d6: {  	v3 =	vmul.f32 v3, v2;
	v4 =	vnsel vm4, $0xA, v4;
	(erf) = vrcp.f32 v22  }
0x2d7: {  	v24 =	vnsel vm5, $0xA, v24;
	v21 =	vld.idx.msk [tilespmem:v21+s20+$0x0], $0xffff;
	v13 =	vpop (erf);
	v12 =	vmul.f32 v12, v2;
	(erf) = vpow2.f32 v15  }
0x2d8: {  	vm6 =	vlt.s32 v16, $0xA;
	v3 =	vmul.f32 $1.442695020e+00, v3;
	v15 =	vpop (erf);
	(erf) = vpow2.f32 v6;
	v6 =	vld [tilespmem:s23+$0xFFFFFFE0]  }
0x2d9: {  	v28 =	vld [tilespmem:s24+$0x20];
	vm7 =	vlt.s32 v19, $0xA;
	v12 =	vmul.f32 $1.442695020e+00, v12;
	v8 =	vmul.f32 v8, v23  }
0x2da: {  	vm15 =	vlt.s32 v5, $0xA;
	v7 =	vmul.f32 v17, v7;
	v9 =	vmul.f32 v9, v25  }
0x2db: {  	v5 =	vnsel vm15, $0xA, v5;
	v4 =	vld.idx.msk [tilespmem:v4+s20+$0x0], $0xffff;
	v22 =	vpop (erf);
	(erf) = vpow2.f32 v11;
	v8 =	vmul.f32 v8, v2  }
0x2dc: {  	v16 =	vnsel vm6, $0xA, v16;
	v17 =	vld [tilespmem:s23+$0x10];
	v7 =	vmul.f32 v7, v2;
	v9 =	vmul.f32 v9, v2  }
0x2dd: {  	v20 =	vadd.f32 $1.000000000e+00, v20;
	v23 =	vld [tilespmem:s23+$0xFFFFFFD0];
	v11 =	vpop (erf);
	(erf) = vpow2.f32 v10;
	v6 =	vmul.f32 v21, v6  }
0x2de: {  	vm15 =	vlt.s32 v28, $0xA;
	v10 =	vmul.f32 $1.442695020e+00, v18;
	v21 =	vld.idx.msk [tilespmem:v24+s20+$0x0], $0xffff;
	v8 =	vmul.f32 $1.442695020e+00, v8  }
0x2df: {  	v18 =	vnsel vm7, $0xA, v19;
	v11 =	vmul.f32 v11, v1;
	v19 =	vpop (erf);
	(erf) = vpow2.f32 v14  }
0x2e0: {  	v28 =	vnsel vm15, $0xA, v28;
	v5 =	vld.idx.msk [tilespmem:v5+s20+$0x0], $0xffff;
	v7 =	vmul.f32 $1.442695020e+00, v7;
	v9 =	vmul.f32 $1.442695020e+00, v9;
	v14 =	vpop (erf)  }
0x2e1: {  	v22 =	vadd.f32 $1.000000000e+00, v22;
	v4 =	vmul.f32 v4, v17;
	v17 =	vld [tilespmem:s23+$0x30];
	(erf) = vpow2.f32 v3;
	v24 =	vpop (erf)  }
0x2e2: {  	v3 =	vadd.f32 $1.000000000e+00, v15;
	(erf) = vrcp.f32 v20;
	v14 =	vmul.f32 v14, v1;
	v20 =	vld [tilespmem:s24+$0xFFFFFFE0];
	v25 =	vpop (erf)  }
0x2e3: {  	(erf) = vpow2.f32 v10;
	v21 =	vmul.f32 v21, v23;
	v23 =	vadd.f32 $1.000000000e+00, v25;
	v25 =	vld [tilespmem:s24+$0x0]  }
0x2e4: {  	v19 =	vadd.f32 $1.000000000e+00, v19;
	v27 =	vmul.f32 v4, v2;
	v15 =	vpop (erf);
	(erf) = vrcp.f32 v3;
	v3 =	vld.idx.msk [tilespmem:v18+s20+$0x0], $0xffff  }
0x2e5: {  	v6 =	vmul.f32 v6, v2;
	v11 =	vsub.f32 v0, v11;
	v18 =	vld [tilespmem:s23+$0x20];
	v4 =	vadd.f32 $1.000000000e+00, v15  }
0x2e6: {  	v14 =	vsub.f32 v0, v14;
	v15 =	vld [tilespmem:s24+$0x30];
	v31 =	vmul.f32 $1.442695020e+00, v27;
	v5 =	vmul.f32 v5, v17  }
0x2e7: {  	v17 =	vmul.f32 v21, v2;
	(erf) = vrcp.f32 v4;
	v4 =	vadd.f32 $1.000000000e+00, v13  }
0x2e8: {  	v21 =	vnsel vm8, $0xA, v26;
	v26 =	vld [tilespmem:s24+$0x10];
	vm9 =	vlt.s32 v20, $0xA;
	v5 =	vmul.f32 v5, v2  }
0x2e9: {  	v13 =	vld [tilespmem:s24+$0xFFFFFFF0];
	v10 =	vpop (erf);
	v17 =	vmul.f32 $1.442695020e+00, v17;
	(erf) = vrcp.f32 v22;
	v20 =	vnsel vm9, $0xA, v20  }
0x2ea: {  	v16 =	vld.idx.msk [tilespmem:v16+s20+$0x0], $0xffff;
	v10 =	vadd.f32 $1.000000000e+00, v10;
	(erf) = vrcp.f32 v4;
	vm11 =	vlt.s32 v25, $0xA  }
0x2eb: {  	v22 =	vld [tilespmem:s24+$0xFFFFFFD0];
	v3 =	vmul.f32 v3, v18;
	vm10 =	vlt.s32 v15, $0xA;
	(erf) = vpow2.f32 v8;
	v4 =	vpop (erf)  }
0x2ec: {  	v8 =	vnsel vm11, $0xA, v25;
	v5 =	vmul.f32 $1.442695020e+00, v5;
	v25 =	vld [tilespmem:s23+$0xFFFFFFF0];
	(erf) = vrcp.f32 v10;
	v29 =	vpop (erf)  }
0x2ed: {  	s22 =	simm.s32 $0x1C0;
	v10 =	vnsel vm10, $0xA, v15;
	v15 =	vld.idx.msk [tilespmem:v21+s20+$0x0], $0xffff;
	v3 =	vmul.f32 v3, v2;
	(erf) = vrcp.f32 v19;
	v18 =	vpop (erf)  }
0x2ee: {  	vm13 =	vlt.s32 v26, $0xA;
	vm12 =	vlt.s32 v13, $0xA;
	v19 =	vld [tilespmem:s22+$0xFFFFFFC0];
	(erf) = vrcp.f32 v23;
	v23 =	vpop (erf)  }
0x2ef: {  	v26 =	vnsel vm13, $0xA, v26;
	v20 =	vld.idx.msk [tilespmem:v20+s20+$0x0], $0xffff;
	v3 =	vmul.f32 $1.442695020e+00, v3;
	(erf) = vpow2.f32 v17;
	v30 =	vpop (erf)  }
0x2f0: {  	v21 =	vnsel vm12, $0xA, v13;
	v18 =	vmul.f32 v18, v1;
	(erf) = vpow2.f32 v9;
	v9 =	vld [tilespmem:s22+$0xFFFFFFE0];
	v13 =	vpop (erf)  }
0x2f1: {  	v27 =	vld [tilespmem:s22+$0x0];
	vm14 =	vlt.s32 v22, $0xA;
	v16 =	vmul.f32 v16, v25;
	v13 =	vmul.f32 v13, v1  }
0x2f2: {  	v22 =	vnsel vm14, $0xA, v22;
	v8 =	vld.idx.msk [tilespmem:v8+s20+$0x0], $0xffff;
	(erf) = vpow2.f32 v7;
	v30 =	vmul.f32 v30, v1  }
0x2f3: {  	s19 =	simm.s32 $0x5D40;
	v17 =	vadd.f32 $1.000000000e+00, v24;
	v10 =	vld.idx.msk [tilespmem:v10+s20+$0x0], $0xffff;
	v7 =	vpop (erf);
	v15 =	vmul.f32 v15, v19;
	(erf) = vpow2.f32 v12  }
0x2f4: {  	[tilespmem:s19+$0xFFFFFFC0] =	vst v11;
	v12 =	vld [tilespmem:s22+$0x10];
	v7 =	vmul.f32 v7, v1;
	v19 =	vpop (erf);
	(erf) = vpow2.f32 v5;
	v5 =	vsub.f32 v0, v18  }
0x2f5: {  	v34 =	vld.idx.msk [tilespmem:v26+s20+$0x0], $0xffff;
	v32 =	vsub.f32 v0, v13;
	v33 =	vmul.f32 v19, v1;
	v24 =	vmul.f32 v20, v9;
	v13 =	vpop (erf)  }
0x2f6: {  	[tilespmem:s19+$0x0] =	vst v14;
	v26 =	vld [tilespmem:s22+$0xFFFFFFD0];
	v30 =	vsub.f32 v0, v30;
	v9 =	vmul.f32 v15, v2;
	v20 =	vmul.f32 $1.442695020e+00, v6;
	v25 =	vpop (erf)  }
0x2f7: {  	v35 =	vsub.f32 v0, v7;
	v7 =	vld.idx.msk [tilespmem:v21+s20+$0x0], $0xffff;
	v18 =	vmul.f32 v8, v27;
	v21 =	vmul.f32 v16, v2;
	v11 =	vpop (erf)  }
0x2f8: {  	v19 =	vld.idx.msk [tilespmem:v22+s20+$0x0], $0xffff;
	v15 =	vadd.f32 $1.000000000e+00, v23;
	[tilespmem:s19+$0xFFFFFFD0] =	vst v5;
	v9 =	vmul.f32 $1.442695020e+00, v9;
	v14 =	vmul.f32 v11, v1;
	v11 =	vpop (erf)  }
0x2f9: {  	s16 =	simm.s32 $0x5DC0;
	v8 =	vld.idx.msk [tilespmem:v28+s20+$0x0], $0xffff;
	v23 =	vadd.f32 $1.000000000e+00, v29;
	[tilespmem:s19+$0x10] =	vst v30;
	v5 =	vmul.f32 v24, v2;
	v29 =	vmul.f32 v25, v1;
	v6 =	vpop (erf)  }
0x2fa: {  	s17 =	simm.s32 $0x5E40;
	v22 =	vld [tilespmem:s22+$0x30];
	[tilespmem:s16+$0xFFFFFFC0] =	vst v32;
	v16 =	vsub.f32 v0, v33;
	v27 =	vmul.f32 v18, v2;
	v25 =	vmul.f32 v34, v12;
	v24 =	vpop (erf)  }
0x2fb: {  	s18 =	simm.s32 $0x5E40;
	s24 =	simm.s32 $0x30C0;
	s23 =	simm.s32 $0x18;
	[tilespmem:s19+$0xFFFFFFE0] =	vst v35;
	v12 =	vld [tilespmem:s22+$0x20];
	v18 =	vsub.f32 v0, v29;
	v14 =	vsub.f32 v0, v14;
	v28 =	vpop (erf);
	(erf) = vpow2.f32 v31  }
.LBB2_8:
0x2fc: {  	v29 =	vld [tilespmem:s24+$0xFFFFFFC0];
	s23 =	sadd.s32 $0x8, s23;
	v25 =	vmul.f32 v25, v2;
	v28 =	vadd.f32 $1.000000000e+00, v28;
	s18 =	sadd.s32 $0x80, s18;
	(erf) = vrcp.f32 v17;
	[tilespmem:s19+$0x30] =	vst v16  }
0x2fd: {  	v13 =	vadd.f32 $1.000000000e+00, v13;
	v11 =	vmul.f32 v11, v1;
	v16 =	vld [tilespmem:s24+$0x30];
	p0 =	slt.u32 s23, $0xF0;
	v17 =	vmul.f32 $1.442695020e+00, v27;
	v27 =	vpop (erf);
	[tilespmem:s19+$0x20] =	vst v18  }
0x2fe: {  	v24 =	vadd.f32 $1.000000000e+00, v24;
	v18 =	vld [tilespmem:s24+$0xFFFFFFE0];
	v19 =	vmul.f32 v19, v26;
	(erf) = vpow2.f32 v20;
	[tilespmem:s19+$0xFFFFFFF0] =	vst v14;
	s19 =	smov.u32 s16;
	s16 =	smov.u32 s17;
	s17 =	smov.u32 s18  }
0x2ff: {  	v14 =	vld [tilespmem:s24+$0x0];
	v10 =	vmul.f32 v10, v22;
	v20 =	vpop (erf);
	v22 =	vadd.f32 $1.000000000e+00, v27;
	(erf) = vrcp.f32 v23  }
0x300: {  	v26 =	vadd.f32 $1.000000000e+00, v4;
	v23 =	vld [tilespmem:s24+$0xFFFFFFD0];
	v19 =	vmul.f32 v19, v2;
	(erf) = vrcp.f32 v28;
	v4 =	vmovc v20  }
0x301: {  	v30 =	vmul.f32 $1.442695020e+00, v21;
	vm0 =	vlt.s32 v29, $0xA;
	v20 =	vld [tilespmem:s24+$0xFFFFFFF0];
	v10 =	vmul.f32 v10, v2  }
0x302: {  	v27 =	vnsel vm0, $0xA, v29;
	v28 =	vld [tilespmem:s24+$0x10];
	v19 =	vmul.f32 $1.442695020e+00, v19;
	(erf) = vrcp.f32 v15  }
0x303: {  	vm1 =	vlt.s32 v16, $0xA;
	vm0 =	vlt.s32 v18, $0xA;
	v15 =	vld [tilespmem:s24+$0x20];
	(erf) = vrcp.f32 v26  }
0x304: {  	v18 =	vnsel vm0, $0xA, v18;
	vm0 =	vlt.s32 v14, $0xA;
	(erf) = vpow2.f32 v30;
	v21 =	vpop (erf)  }
0x305: {  	v29 =	vmul.f32 $1.442695020e+00, v10;
	v14 =	vnsel vm0, $0xA, v14;
	v26 =	vld [tilespmem:s22+$0xFFFFFFF0];
	s22 =	sadd.s32 $0x80, s22;
	v30 =	vpop (erf);
	(erf) = vrcp.f32 v22  }
0x306: {  	v31 =	vsub.f32 v0, v11;
	v10 =	vnsel vm1, $0xA, v16;
	vm0 =	vlt.s32 v20, $0xA;
	v22 =	vld [tilespmem:s22+$0x0]  }
0x307: {  	v8 =	vmul.f32 v8, v12;
	v16 =	vld.idx.msk [tilespmem:v27+s20+$0x0], $0xffff;
	vm1 =	vlt.s32 v28, $0xA;
	v12 =	vpop (erf);
	(erf) = vrcp.f32 v13  }
0x308: {  	v20 =	vnsel vm0, $0xA, v20;
	v13 =	vld [tilespmem:s22+$0xFFFFFFC0];
	v27 =	vnsel vm1, $0xA, v28;
	(erf) = vrcp.f32 v24;
	[tilespmem:s19+$0x0] =	vst v31;
	v11 =	vpop (erf)  }
0x309: {  	v8 =	vmul.f32 v8, v2;
	vm0 =	vlt.s32 v15, $0xA;
	v18 =	vld.idx.msk [tilespmem:v18+s20+$0x0], $0xffff;
	(erf) = vpow2.f32 v19;
	v19 =	vpop (erf)  }
0x30a: {  	vm1 =	vlt.s32 v23, $0xA;
	v31 =	vmul.f32 $1.442695020e+00, v25;
	v14 =	vld.idx.msk [tilespmem:v14+s20+$0x0], $0xffff;
	(erf) = vpow2.f32 v17  }
0x30b: {  	v8 =	vmul.f32 $1.442695020e+00, v8;
	v23 =	vnsel vm1, $0xA, v23;
	v17 =	vmul.f32 v19, v1;
	v24 =	vld [tilespmem:s22+$0xFFFFFFE0];
	v19 =	vpop (erf)  }
0x30c: {  	v15 =	vnsel vm0, $0xA, v15;
	v10 =	vld.idx.msk [tilespmem:v10+s20+$0x0], $0xffff;
	(erf) = vpow2.f32 v9;
	v9 =	vmul.f32 v30, v1;
	v25 =	vpop (erf)  }
0x30d: {  	v28 =	vmul.f32 v19, v1;
	v16 =	vmul.f32 v16, v13;
	v30 =	vld.idx.msk [tilespmem:v20+s20+$0x0], $0xffff;
	v20 =	vsub.f32 v0, v17;
	v13 =	vpop (erf)  }
0x30e: {  	v7 =	vmul.f32 v7, v26;
	v17 =	vadd.f32 $1.000000000e+00, v6;
	v33 =	vmul.f32 v25, v1;
	v32 =	vld [tilespmem:s22+$0x10];
	v25 =	vpop (erf)  }
0x30f: {  	v16 =	vmul.f32 v16, v2;
	v27 =	vld.idx.msk [tilespmem:v27+s20+$0x0], $0xffff;
	[tilespmem:s16+$0xFFFFFFC0] =	vst v20;
	(erf) = vpow2.f32 v3;
	v3 =	vmov v8  }
0x310: {  	v34 =	vmul.f32 v11, v1;
	v28 =	vsub.f32 v0, v28;
	v19 =	vld.idx.msk [tilespmem:v23+s20+$0x0], $0xffff;
	v18 =	vmul.f32 v18, v24;
	v23 =	vpop (erf)  }
0x311: {  	v20 =	vmul.f32 $1.442695020e+00, v5;
	v5 =	vsub.f32 v0, v9;
	v8 =	vld.idx.msk [tilespmem:v15+s20+$0x0], $0xffff;
	(erf) = vpow2.f32 v29;
	v11 =	vpop (erf)  }
.Ltmp3:
0x312: {  	v29 =	vmul.f32 v14, v22;
	v15 =	vadd.f32 $1.000000000e+00, v12;
	v12 =	vmul.f32 v23, v1;
	v6 =	vpop (erf);
	(pc) =	sbr.rel @p0 .LBB2_8-.Ltmp3, $4  }
0x313: {  	v35 =	vmul.f32 v25, v1;
	v9 =	vmul.f32 $1.442695020e+00, v16;
	v23 =	vadd.f32 $1.000000000e+00, v21;
	v24 =	vpop (erf);
	[tilespmem:s19+$0xFFFFFFD0] =	vst v5  }
0x314: {  	v34 =	vsub.f32 v0, v34;
	v21 =	vmul.f32 v7, v2;
	v5 =	vmul.f32 v18, v2;
	v26 =	vld [tilespmem:s22+$0xFFFFFFD0];
	[tilespmem:s19+$0xFFFFFFE0] =	vst v28  }
0x315: {  	v16 =	vsub.f32 v0, v33;
	v14 =	vsub.f32 v0, v12;
	v25 =	vmul.f32 v27, v32;
	v22 =	vld [tilespmem:s22+$0x30];
	v28 =	vpop (erf)  }
0x316: {  	s24 =	sadd.s32 $0x80, s24;
	v7 =	vmovc v30;
	v18 =	vsub.f32 v0, v35;
	v27 =	vmul.f32 v29, v2;
	v12 =	vld [tilespmem:s22+$0x20];
	(erf) = vpow2.f32 v31;
	[tilespmem:s19+$0x10] =	vst v34  }
0x317: {  	(erf) = vrcp.f32 v17;
	v17 =	vadd.f32 $1.000000000e+00, v28;
	_ =	sdelay $0x1  }
0x318: {  	(erf) = vpow2.f32 v20  }
0x319: {  	(erf) = vrcp.f32 v23  }
0x31a: {  	v4 =	vadd.f32 $1.000000000e+00, v4;
	v19 =	vmul.f32 v19, v26;
	(erf) = vrcp.f32 v17;
	v17 =	vpop (erf)  }
0x31b: {  	v20 =	vmul.f32 $1.442695020e+00, v21;
	(erf) = vrcp.f32 v15;
	v15 =	vadd.f32 $1.000000000e+00, v17  }
0x31c: {  	(erf) = vrcp.f32 v4;
	v4 =	vadd.f32 $1.000000000e+00, v13;
	v13 =	vmul.f32 v19, v2  }
0x31d: {  	v17 =	vadd.f32 $1.000000000e+00, v24;
	(erf) = vpow2.f32 v20  }
0x31e: {  	v19 =	vpop (erf);
	(erf) = vrcp.f32 v15;
	v13 =	vmul.f32 $1.442695020e+00, v13  }
0x31f: {  	v15 =	vpop (erf);
	(erf) = vrcp.f32 v4;
	v4 =	vmul.f32 $1.442695020e+00, v27  }
0x320: {  	v20 =	vpop (erf);
	(erf) = vrcp.f32 v17  }
0x321: {  	v17 =	vpop (erf);
	(erf) = vpow2.f32 v13  }
0x322: {  	v13 =	vpop (erf);
	(erf) = vpow2.f32 v4  }
0x323: {  	v4 =	vpop (erf);
	(erf) = vpow2.f32 v9;
	v9 =	vmul.f32 v10, v22  }
0x324: {  	v10 =	vpop (erf)  }
0x325: {  	v21 =	vpop (erf);
	v9 =	vmul.f32 v9, v2  }
0x326: {  	v23 =	vmul.f32 v25, v2;
	v22 =	vpop (erf)  }
0x327: {  	v25 =	vpop (erf);
	(erf) = vpow2.f32 v3;
	v3 =	vmul.f32 $1.442695020e+00, v9  }
0x328: {  	v24 =	vld [tilespmem:s22+$0xFFFFFFF0]  }
0x329: {  	v23 =	vmul.f32 $1.442695020e+00, v23;
	v9 =	vpop (erf)  }
0x32a: {  	v26 =	vpop (erf)  }
0x32b: {  	v6 =	vadd.f32 $1.000000000e+00, v6;
	(erf) = vpow2.f32 v3;
	v3 =	vpop (erf)  }
0x32c: {  	v5 =	vmul.f32 $1.442695020e+00, v5;
	(erf) = vpow2.f32 v23;
	v27 =	vpop (erf)  }
0x32d: {  	v7 =	vmul.f32 v7, v24;
	v15 =	vadd.f32 $1.000000000e+00, v15;
	(erf) = vrcp.f32 v6;
	v23 =	vpop (erf)  }
0x32e: {  	(erf) = vpow2.f32 v5;
	v6 =	vadd.f32 $1.000000000e+00, v23  }
0x32f: {  	v7 =	vmul.f32 v7, v2;
	v5 =	vadd.f32 $1.000000000e+00, v17;
	(erf) = vrcp.f32 v15  }
0x330: {  	v8 =	vmul.f32 v8, v12;
	(erf) = vrcp.f32 v6;
	v6 =	vadd.f32 $1.000000000e+00, v19  }
0x331: {  	v7 =	vmul.f32 $1.442695020e+00, v7;
	(erf) = vrcp.f32 v5  }
0x332: {  	v12 =	vpop (erf);
	(erf) = vrcp.f32 v6;
	v6 =	vmul.f32 v8, v2  }
0x333: {  	v5 =	vadd.f32 $1.000000000e+00, v12;
	v8 =	vadd.f32 $1.000000000e+00, v22  }
0x334: {  	(erf) = vpow2.f32 v7;
	v7 =	vadd.f32 $1.000000000e+00, v27  }
0x335: {  	v12 =	vpop (erf);
	(erf) = vrcp.f32 v5  }
0x336: {  	v5 =	vmul.f32 $1.442695020e+00, v6;
	v6 =	vpop (erf);
	(erf) = vrcp.f32 v8  }
0x337: {  	v8 =	vpop (erf);
	(erf) = vrcp.f32 v7  }
0x338: {  	v4 =	vmul.f32 v4, v1;
	v7 =	vpop (erf);
	(erf) = vpow2.f32 v5  }
0x339: {  	[tilespmem:s19+$0x30] =	vst v16;
	v16 =	vmul.f32 v20, v1;
	v5 =	vmul.f32 v11, v1;
	v11 =	vpop (erf)  }
0x33a: {  	[tilespmem:s19+$0xFFFFFFF0] =	vst v14;
	v4 =	vsub.f32 v0, v4;
	v15 =	vpop (erf)  }
0x33b: {  	[tilespmem:s19+$0x20] =	vst v18;
	v13 =	vmul.f32 v13, v1;
	v9 =	vmul.f32 v9, v1;
	v5 =	vsub.f32 v0, v5;
	v17 =	vpop (erf)  }
0x33c: {  	v10 =	vmul.f32 v10, v1;
	v14 =	vmul.f32 v21, v1;
	[tilespmem:s17+$0xFFFFFFC0] =	vst v4;
	v3 =	vadd.f32 $1.000000000e+00, v3;
	v18 =	vpop (erf)  }
0x33d: {  	v4 =	vmul.f32 v25, v1;
	v6 =	vadd.f32 $1.000000000e+00, v6;
	[tilespmem:s16+$0x0] =	vst v5;
	v5 =	vsub.f32 v0, v16;
	v16 =	vpop (erf)  }
0x33e: {  	v10 =	vsub.f32 v0, v10;
	v7 =	vadd.f32 $1.000000000e+00, v7;
	(erf) = vrcp.f32 v3;
	v19 =	vpop (erf)  }
0x33f: {  	v4 =	vsub.f32 v0, v4;
	(erf) = vrcp.f32 v6;
	[tilespmem:s16+$0xFFFFFFD0] =	vst v5;
	v5 =	vsub.f32 v0, v9;
	v9 =	vpop (erf)  }
0x340: {  	[tilespmem:s16+$0xFFFFFFE0] =	vst v10;
	v3 =	vsub.f32 v0, v14;
	(erf) = vrcp.f32 v7;
	v7 =	vmul.f32 v15, v1;
	v14 =	vpop (erf)  }
0x341: {  	v10 =	vmul.f32 v26, v1;
	[tilespmem:s16+$0x20] =	vst v4;
	v12 =	vadd.f32 $1.000000000e+00, v12;
	v4 =	vmul.f32 v8, v1;
	v6 =	vpop (erf)  }
0x342: {  	[tilespmem:s16+$0xFFFFFFF0] =	vst v5;
	v5 =	vsub.f32 v0, v7;
	v7 =	vmul.f32 v17, v1;
	v6 =	vadd.f32 $1.000000000e+00, v6  }
0x343: {  	s18 =	sadd.s32 $0x80, s18;
	[tilespmem:s16+$0x30] =	vst v3;
	v3 =	vsub.f32 v0, v10;
	v8 =	vadd.f32 $1.000000000e+00, v16;
	(erf) = vrcp.f32 v12  }
0x344: {  	[tilespmem:s18+$0xFFFFFFC0] =	vst v5;
	v5 =	vsub.f32 v0, v7;
	(erf) = vrcp.f32 v6;
	v6 =	vmul.f32 v18, v1  }
0x345: {  	v4 =	vsub.f32 v0, v4;
	[tilespmem:s17+$0x0] =	vst v3;
	v3 =	vmul.f32 v11, v1;
	(erf) = vrcp.f32 v8  }
0x346: {  	v13 =	vsub.f32 v0, v13;
	[tilespmem:s17+$0xFFFFFFE0] =	vst v5;
	v5 =	vsub.f32 v0, v6  }
0x347: {  	[tilespmem:s17+$0xFFFFFFD0] =	vst v4;
	v4 =	vmul.f32 v19, v1;
	v3 =	vsub.f32 v0, v3  }
0x348: {  	[tilespmem:s16+$0x10] =	vst v13;
	v7 =	vmul.f32 v9, v1;
	v6 =	vpop (erf)  }
0x349: {  	[tilespmem:s17+$0x10] =	vst v3;
	v3 =	vsub.f32 v0, v4;
	v4 =	vmul.f32 v14, v1;
	v8 =	vpop (erf)  }
0x34a: {  	v7 =	vsub.f32 v0, v7;
	[tilespmem:s17+$0x30] =	vst v5;
	v6 =	vmul.f32 v6, v1;
	v5 =	vpop (erf)  }
0x34b: {  	[tilespmem:s17+$0x20] =	vst v3;
	v3 =	vsub.f32 v0, v4;
	v4 =	vmul.f32 v5, v1  }
0x34c: {  	[tilespmem:s17+$0xFFFFFFF0] =	vst v7;
	v7 =	vmul.f32 v8, v1;
	v5 =	vpop (erf);
	v6 =	vsub.f32 v0, v6  }
0x34d: {  	[tilespmem:s18+$0x0] =	vst v3;
	v3 =	vmul.f32 v5, v1;
	v5 =	vpop (erf);
	v4 =	vsub.f32 v0, v4  }
0x34e: {  	[tilespmem:s18+$0xFFFFFFD0] =	vst v6;
	v6 =	vsub.f32 v0, v7;
	v8 =	vpop (erf);
	v5 =	vmul.f32 v5, v1  }
0x34f: {  	v3 =	vsub.f32 v0, v3;
	v7 =	vmul.f32 v8, v1;
	[tilespmem:s18+$0xFFFFFFE0] =	vst v4  }
0x350: {  	[tilespmem:s18+$0x10] =	vst v6;
	v4 =	vsub.f32 v0, v5  }
0x351: {  	[tilespmem:s18+$0x30] =	vst v3;
	v5 =	vsub.f32 v0, v7  }
0x352: {  	[tilespmem:s18+$0x20] =	vst v4  }
0x353: {  	[tilespmem:s18+$0xFFFFFFF0] =	vst v5  }
0x354: {  	s16 =	rddreg [dreg:$0x14]  }
0x355: {  	[hbm4b:s16+s1] =	stream.linear.scatter [tilespmem:s6], [sflag:$0x7], $0xF80, $0x38;
	[tilespmem:$0x8C80] =	vst v63  }
0x356: {  	s19 =	rddreg [dreg:$0x15]  }
0x357: {  	[tilespmem:s1], [sflag:$0x1] =	stream.linear.gather [hbm4b:s19+s1], $0xF80, $0x38;
	[tilespmem:$0x8C80] =	vst v63  }
0x358: {  	s22 =	rddreg [dreg:$0x19]  }
0x359: {  	[tilespmem:s31], [sflag:$0x4] =	stream.linear.gather [hbm4b:s22+s1], $0xF80, $0x38;
	[tilespmem:$0x8C80] =	vst v63  }
0x35a: {  	_ =	swait.ge [sflag:s7], $0xF80  }
0x35b: {  	[sflag:s7] =	ssyncset.done $0x0  }
0x35c: {  	[sflag:s7] =	ssyncadd.s32 $0xFFFFF080  }
0x35d: {  	_ =	swait.ge [sflag:s8], $0xF80  }
0x35e: {  	[sflag:s8] =	ssyncset.done $0x0  }
0x35f: {  	[sflag:s8] =	ssyncadd.s32 $0xFFFFF080  }
0x360: {  	_ =	swait.ge [sflag:s13], $0xF80  }
0x361: {  	[sflag:s13] =	ssyncset.done $0x0  }
0x362: {  	s23 =	simm.s32 $0x3E40;
	[sflag:s13] =	ssyncadd.s32 $0xFFFFF080  }
0x363: {  	v3 =	vld [tilespmem:s23+$0xFFFFFFC0]  }
0x364: {  	v4 =	vld [tilespmem:s23+$0xFFFFFFE0]  }
0x365: {  	v5 =	vld [tilespmem:s23+$0x0]  }
0x366: {  	v6 =	vld [tilespmem:s23+$0x30]  }
0x367: {  	v7 =	vld [tilespmem:s23+$0xFFFFFFF0]  }
0x368: {  	v8 =	vld [tilespmem:s23+$0xFFFFFFD0]  }
0x369: {  	v9 =	vld [tilespmem:s23+$0x10]  }
0x36a: {  	s24 =	simm.s32 $0xFC0;
	v10 =	vld [tilespmem:s23+$0x20]  }
0x36b: {  	v11 =	vld [tilespmem:s24+$0x0]  }
0x36c: {  	v12 =	vld [tilespmem:s24+$0xFFFFFFC0]  }
0x36d: {  	v13 =	vld [tilespmem:s24+$0xFFFFFFE0]  }
0x36e: {  	v14 =	vld [tilespmem:s24+$0x10]  }
0x36f: {  	v15 =	vld [tilespmem:s24+$0xFFFFFFD0]  }
0x370: {  	s18 =	simm.s32 $0x3EC0;
	v16 =	vld [tilespmem:s24+$0x30]  }
0x371: {  	v17 =	vld [tilespmem:s18+$0xFFFFFFC0]  }
0x372: {  	v18 =	vld [tilespmem:s24+$0x20]  }
0x373: {  	v19 =	vld [tilespmem:s18+$0xFFFFFFE0]  }
0x374: {  	v20 =	vld [tilespmem:s18+$0x0]  }
0x375: {  	v21 =	vld [tilespmem:s18+$0x30];
	vm0 =	vlt.s32 v3, $0xA  }
0x376: {  	v22 =	vld [tilespmem:s18+$0xFFFFFFD0];
	vm10 =	vlt.s32 v4, $0xA;
	v3 =	vnsel vm0, $0xA, v3  }
0x377: {  	v23 =	vld [tilespmem:s18+$0xFFFFFFF0];
	vm11 =	vlt.s32 v5, $0xA;
	v4 =	vnsel vm10, $0xA, v4  }
0x378: {  	v24 =	vld [tilespmem:s18+$0x10];
	vm12 =	vlt.s32 v6, $0xA;
	v5 =	vnsel vm11, $0xA, v5  }
0x379: {  	v25 =	vld [tilespmem:s24+$0xFFFFFFF0];
	s24 =	simm.s32 $0x3FC0;
	vm1 =	vlt.s32 v7, $0xA;
	v6 =	vnsel vm12, $0xA, v6  }
0x37a: {  	v26 =	vld [tilespmem:s24+$0xFFFFFFC0];
	vm13 =	vlt.s32 v9, $0xA;
	v7 =	vnsel vm1, $0xA, v7  }
0x37b: {  	vm14 =	vlt.s32 v8, $0xA;
	v9 =	vnsel vm13, $0xA, v9;
	v3 =	vld.idx.msk [tilespmem:v3+s20+$0x0], $0xffff  }
0x37c: {  	vm15 =	vlt.s32 v10, $0xA;
	v8 =	vnsel vm14, $0xA, v8;
	v4 =	vld.idx.msk [tilespmem:v4+s20+$0x0], $0xffff  }
0x37d: {  	vm4 =	vlt.s32 v17, $0xA;
	v10 =	vnsel vm15, $0xA, v10;
	v5 =	vld.idx.msk [tilespmem:v5+s20+$0x0], $0xffff  }
0x37e: {  	vm5 =	vlt.s32 v19, $0xA;
	v17 =	vnsel vm4, $0xA, v17;
	v6 =	vld.idx.msk [tilespmem:v6+s20+$0x0], $0xffff  }
0x37f: {  	vm6 =	vlt.s32 v20, $0xA;
	v19 =	vnsel vm5, $0xA, v19;
	v7 =	vld.idx.msk [tilespmem:v7+s20+$0x0], $0xffff  }
0x380: {  	v20 =	vnsel vm6, $0xA, v20;
	v9 =	vld.idx.msk [tilespmem:v9+s20+$0x0], $0xffff  }
0x381: {  	v8 =	vld.idx.msk [tilespmem:v8+s20+$0x0], $0xffff  }
0x382: {  	v10 =	vld.idx.msk [tilespmem:v10+s20+$0x0], $0xffff  }
0x383: {  	v17 =	vld.idx.msk [tilespmem:v17+s20+$0x0], $0xffff  }
0x384: {  	v19 =	vld.idx.msk [tilespmem:v19+s20+$0x0], $0xffff  }
0x385: {  	vm7 =	vlt.s32 v21, $0xA;
	vm8 =	vlt.s32 v23, $0xA;
	v20 =	vld.idx.msk [tilespmem:v20+s20+$0x0], $0xffff  }
0x386: {  	s19 =	simm.s32 $0x1040;
	vm9 =	vlt.s32 v24, $0xA;
	vm10 =	vlt.s32 v22, $0xA;
	v3 =	vmul.f32 v3, v12;
	v12 =	vld [tilespmem:s18+$0x20]  }
0x387: {  	v4 =	vmul.f32 v4, v13;
	v13 =	vld [tilespmem:s19+$0x0];
	v8 =	vmul.f32 v8, v15;
	v15 =	vnsel vm7, $0xA, v21  }
0x388: {  	v22 =	vnsel vm10, $0xA, v22;
	v5 =	vmul.f32 v5, v11;
	v11 =	vld [tilespmem:s19+$0xFFFFFFC0];
	v21 =	vnsel vm8, $0xA, v23  }
0x389: {  	v23 =	vnsel vm9, $0xA, v24;
	v24 =	vld [tilespmem:s19+$0xFFFFFFE0];
	v9 =	vmul.f32 v9, v14;
	v6 =	vmul.f32 v6, v16  }
0x38a: {  	s23 =	simm.s32 $0x10C0;
	v10 =	vmul.f32 v10, v18;
	v16 =	vld [tilespmem:s19+$0xFFFFFFD0];
	v7 =	vmul.f32 v7, v25  }
0x38b: {  	v25 =	vld [tilespmem:s23+$0x0];
	v3 =	vmul.f32 v3, v2;
	v8 =	vmul.f32 v8, v2  }
0x38c: {  	v5 =	vmul.f32 v5, v2;
	v6 =	vmul.f32 v6, v2;
	v14 =	vld.idx.msk [tilespmem:v15+s20+$0x0], $0xffff  }
0x38d: {  	s22 =	simm.s32 $0x3F40;
	v3 =	vmul.f32 $1.442695020e+00, v3;
	v8 =	vmul.f32 $1.442695020e+00, v8;
	v15 =	vld.idx.msk [tilespmem:v22+s20+$0x0], $0xffff  }
0x38e: {  	v5 =	vmul.f32 $1.442695020e+00, v5;
	v11 =	vmul.f32 v17, v11;
	v17 =	vld [tilespmem:s22+$0xFFFFFFC0]  }
0x38f: {  	v18 =	vmul.f32 v19, v24;
	v19 =	vld [tilespmem:s19+$0x30];
	(erf) = vpow2.f32 v8  }
0x390: {  	v9 =	vmul.f32 v9, v2;
	v24 =	vld [tilespmem:s22+$0xFFFFFFD0];
	(erf) = vpow2.f32 v5  }
0x391: {  	v6 =	vmul.f32 $1.442695020e+00, v6;
	v8 =	vld.idx.msk [tilespmem:v21+s20+$0x0], $0xffff;
	(erf) = vpow2.f32 v3  }
0x392: {  	v9 =	vmul.f32 $1.442695020e+00, v9;
	v21 =	vld [tilespmem:s22+$0xFFFFFFE0]  }
0x393: {  	v10 =	vmul.f32 v10, v2;
	vm11 =	vlt.s32 v12, $0xA;
	v5 =	vld [tilespmem:s19+$0x10];
	(erf) = vpow2.f32 v6  }
0x394: {  	v4 =	vmul.f32 v4, v2;
	v12 =	vnsel vm11, $0xA, v12;
	(erf) = vpow2.f32 v9;
	v9 =	vld [tilespmem:s22+$0x0]  }
0x395: {  	v7 =	vmul.f32 v7, v2;
	v10 =	vmul.f32 $1.442695020e+00, v10;
	v3 =	vld.idx.msk [tilespmem:v23+s20+$0x0], $0xffff  }
0x396: {  	v4 =	vmul.f32 $1.442695020e+00, v4;
	v6 =	vmul.f32 v20, v13;
	v13 =	vld [tilespmem:s19+$0x20];
	vm12 =	vlt.s32 v17, $0xA  }
0x397: {  	v11 =	vmul.f32 v11, v2;
	v15 =	vmul.f32 v15, v16;
	v16 =	vld [tilespmem:s22+$0xFFFFFFF0];
	v17 =	vnsel vm12, $0xA, v17  }
0x398: {  	vm8 =	vlt.s32 v26, $0xA;
	v7 =	vmul.f32 $1.442695020e+00, v7;
	v14 =	vmul.f32 v14, v19;
	v19 =	vld [tilespmem:s22+$0x20];
	v20 =	vpop (erf)  }
0x399: {  	v18 =	vmul.f32 v18, v2;
	v11 =	vmul.f32 $1.442695020e+00, v11;
	v12 =	vld.idx.msk [tilespmem:v12+s20+$0x0], $0xffff;
	vm14 =	vlt.s32 v9, $0xA;
	v22 =	vpop (erf)  }
0x39a: {  	v6 =	vmul.f32 v6, v2;
	(erf) = vpow2.f32 v4;
	v4 =	vld [tilespmem:s22+$0x10];
	v9 =	vnsel vm14, $0xA, v9;
	v23 =	vpop (erf)  }
0x39b: {  	vm13 =	vlt.s32 v21, $0xA;
	v3 =	vmul.f32 v3, v5;
	v5 =	vld [tilespmem:s22+$0x30];
	v23 =	vadd.f32 $1.000000000e+00, v23  }
0x39c: {  	v15 =	vmul.f32 v15, v2;
	v21 =	vnsel vm13, $0xA, v21;
	v14 =	vmul.f32 v14, v2;
	v17 =	vld.idx.msk [tilespmem:v17+s20+$0x0], $0xffff  }
0x39d: {  	vm5 =	vlt.s32 v24, $0xA;
	v6 =	vmul.f32 $1.442695020e+00, v6;
	(erf) = vrcp.f32 v23;
	v23 =	vld [tilespmem:s19+$0xFFFFFFF0]  }
0x39e: {  	v15 =	vmul.f32 $1.442695020e+00, v15;
	v22 =	vadd.f32 $1.000000000e+00, v22;
	(erf) = vpow2.f32 v7;
	v7 =	vld [tilespmem:s23+$0xFFFFFFC0]  }
0x39f: {  	v14 =	vmul.f32 $1.442695020e+00, v14;
	vm4 =	vlt.s32 v4, $0xA;
	v12 =	vmul.f32 v12, v13;
	v9 =	vld.idx.msk [tilespmem:v9+s20+$0x0], $0xffff  }
0x3a0: {  	v3 =	vmul.f32 v3, v2;
	v4 =	vnsel vm4, $0xA, v4;
	(erf) = vrcp.f32 v22  }
0x3a1: {  	v24 =	vnsel vm5, $0xA, v24;
	v21 =	vld.idx.msk [tilespmem:v21+s20+$0x0], $0xffff;
	v13 =	vpop (erf);
	v12 =	vmul.f32 v12, v2;
	(erf) = vpow2.f32 v15  }
0x3a2: {  	vm6 =	vlt.s32 v16, $0xA;
	v3 =	vmul.f32 $1.442695020e+00, v3;
	v15 =	vpop (erf);
	(erf) = vpow2.f32 v6;
	v6 =	vld [tilespmem:s23+$0xFFFFFFE0]  }
0x3a3: {  	v28 =	vld [tilespmem:s24+$0x20];
	vm7 =	vlt.s32 v19, $0xA;
	v12 =	vmul.f32 $1.442695020e+00, v12;
	v8 =	vmul.f32 v8, v23  }
0x3a4: {  	vm15 =	vlt.s32 v5, $0xA;
	v7 =	vmul.f32 v17, v7;
	v9 =	vmul.f32 v9, v25  }
0x3a5: {  	v5 =	vnsel vm15, $0xA, v5;
	v4 =	vld.idx.msk [tilespmem:v4+s20+$0x0], $0xffff;
	v22 =	vpop (erf);
	(erf) = vpow2.f32 v11;
	v8 =	vmul.f32 v8, v2  }
0x3a6: {  	v16 =	vnsel vm6, $0xA, v16;
	v17 =	vld [tilespmem:s23+$0x10];
	v7 =	vmul.f32 v7, v2;
	v9 =	vmul.f32 v9, v2  }
0x3a7: {  	v20 =	vadd.f32 $1.000000000e+00, v20;
	v23 =	vld [tilespmem:s23+$0xFFFFFFD0];
	v11 =	vpop (erf);
	(erf) = vpow2.f32 v10;
	v6 =	vmul.f32 v21, v6  }
0x3a8: {  	vm15 =	vlt.s32 v28, $0xA;
	v10 =	vmul.f32 $1.442695020e+00, v18;
	v21 =	vld.idx.msk [tilespmem:v24+s20+$0x0], $0xffff;
	v8 =	vmul.f32 $1.442695020e+00, v8  }
0x3a9: {  	v18 =	vnsel vm7, $0xA, v19;
	v11 =	vmul.f32 v11, v1;
	v19 =	vpop (erf);
	(erf) = vpow2.f32 v14  }
0x3aa: {  	v28 =	vnsel vm15, $0xA, v28;
	v5 =	vld.idx.msk [tilespmem:v5+s20+$0x0], $0xffff;
	v7 =	vmul.f32 $1.442695020e+00, v7;
	v9 =	vmul.f32 $1.442695020e+00, v9;
	v14 =	vpop (erf)  }
0x3ab: {  	v22 =	vadd.f32 $1.000000000e+00, v22;
	v4 =	vmul.f32 v4, v17;
	v17 =	vld [tilespmem:s23+$0x30];
	(erf) = vpow2.f32 v3;
	v24 =	vpop (erf)  }
0x3ac: {  	v3 =	vadd.f32 $1.000000000e+00, v15;
	(erf) = vrcp.f32 v20;
	v14 =	vmul.f32 v14, v1;
	v20 =	vld [tilespmem:s24+$0xFFFFFFE0];
	v25 =	vpop (erf)  }
0x3ad: {  	(erf) = vpow2.f32 v10;
	v21 =	vmul.f32 v21, v23;
	v23 =	vadd.f32 $1.000000000e+00, v25;
	v25 =	vld [tilespmem:s24+$0x0]  }
0x3ae: {  	v19 =	vadd.f32 $1.000000000e+00, v19;
	v27 =	vmul.f32 v4, v2;
	v15 =	vpop (erf);
	(erf) = vrcp.f32 v3;
	v3 =	vld.idx.msk [tilespmem:v18+s20+$0x0], $0xffff  }
0x3af: {  	v6 =	vmul.f32 v6, v2;
	v11 =	vsub.f32 v0, v11;
	v18 =	vld [tilespmem:s23+$0x20];
	v4 =	vadd.f32 $1.000000000e+00, v15  }
0x3b0: {  	v14 =	vsub.f32 v0, v14;
	v15 =	vld [tilespmem:s24+$0x30];
	v31 =	vmul.f32 $1.442695020e+00, v27;
	v5 =	vmul.f32 v5, v17  }
0x3b1: {  	v17 =	vmul.f32 v21, v2;
	(erf) = vrcp.f32 v4;
	v4 =	vadd.f32 $1.000000000e+00, v13  }
0x3b2: {  	v21 =	vnsel vm8, $0xA, v26;
	v26 =	vld [tilespmem:s24+$0x10];
	vm9 =	vlt.s32 v20, $0xA;
	v5 =	vmul.f32 v5, v2  }
0x3b3: {  	v13 =	vld [tilespmem:s24+$0xFFFFFFF0];
	v10 =	vpop (erf);
	v17 =	vmul.f32 $1.442695020e+00, v17;
	(erf) = vrcp.f32 v22;
	v20 =	vnsel vm9, $0xA, v20  }
0x3b4: {  	v16 =	vld.idx.msk [tilespmem:v16+s20+$0x0], $0xffff;
	v10 =	vadd.f32 $1.000000000e+00, v10;
	(erf) = vrcp.f32 v4;
	vm11 =	vlt.s32 v25, $0xA  }
0x3b5: {  	v22 =	vld [tilespmem:s24+$0xFFFFFFD0];
	v3 =	vmul.f32 v3, v18;
	vm10 =	vlt.s32 v15, $0xA;
	(erf) = vpow2.f32 v8;
	v4 =	vpop (erf)  }
0x3b6: {  	v8 =	vnsel vm11, $0xA, v25;
	v5 =	vmul.f32 $1.442695020e+00, v5;
	v25 =	vld [tilespmem:s23+$0xFFFFFFF0];
	(erf) = vrcp.f32 v10;
	v29 =	vpop (erf)  }
0x3b7: {  	s22 =	simm.s32 $0x1140;
	v10 =	vnsel vm10, $0xA, v15;
	v15 =	vld.idx.msk [tilespmem:v21+s20+$0x0], $0xffff;
	v3 =	vmul.f32 v3, v2;
	(erf) = vrcp.f32 v19;
	v18 =	vpop (erf)  }
0x3b8: {  	vm13 =	vlt.s32 v26, $0xA;
	vm12 =	vlt.s32 v13, $0xA;
	v19 =	vld [tilespmem:s22+$0xFFFFFFC0];
	(erf) = vrcp.f32 v23;
	v23 =	vpop (erf)  }
0x3b9: {  	v26 =	vnsel vm13, $0xA, v26;
	v20 =	vld.idx.msk [tilespmem:v20+s20+$0x0], $0xffff;
	v3 =	vmul.f32 $1.442695020e+00, v3;
	(erf) = vpow2.f32 v17;
	v30 =	vpop (erf)  }
0x3ba: {  	v21 =	vnsel vm12, $0xA, v13;
	v18 =	vmul.f32 v18, v1;
	(erf) = vpow2.f32 v9;
	v9 =	vld [tilespmem:s22+$0xFFFFFFE0];
	v13 =	vpop (erf)  }
0x3bb: {  	v27 =	vld [tilespmem:s22+$0x0];
	vm14 =	vlt.s32 v22, $0xA;
	v16 =	vmul.f32 v16, v25;
	v13 =	vmul.f32 v13, v1  }
0x3bc: {  	v22 =	vnsel vm14, $0xA, v22;
	v8 =	vld.idx.msk [tilespmem:v8+s20+$0x0], $0xffff;
	(erf) = vpow2.f32 v7;
	v30 =	vmul.f32 v30, v1  }
0x3bd: {  	s19 =	simm.s32 $0x6CC0;
	v17 =	vadd.f32 $1.000000000e+00, v24;
	v10 =	vld.idx.msk [tilespmem:v10+s20+$0x0], $0xffff;
	v7 =	vpop (erf);
	v15 =	vmul.f32 v15, v19;
	(erf) = vpow2.f32 v12  }
0x3be: {  	[tilespmem:s19+$0xFFFFFFC0] =	vst v11;
	v12 =	vld [tilespmem:s22+$0x10];
	v7 =	vmul.f32 v7, v1;
	v19 =	vpop (erf);
	(erf) = vpow2.f32 v5;
	v5 =	vsub.f32 v0, v18  }
0x3bf: {  	v34 =	vld.idx.msk [tilespmem:v26+s20+$0x0], $0xffff;
	v32 =	vsub.f32 v0, v13;
	v33 =	vmul.f32 v19, v1;
	v24 =	vmul.f32 v20, v9;
	v13 =	vpop (erf)  }
0x3c0: {  	[tilespmem:s19+$0x0] =	vst v14;
	v26 =	vld [tilespmem:s22+$0xFFFFFFD0];
	v30 =	vsub.f32 v0, v30;
	v9 =	vmul.f32 v15, v2;
	v20 =	vmul.f32 $1.442695020e+00, v6;
	v25 =	vpop (erf)  }
0x3c1: {  	v35 =	vsub.f32 v0, v7;
	v7 =	vld.idx.msk [tilespmem:v21+s20+$0x0], $0xffff;
	v18 =	vmul.f32 v8, v27;
	v21 =	vmul.f32 v16, v2;
	v11 =	vpop (erf)  }
0x3c2: {  	v19 =	vld.idx.msk [tilespmem:v22+s20+$0x0], $0xffff;
	v15 =	vadd.f32 $1.000000000e+00, v23;
	[tilespmem:s19+$0xFFFFFFD0] =	vst v5;
	v9 =	vmul.f32 $1.442695020e+00, v9;
	v14 =	vmul.f32 v11, v1;
	v11 =	vpop (erf)  }
0x3c3: {  	s16 =	simm.s32 $0x6D40;
	v8 =	vld.idx.msk [tilespmem:v28+s20+$0x0], $0xffff;
	v23 =	vadd.f32 $1.000000000e+00, v29;
	[tilespmem:s19+$0x10] =	vst v30;
	v5 =	vmul.f32 v24, v2;
	v29 =	vmul.f32 v25, v1;
	v6 =	vpop (erf)  }
0x3c4: {  	s17 =	simm.s32 $0x6DC0;
	v22 =	vld [tilespmem:s22+$0x30];
	[tilespmem:s16+$0xFFFFFFC0] =	vst v32;
	v16 =	vsub.f32 v0, v33;
	v27 =	vmul.f32 v18, v2;
	v25 =	vmul.f32 v34, v12;
	v24 =	vpop (erf)  }
0x3c5: {  	s18 =	simm.s32 $0x6DC0;
	s24 =	simm.s32 $0x4040;
	s23 =	simm.s32 $0x18;
	[tilespmem:s19+$0xFFFFFFE0] =	vst v35;
	v12 =	vld [tilespmem:s22+$0x20];
	v18 =	vsub.f32 v0, v29;
	v14 =	vsub.f32 v0, v14;
	v28 =	vpop (erf);
	(erf) = vpow2.f32 v31  }
.LBB2_10:
0x3c6: {  	v29 =	vld [tilespmem:s24+$0xFFFFFFC0];
	s23 =	sadd.s32 $0x8, s23;
	v25 =	vmul.f32 v25, v2;
	v28 =	vadd.f32 $1.000000000e+00, v28;
	s18 =	sadd.s32 $0x80, s18;
	(erf) = vrcp.f32 v17;
	[tilespmem:s19+$0x30] =	vst v16  }
0x3c7: {  	v13 =	vadd.f32 $1.000000000e+00, v13;
	v11 =	vmul.f32 v11, v1;
	v16 =	vld [tilespmem:s24+$0x30];
	p0 =	slt.u32 s23, $0xF0;
	v17 =	vmul.f32 $1.442695020e+00, v27;
	v27 =	vpop (erf);
	[tilespmem:s19+$0x20] =	vst v18  }
0x3c8: {  	v24 =	vadd.f32 $1.000000000e+00, v24;
	v18 =	vld [tilespmem:s24+$0xFFFFFFE0];
	v19 =	vmul.f32 v19, v26;
	(erf) = vpow2.f32 v20;
	[tilespmem:s19+$0xFFFFFFF0] =	vst v14;
	s19 =	smov.u32 s16;
	s16 =	smov.u32 s17;
	s17 =	smov.u32 s18  }
0x3c9: {  	v14 =	vld [tilespmem:s24+$0x0];
	v10 =	vmul.f32 v10, v22;
	v20 =	vpop (erf);
	v22 =	vadd.f32 $1.000000000e+00, v27;
	(erf) = vrcp.f32 v23  }
0x3ca: {  	v26 =	vadd.f32 $1.000000000e+00, v4;
	v23 =	vld [tilespmem:s24+$0xFFFFFFD0];
	v19 =	vmul.f32 v19, v2;
	(erf) = vrcp.f32 v28;
	v4 =	vmovc v20  }
0x3cb: {  	v30 =	vmul.f32 $1.442695020e+00, v21;
	vm0 =	vlt.s32 v29, $0xA;
	v20 =	vld [tilespmem:s24+$0xFFFFFFF0];
	v10 =	vmul.f32 v10, v2  }
0x3cc: {  	v27 =	vnsel vm0, $0xA, v29;
	v28 =	vld [tilespmem:s24+$0x10];
	v19 =	vmul.f32 $1.442695020e+00, v19;
	(erf) = vrcp.f32 v15  }
0x3cd: {  	vm1 =	vlt.s32 v16, $0xA;
	vm0 =	vlt.s32 v18, $0xA;
	v15 =	vld [tilespmem:s24+$0x20];
	(erf) = vrcp.f32 v26  }
0x3ce: {  	v18 =	vnsel vm0, $0xA, v18;
	vm0 =	vlt.s32 v14, $0xA;
	(erf) = vpow2.f32 v30;
	v21 =	vpop (erf)  }
0x3cf: {  	v29 =	vmul.f32 $1.442695020e+00, v10;
	v14 =	vnsel vm0, $0xA, v14;
	v26 =	vld [tilespmem:s22+$0xFFFFFFF0];
	s22 =	sadd.s32 $0x80, s22;
	v30 =	vpop (erf);
	(erf) = vrcp.f32 v22  }
0x3d0: {  	v31 =	vsub.f32 v0, v11;
	v10 =	vnsel vm1, $0xA, v16;
	vm0 =	vlt.s32 v20, $0xA;
	v22 =	vld [tilespmem:s22+$0x0]  }
0x3d1: {  	v8 =	vmul.f32 v8, v12;
	v16 =	vld.idx.msk [tilespmem:v27+s20+$0x0], $0xffff;
	vm1 =	vlt.s32 v28, $0xA;
	v12 =	vpop (erf);
	(erf) = vrcp.f32 v13  }
0x3d2: {  	v20 =	vnsel vm0, $0xA, v20;
	v13 =	vld [tilespmem:s22+$0xFFFFFFC0];
	v27 =	vnsel vm1, $0xA, v28;
	(erf) = vrcp.f32 v24;
	[tilespmem:s19+$0x0] =	vst v31;
	v11 =	vpop (erf)  }
0x3d3: {  	v8 =	vmul.f32 v8, v2;
	vm0 =	vlt.s32 v15, $0xA;
	v18 =	vld.idx.msk [tilespmem:v18+s20+$0x0], $0xffff;
	(erf) = vpow2.f32 v19;
	v19 =	vpop (erf)  }
0x3d4: {  	vm1 =	vlt.s32 v23, $0xA;
	v31 =	vmul.f32 $1.442695020e+00, v25;
	v14 =	vld.idx.msk [tilespmem:v14+s20+$0x0], $0xffff;
	(erf) = vpow2.f32 v17  }
0x3d5: {  	v8 =	vmul.f32 $1.442695020e+00, v8;
	v23 =	vnsel vm1, $0xA, v23;
	v17 =	vmul.f32 v19, v1;
	v24 =	vld [tilespmem:s22+$0xFFFFFFE0];
	v19 =	vpop (erf)  }
0x3d6: {  	v15 =	vnsel vm0, $0xA, v15;
	v10 =	vld.idx.msk [tilespmem:v10+s20+$0x0], $0xffff;
	(erf) = vpow2.f32 v9;
	v9 =	vmul.f32 v30, v1;
	v25 =	vpop (erf)  }
0x3d7: {  	v28 =	vmul.f32 v19, v1;
	v16 =	vmul.f32 v16, v13;
	v30 =	vld.idx.msk [tilespmem:v20+s20+$0x0], $0xffff;
	v20 =	vsub.f32 v0, v17;
	v13 =	vpop (erf)  }
0x3d8: {  	v7 =	vmul.f32 v7, v26;
	v17 =	vadd.f32 $1.000000000e+00, v6;
	v33 =	vmul.f32 v25, v1;
	v32 =	vld [tilespmem:s22+$0x10];
	v25 =	vpop (erf)  }
0x3d9: {  	v16 =	vmul.f32 v16, v2;
	v27 =	vld.idx.msk [tilespmem:v27+s20+$0x0], $0xffff;
	[tilespmem:s16+$0xFFFFFFC0] =	vst v20;
	(erf) = vpow2.f32 v3;
	v3 =	vmov v8  }
0x3da: {  	v34 =	vmul.f32 v11, v1;
	v28 =	vsub.f32 v0, v28;
	v19 =	vld.idx.msk [tilespmem:v23+s20+$0x0], $0xffff;
	v18 =	vmul.f32 v18, v24;
	v23 =	vpop (erf)  }
0x3db: {  	v20 =	vmul.f32 $1.442695020e+00, v5;
	v5 =	vsub.f32 v0, v9;
	v8 =	vld.idx.msk [tilespmem:v15+s20+$0x0], $0xffff;
	(erf) = vpow2.f32 v29;
	v11 =	vpop (erf)  }
.Ltmp4:
0x3dc: {  	v29 =	vmul.f32 v14, v22;
	v15 =	vadd.f32 $1.000000000e+00, v12;
	v12 =	vmul.f32 v23, v1;
	v6 =	vpop (erf);
	(pc) =	sbr.rel @p0 .LBB2_10-.Ltmp4, $4  }
0x3dd: {  	v35 =	vmul.f32 v25, v1;
	v9 =	vmul.f32 $1.442695020e+00, v16;
	v23 =	vadd.f32 $1.000000000e+00, v21;
	v24 =	vpop (erf);
	[tilespmem:s19+$0xFFFFFFD0] =	vst v5  }
0x3de: {  	v34 =	vsub.f32 v0, v34;
	v21 =	vmul.f32 v7, v2;
	v5 =	vmul.f32 v18, v2;
	v26 =	vld [tilespmem:s22+$0xFFFFFFD0];
	[tilespmem:s19+$0xFFFFFFE0] =	vst v28  }
0x3df: {  	v16 =	vsub.f32 v0, v33;
	v14 =	vsub.f32 v0, v12;
	v25 =	vmul.f32 v27, v32;
	v22 =	vld [tilespmem:s22+$0x30];
	v28 =	vpop (erf)  }
0x3e0: {  	s24 =	sadd.s32 $0x80, s24;
	v7 =	vmovc v30;
	v18 =	vsub.f32 v0, v35;
	v27 =	vmul.f32 v29, v2;
	v12 =	vld [tilespmem:s22+$0x20];
	(erf) = vpow2.f32 v31;
	[tilespmem:s19+$0x10] =	vst v34  }
0x3e1: {  	(erf) = vrcp.f32 v17;
	v17 =	vadd.f32 $1.000000000e+00, v28;
	_ =	sdelay $0x1  }
0x3e2: {  	(erf) = vpow2.f32 v20  }
0x3e3: {  	(erf) = vrcp.f32 v23  }
0x3e4: {  	v4 =	vadd.f32 $1.000000000e+00, v4;
	v19 =	vmul.f32 v19, v26;
	(erf) = vrcp.f32 v17;
	v17 =	vpop (erf)  }
0x3e5: {  	v20 =	vmul.f32 $1.442695020e+00, v21;
	(erf) = vrcp.f32 v15;
	v15 =	vadd.f32 $1.000000000e+00, v17  }
0x3e6: {  	(erf) = vrcp.f32 v4;
	v4 =	vadd.f32 $1.000000000e+00, v13;
	v13 =	vmul.f32 v19, v2  }
0x3e7: {  	v17 =	vadd.f32 $1.000000000e+00, v24;
	(erf) = vpow2.f32 v20  }
0x3e8: {  	v19 =	vpop (erf);
	(erf) = vrcp.f32 v15;
	v13 =	vmul.f32 $1.442695020e+00, v13  }
0x3e9: {  	v15 =	vpop (erf);
	(erf) = vrcp.f32 v4;
	v4 =	vmul.f32 $1.442695020e+00, v27  }
0x3ea: {  	v20 =	vpop (erf);
	(erf) = vrcp.f32 v17  }
0x3eb: {  	v17 =	vpop (erf);
	(erf) = vpow2.f32 v13  }
0x3ec: {  	v13 =	vpop (erf);
	(erf) = vpow2.f32 v4  }
0x3ed: {  	v4 =	vpop (erf);
	(erf) = vpow2.f32 v9;
	v9 =	vmul.f32 v10, v22  }
0x3ee: {  	v10 =	vpop (erf)  }
0x3ef: {  	v21 =	vpop (erf);
	v9 =	vmul.f32 v9, v2  }
0x3f0: {  	v23 =	vmul.f32 v25, v2;
	v22 =	vpop (erf)  }
0x3f1: {  	v25 =	vpop (erf);
	(erf) = vpow2.f32 v3;
	v3 =	vmul.f32 $1.442695020e+00, v9  }
0x3f2: {  	v24 =	vld [tilespmem:s22+$0xFFFFFFF0]  }
0x3f3: {  	v23 =	vmul.f32 $1.442695020e+00, v23;
	v9 =	vpop (erf)  }
0x3f4: {  	v26 =	vpop (erf)  }
0x3f5: {  	v6 =	vadd.f32 $1.000000000e+00, v6;
	(erf) = vpow2.f32 v3;
	v3 =	vpop (erf)  }
0x3f6: {  	v5 =	vmul.f32 $1.442695020e+00, v5;
	(erf) = vpow2.f32 v23;
	v27 =	vpop (erf)  }
0x3f7: {  	v7 =	vmul.f32 v7, v24;
	v15 =	vadd.f32 $1.000000000e+00, v15;
	(erf) = vrcp.f32 v6;
	v23 =	vpop (erf)  }
0x3f8: {  	(erf) = vpow2.f32 v5;
	v6 =	vadd.f32 $1.000000000e+00, v23  }
0x3f9: {  	v7 =	vmul.f32 v7, v2;
	v5 =	vadd.f32 $1.000000000e+00, v17;
	(erf) = vrcp.f32 v15  }
0x3fa: {  	v8 =	vmul.f32 v8, v12;
	(erf) = vrcp.f32 v6;
	v6 =	vadd.f32 $1.000000000e+00, v19  }
0x3fb: {  	v7 =	vmul.f32 $1.442695020e+00, v7;
	(erf) = vrcp.f32 v5  }
0x3fc: {  	v12 =	vpop (erf);
	(erf) = vrcp.f32 v6;
	v6 =	vmul.f32 v8, v2  }
0x3fd: {  	v5 =	vadd.f32 $1.000000000e+00, v12;
	v8 =	vadd.f32 $1.000000000e+00, v22  }
0x3fe: {  	(erf) = vpow2.f32 v7;
	v7 =	vadd.f32 $1.000000000e+00, v27  }
0x3ff: {  	v12 =	vpop (erf);
	(erf) = vrcp.f32 v5  }
0x400: {  	v5 =	vmul.f32 $1.442695020e+00, v6;
	v6 =	vpop (erf);
	(erf) = vrcp.f32 v8  }
0x401: {  	v8 =	vpop (erf);
	(erf) = vrcp.f32 v7  }
0x402: {  	v4 =	vmul.f32 v4, v1;
	v7 =	vpop (erf);
	(erf) = vpow2.f32 v5  }
0x403: {  	[tilespmem:s19+$0x30] =	vst v16;
	v16 =	vmul.f32 v20, v1;
	v5 =	vmul.f32 v11, v1;
	v11 =	vpop (erf)  }
0x404: {  	[tilespmem:s19+$0xFFFFFFF0] =	vst v14;
	v4 =	vsub.f32 v0, v4;
	v15 =	vpop (erf)  }
0x405: {  	[tilespmem:s19+$0x20] =	vst v18;
	v13 =	vmul.f32 v13, v1;
	v9 =	vmul.f32 v9, v1;
	v5 =	vsub.f32 v0, v5;
	v17 =	vpop (erf)  }
0x406: {  	v10 =	vmul.f32 v10, v1;
	v14 =	vmul.f32 v21, v1;
	[tilespmem:s17+$0xFFFFFFC0] =	vst v4;
	v3 =	vadd.f32 $1.000000000e+00, v3;
	v18 =	vpop (erf)  }
0x407: {  	v4 =	vmul.f32 v25, v1;
	v6 =	vadd.f32 $1.000000000e+00, v6;
	[tilespmem:s16+$0x0] =	vst v5;
	v5 =	vsub.f32 v0, v16;
	v16 =	vpop (erf)  }
0x408: {  	v10 =	vsub.f32 v0, v10;
	v7 =	vadd.f32 $1.000000000e+00, v7;
	(erf) = vrcp.f32 v3;
	v19 =	vpop (erf)  }
0x409: {  	v4 =	vsub.f32 v0, v4;
	(erf) = vrcp.f32 v6;
	[tilespmem:s16+$0xFFFFFFD0] =	vst v5;
	v5 =	vsub.f32 v0, v9;
	v9 =	vpop (erf)  }
0x40a: {  	[tilespmem:s16+$0xFFFFFFE0] =	vst v10;
	v3 =	vsub.f32 v0, v14;
	(erf) = vrcp.f32 v7;
	v7 =	vmul.f32 v15, v1;
	v14 =	vpop (erf)  }
0x40b: {  	v10 =	vmul.f32 v26, v1;
	[tilespmem:s16+$0x20] =	vst v4;
	v12 =	vadd.f32 $1.000000000e+00, v12;
	v4 =	vmul.f32 v8, v1;
	v6 =	vpop (erf)  }
0x40c: {  	[tilespmem:s16+$0xFFFFFFF0] =	vst v5;
	v5 =	vsub.f32 v0, v7;
	v7 =	vmul.f32 v17, v1;
	v6 =	vadd.f32 $1.000000000e+00, v6  }
0x40d: {  	s18 =	sadd.s32 $0x80, s18;
	[tilespmem:s16+$0x30] =	vst v3;
	v3 =	vsub.f32 v0, v10;
	v8 =	vadd.f32 $1.000000000e+00, v16;
	(erf) = vrcp.f32 v12  }
0x40e: {  	[tilespmem:s18+$0xFFFFFFC0] =	vst v5;
	v5 =	vsub.f32 v0, v7;
	(erf) = vrcp.f32 v6;
	v6 =	vmul.f32 v18, v1  }
0x40f: {  	v4 =	vsub.f32 v0, v4;
	[tilespmem:s17+$0x0] =	vst v3;
	v3 =	vmul.f32 v11, v1;
	(erf) = vrcp.f32 v8  }
0x410: {  	v13 =	vsub.f32 v0, v13;
	[tilespmem:s17+$0xFFFFFFE0] =	vst v5;
	v5 =	vsub.f32 v0, v6  }
0x411: {  	[tilespmem:s17+$0xFFFFFFD0] =	vst v4;
	v4 =	vmul.f32 v19, v1;
	v3 =	vsub.f32 v0, v3  }
0x412: {  	[tilespmem:s16+$0x10] =	vst v13;
	v7 =	vmul.f32 v9, v1;
	v6 =	vpop (erf)  }
0x413: {  	[tilespmem:s17+$0x10] =	vst v3;
	v3 =	vsub.f32 v0, v4;
	v4 =	vmul.f32 v14, v1;
	v8 =	vpop (erf)  }
0x414: {  	v7 =	vsub.f32 v0, v7;
	[tilespmem:s17+$0x30] =	vst v5;
	v6 =	vmul.f32 v6, v1;
	v5 =	vpop (erf)  }
0x415: {  	[tilespmem:s17+$0x20] =	vst v3;
	v3 =	vsub.f32 v0, v4;
	v4 =	vmul.f32 v5, v1  }
0x416: {  	[tilespmem:s17+$0xFFFFFFF0] =	vst v7;
	v7 =	vmul.f32 v8, v1;
	v5 =	vpop (erf);
	v6 =	vsub.f32 v0, v6  }
0x417: {  	[tilespmem:s18+$0x0] =	vst v3;
	v3 =	vmul.f32 v5, v1;
	v5 =	vpop (erf);
	v4 =	vsub.f32 v0, v4  }
0x418: {  	[tilespmem:s18+$0xFFFFFFD0] =	vst v6;
	v6 =	vsub.f32 v0, v7;
	v8 =	vpop (erf);
	v5 =	vmul.f32 v5, v1  }
0x419: {  	v3 =	vsub.f32 v0, v3;
	v7 =	vmul.f32 v8, v1;
	[tilespmem:s18+$0xFFFFFFE0] =	vst v4  }
0x41a: {  	[tilespmem:s18+$0x10] =	vst v6;
	v4 =	vsub.f32 v0, v5  }
0x41b: {  	[tilespmem:s18+$0x30] =	vst v3;
	v5 =	vsub.f32 v0, v7  }
0x41c: {  	[tilespmem:s18+$0x20] =	vst v4  }
0x41d: {  	[tilespmem:s18+$0xFFFFFFF0] =	vst v5  }
0x41e: {  	s16 =	rddreg [dreg:$0x16]  }
0x41f: {  	[hbm4b:s16+s1] =	stream.linear.scatter [tilespmem:s9], [sflag:$0x8], $0xF80, $0x38;
	[tilespmem:$0x8C80] =	vst v63  }
0x420: {  	s19 =	rddreg [dreg:$0x17]  }
0x421: {  	[tilespmem:s21], [sflag:$0x2] =	stream.linear.gather [hbm4b:s19+s1], $0xF80, $0x38;
	[tilespmem:$0x8C80] =	vst v63  }
0x422: {  	s22 =	rddreg [dreg:$0x1a]  }
0x423: {  	[tilespmem:s0], [sflag:$0x5] =	stream.linear.gather [hbm4b:s22+s1], $0xF80, $0x38;
	[tilespmem:$0x8C80] =	vst v63  }
0x424: {  	_ =	swait.ge [sflag:s10], $0xF80  }
0x425: {  	[sflag:s10] =	ssyncset.done $0x0  }
0x426: {  	[sflag:s10] =	ssyncadd.s32 $0xFFFFF080  }
0x427: {  	_ =	swait.ge [sflag:s11], $0xF80  }
0x428: {  	[sflag:s11] =	ssyncset.done $0x0  }
0x429: {  	[sflag:s11] =	ssyncadd.s32 $0xFFFFF080  }
0x42a: {  	_ =	swait.ge [sflag:s14], $0xF80  }
0x42b: {  	[sflag:s14] =	ssyncset.done $0x0  }
0x42c: {  	s23 =	simm.s32 $0x4DC0;
	[sflag:s14] =	ssyncadd.s32 $0xFFFFF080  }
0x42d: {  	v3 =	vld [tilespmem:s23+$0xFFFFFFC0]  }
0x42e: {  	v4 =	vld [tilespmem:s23+$0xFFFFFFE0]  }
0x42f: {  	v5 =	vld [tilespmem:s23+$0x0]  }
0x430: {  	v6 =	vld [tilespmem:s23+$0x30]  }
0x431: {  	v7 =	vld [tilespmem:s23+$0xFFFFFFF0]  }
0x432: {  	v8 =	vld [tilespmem:s23+$0xFFFFFFD0]  }
0x433: {  	v9 =	vld [tilespmem:s23+$0x10]  }
0x434: {  	s24 =	simm.s32 $0x1F40;
	v10 =	vld [tilespmem:s23+$0x20]  }
0x435: {  	v11 =	vld [tilespmem:s24+$0x0]  }
0x436: {  	v12 =	vld [tilespmem:s24+$0xFFFFFFC0]  }
0x437: {  	v13 =	vld [tilespmem:s24+$0xFFFFFFE0]  }
0x438: {  	v14 =	vld [tilespmem:s24+$0x10]  }
0x439: {  	v15 =	vld [tilespmem:s24+$0xFFFFFFD0]  }
0x43a: {  	s18 =	simm.s32 $0x4E40;
	v16 =	vld [tilespmem:s24+$0x30]  }
0x43b: {  	v17 =	vld [tilespmem:s18+$0xFFFFFFC0]  }
0x43c: {  	v18 =	vld [tilespmem:s24+$0x20]  }
0x43d: {  	v19 =	vld [tilespmem:s18+$0xFFFFFFE0]  }
0x43e: {  	v20 =	vld [tilespmem:s18+$0x0]  }
0x43f: {  	v21 =	vld [tilespmem:s18+$0x30];
	vm0 =	vlt.s32 v3, $0xA  }
0x440: {  	v22 =	vld [tilespmem:s18+$0xFFFFFFD0];
	vm10 =	vlt.s32 v4, $0xA;
	v3 =	vnsel vm0, $0xA, v3  }
0x441: {  	v23 =	vld [tilespmem:s18+$0xFFFFFFF0];
	vm11 =	vlt.s32 v5, $0xA;
	v4 =	vnsel vm10, $0xA, v4  }
0x442: {  	v24 =	vld [tilespmem:s18+$0x10];
	vm12 =	vlt.s32 v6, $0xA;
	v5 =	vnsel vm11, $0xA, v5  }
0x443: {  	v25 =	vld [tilespmem:s24+$0xFFFFFFF0];
	s24 =	simm.s32 $0x4F40;
	vm1 =	vlt.s32 v7, $0xA;
	v6 =	vnsel vm12, $0xA, v6  }
0x444: {  	v26 =	vld [tilespmem:s24+$0xFFFFFFC0];
	vm13 =	vlt.s32 v9, $0xA;
	v7 =	vnsel vm1, $0xA, v7  }
0x445: {  	vm14 =	vlt.s32 v8, $0xA;
	v9 =	vnsel vm13, $0xA, v9;
	v3 =	vld.idx.msk [tilespmem:v3+s20+$0x0], $0xffff  }
0x446: {  	vm15 =	vlt.s32 v10, $0xA;
	v8 =	vnsel vm14, $0xA, v8;
	v4 =	vld.idx.msk [tilespmem:v4+s20+$0x0], $0xffff  }
0x447: {  	vm4 =	vlt.s32 v17, $0xA;
	v10 =	vnsel vm15, $0xA, v10;
	v5 =	vld.idx.msk [tilespmem:v5+s20+$0x0], $0xffff  }
0x448: {  	vm5 =	vlt.s32 v19, $0xA;
	v17 =	vnsel vm4, $0xA, v17;
	v6 =	vld.idx.msk [tilespmem:v6+s20+$0x0], $0xffff  }
0x449: {  	vm6 =	vlt.s32 v20, $0xA;
	v19 =	vnsel vm5, $0xA, v19;
	v7 =	vld.idx.msk [tilespmem:v7+s20+$0x0], $0xffff  }
0x44a: {  	v20 =	vnsel vm6, $0xA, v20;
	v9 =	vld.idx.msk [tilespmem:v9+s20+$0x0], $0xffff  }
0x44b: {  	v8 =	vld.idx.msk [tilespmem:v8+s20+$0x0], $0xffff  }
0x44c: {  	v10 =	vld.idx.msk [tilespmem:v10+s20+$0x0], $0xffff  }
0x44d: {  	v17 =	vld.idx.msk [tilespmem:v17+s20+$0x0], $0xffff  }
0x44e: {  	v19 =	vld.idx.msk [tilespmem:v19+s20+$0x0], $0xffff  }
0x44f: {  	vm7 =	vlt.s32 v21, $0xA;
	vm8 =	vlt.s32 v23, $0xA;
	v20 =	vld.idx.msk [tilespmem:v20+s20+$0x0], $0xffff  }
0x450: {  	s19 =	simm.s32 $0x1FC0;
	vm9 =	vlt.s32 v24, $0xA;
	vm10 =	vlt.s32 v22, $0xA;
	v3 =	vmul.f32 v3, v12;
	v12 =	vld [tilespmem:s18+$0x20]  }
0x451: {  	v4 =	vmul.f32 v4, v13;
	v13 =	vld [tilespmem:s19+$0x0];
	v8 =	vmul.f32 v8, v15;
	v15 =	vnsel vm7, $0xA, v21  }
0x452: {  	v22 =	vnsel vm10, $0xA, v22;
	v5 =	vmul.f32 v5, v11;
	v11 =	vld [tilespmem:s19+$0xFFFFFFC0];
	v21 =	vnsel vm8, $0xA, v23  }
0x453: {  	v23 =	vnsel vm9, $0xA, v24;
	v24 =	vld [tilespmem:s19+$0xFFFFFFE0];
	v9 =	vmul.f32 v9, v14;
	v6 =	vmul.f32 v6, v16  }
0x454: {  	s23 =	simm.s32 $0x2040;
	v10 =	vmul.f32 v10, v18;
	v16 =	vld [tilespmem:s19+$0xFFFFFFD0];
	v7 =	vmul.f32 v7, v25  }
0x455: {  	v25 =	vld [tilespmem:s23+$0x0];
	v3 =	vmul.f32 v3, v2;
	v8 =	vmul.f32 v8, v2  }
0x456: {  	v5 =	vmul.f32 v5, v2;
	v6 =	vmul.f32 v6, v2;
	v14 =	vld.idx.msk [tilespmem:v15+s20+$0x0], $0xffff  }
0x457: {  	s22 =	simm.s32 $0x4EC0;
	v3 =	vmul.f32 $1.442695020e+00, v3;
	v8 =	vmul.f32 $1.442695020e+00, v8;
	v15 =	vld.idx.msk [tilespmem:v22+s20+$0x0], $0xffff  }
0x458: {  	v5 =	vmul.f32 $1.442695020e+00, v5;
	v11 =	vmul.f32 v17, v11;
	v17 =	vld [tilespmem:s22+$0xFFFFFFC0]  }
0x459: {  	v18 =	vmul.f32 v19, v24;
	v19 =	vld [tilespmem:s19+$0x30];
	(erf) = vpow2.f32 v8  }
0x45a: {  	v9 =	vmul.f32 v9, v2;
	v24 =	vld [tilespmem:s22+$0xFFFFFFD0];
	(erf) = vpow2.f32 v5  }
0x45b: {  	v6 =	vmul.f32 $1.442695020e+00, v6;
	v8 =	vld.idx.msk [tilespmem:v21+s20+$0x0], $0xffff;
	(erf) = vpow2.f32 v3  }
0x45c: {  	v9 =	vmul.f32 $1.442695020e+00, v9;
	v21 =	vld [tilespmem:s22+$0xFFFFFFE0]  }
0x45d: {  	v10 =	vmul.f32 v10, v2;
	vm11 =	vlt.s32 v12, $0xA;
	v5 =	vld [tilespmem:s19+$0x10];
	(erf) = vpow2.f32 v6  }
0x45e: {  	v4 =	vmul.f32 v4, v2;
	v12 =	vnsel vm11, $0xA, v12;
	(erf) = vpow2.f32 v9;
	v9 =	vld [tilespmem:s22+$0x0]  }
0x45f: {  	v7 =	vmul.f32 v7, v2;
	v10 =	vmul.f32 $1.442695020e+00, v10;
	v3 =	vld.idx.msk [tilespmem:v23+s20+$0x0], $0xffff  }
0x460: {  	v4 =	vmul.f32 $1.442695020e+00, v4;
	v6 =	vmul.f32 v20, v13;
	v13 =	vld [tilespmem:s19+$0x20];
	vm12 =	vlt.s32 v17, $0xA  }
0x461: {  	v11 =	vmul.f32 v11, v2;
	v15 =	vmul.f32 v15, v16;
	v16 =	vld [tilespmem:s22+$0xFFFFFFF0];
	v17 =	vnsel vm12, $0xA, v17  }
0x462: {  	vm8 =	vlt.s32 v26, $0xA;
	v7 =	vmul.f32 $1.442695020e+00, v7;
	v14 =	vmul.f32 v14, v19;
	v19 =	vld [tilespmem:s22+$0x20];
	v20 =	vpop (erf)  }
0x463: {  	v18 =	vmul.f32 v18, v2;
	v11 =	vmul.f32 $1.442695020e+00, v11;
	v12 =	vld.idx.msk [tilespmem:v12+s20+$0x0], $0xffff;
	vm14 =	vlt.s32 v9, $0xA;
	v22 =	vpop (erf)  }
0x464: {  	v6 =	vmul.f32 v6, v2;
	(erf) = vpow2.f32 v4;
	v4 =	vld [tilespmem:s22+$0x10];
	v9 =	vnsel vm14, $0xA, v9;
	v23 =	vpop (erf)  }
0x465: {  	vm13 =	vlt.s32 v21, $0xA;
	v3 =	vmul.f32 v3, v5;
	v5 =	vld [tilespmem:s22+$0x30];
	v23 =	vadd.f32 $1.000000000e+00, v23  }
0x466: {  	v15 =	vmul.f32 v15, v2;
	v21 =	vnsel vm13, $0xA, v21;
	v14 =	vmul.f32 v14, v2;
	v17 =	vld.idx.msk [tilespmem:v17+s20+$0x0], $0xffff  }
0x467: {  	vm5 =	vlt.s32 v24, $0xA;
	v6 =	vmul.f32 $1.442695020e+00, v6;
	(erf) = vrcp.f32 v23;
	v23 =	vld [tilespmem:s19+$0xFFFFFFF0]  }
0x468: {  	v15 =	vmul.f32 $1.442695020e+00, v15;
	v22 =	vadd.f32 $1.000000000e+00, v22;
	(erf) = vpow2.f32 v7;
	v7 =	vld [tilespmem:s23+$0xFFFFFFC0]  }
0x469: {  	v14 =	vmul.f32 $1.442695020e+00, v14;
	vm4 =	vlt.s32 v4, $0xA;
	v12 =	vmul.f32 v12, v13;
	v9 =	vld.idx.msk [tilespmem:v9+s20+$0x0], $0xffff  }
0x46a: {  	v3 =	vmul.f32 v3, v2;
	v4 =	vnsel vm4, $0xA, v4;
	(erf) = vrcp.f32 v22  }
0x46b: {  	v24 =	vnsel vm5, $0xA, v24;
	v21 =	vld.idx.msk [tilespmem:v21+s20+$0x0], $0xffff;
	v13 =	vpop (erf);
	v12 =	vmul.f32 v12, v2;
	(erf) = vpow2.f32 v15  }
0x46c: {  	vm6 =	vlt.s32 v16, $0xA;
	v3 =	vmul.f32 $1.442695020e+00, v3;
	v15 =	vpop (erf);
	(erf) = vpow2.f32 v6;
	v6 =	vld [tilespmem:s23+$0xFFFFFFE0]  }
0x46d: {  	v28 =	vld [tilespmem:s24+$0x20];
	vm7 =	vlt.s32 v19, $0xA;
	v12 =	vmul.f32 $1.442695020e+00, v12;
	v8 =	vmul.f32 v8, v23  }
0x46e: {  	vm15 =	vlt.s32 v5, $0xA;
	v7 =	vmul.f32 v17, v7;
	v9 =	vmul.f32 v9, v25  }
0x46f: {  	v5 =	vnsel vm15, $0xA, v5;
	v4 =	vld.idx.msk [tilespmem:v4+s20+$0x0], $0xffff;
	v22 =	vpop (erf);
	(erf) = vpow2.f32 v11;
	v8 =	vmul.f32 v8, v2  }
0x470: {  	v16 =	vnsel vm6, $0xA, v16;
	v17 =	vld [tilespmem:s23+$0x10];
	v7 =	vmul.f32 v7, v2;
	v9 =	vmul.f32 v9, v2  }
0x471: {  	v20 =	vadd.f32 $1.000000000e+00, v20;
	v23 =	vld [tilespmem:s23+$0xFFFFFFD0];
	v11 =	vpop (erf);
	(erf) = vpow2.f32 v10;
	v6 =	vmul.f32 v21, v6  }
0x472: {  	vm15 =	vlt.s32 v28, $0xA;
	v10 =	vmul.f32 $1.442695020e+00, v18;
	v21 =	vld.idx.msk [tilespmem:v24+s20+$0x0], $0xffff;
	v8 =	vmul.f32 $1.442695020e+00, v8  }
0x473: {  	v18 =	vnsel vm7, $0xA, v19;
	v11 =	vmul.f32 v11, v1;
	v19 =	vpop (erf);
	(erf) = vpow2.f32 v14  }
0x474: {  	v28 =	vnsel vm15, $0xA, v28;
	v5 =	vld.idx.msk [tilespmem:v5+s20+$0x0], $0xffff;
	v7 =	vmul.f32 $1.442695020e+00, v7;
	v9 =	vmul.f32 $1.442695020e+00, v9;
	v14 =	vpop (erf)  }
0x475: {  	v22 =	vadd.f32 $1.000000000e+00, v22;
	v4 =	vmul.f32 v4, v17;
	v17 =	vld [tilespmem:s23+$0x30];
	(erf) = vpow2.f32 v3;
	v24 =	vpop (erf)  }
0x476: {  	v3 =	vadd.f32 $1.000000000e+00, v15;
	(erf) = vrcp.f32 v20;
	v14 =	vmul.f32 v14, v1;
	v20 =	vld [tilespmem:s24+$0xFFFFFFE0];
	v25 =	vpop (erf)  }
0x477: {  	(erf) = vpow2.f32 v10;
	v21 =	vmul.f32 v21, v23;
	v23 =	vadd.f32 $1.000000000e+00, v25;
	v25 =	vld [tilespmem:s24+$0x0]  }
0x478: {  	v19 =	vadd.f32 $1.000000000e+00, v19;
	v27 =	vmul.f32 v4, v2;
	v15 =	vpop (erf);
	(erf) = vrcp.f32 v3;
	v3 =	vld.idx.msk [tilespmem:v18+s20+$0x0], $0xffff  }
0x479: {  	v6 =	vmul.f32 v6, v2;
	v11 =	vsub.f32 v0, v11;
	v18 =	vld [tilespmem:s23+$0x20];
	v4 =	vadd.f32 $1.000000000e+00, v15  }
0x47a: {  	v14 =	vsub.f32 v0, v14;
	v15 =	vld [tilespmem:s24+$0x30];
	v31 =	vmul.f32 $1.442695020e+00, v27;
	v5 =	vmul.f32 v5, v17  }
0x47b: {  	v17 =	vmul.f32 v21, v2;
	(erf) = vrcp.f32 v4;
	v4 =	vadd.f32 $1.000000000e+00, v13  }
0x47c: {  	v21 =	vnsel vm8, $0xA, v26;
	v26 =	vld [tilespmem:s24+$0x10];
	vm9 =	vlt.s32 v20, $0xA;
	v5 =	vmul.f32 v5, v2  }
0x47d: {  	v13 =	vld [tilespmem:s24+$0xFFFFFFF0];
	v10 =	vpop (erf);
	v17 =	vmul.f32 $1.442695020e+00, v17;
	(erf) = vrcp.f32 v22;
	v20 =	vnsel vm9, $0xA, v20  }
0x47e: {  	v16 =	vld.idx.msk [tilespmem:v16+s20+$0x0], $0xffff;
	v10 =	vadd.f32 $1.000000000e+00, v10;
	(erf) = vrcp.f32 v4;
	vm11 =	vlt.s32 v25, $0xA  }
0x47f: {  	v22 =	vld [tilespmem:s24+$0xFFFFFFD0];
	v3 =	vmul.f32 v3, v18;
	vm10 =	vlt.s32 v15, $0xA;
	(erf) = vpow2.f32 v8;
	v4 =	vpop (erf)  }
0x480: {  	v8 =	vnsel vm11, $0xA, v25;
	v5 =	vmul.f32 $1.442695020e+00, v5;
	v25 =	vld [tilespmem:s23+$0xFFFFFFF0];
	(erf) = vrcp.f32 v10;
	v29 =	vpop (erf)  }
0x481: {  	s22 =	simm.s32 $0x20C0;
	v10 =	vnsel vm10, $0xA, v15;
	v15 =	vld.idx.msk [tilespmem:v21+s20+$0x0], $0xffff;
	v3 =	vmul.f32 v3, v2;
	(erf) = vrcp.f32 v19;
	v18 =	vpop (erf)  }
0x482: {  	vm13 =	vlt.s32 v26, $0xA;
	vm12 =	vlt.s32 v13, $0xA;
	v19 =	vld [tilespmem:s22+$0xFFFFFFC0];
	(erf) = vrcp.f32 v23;
	v23 =	vpop (erf)  }
0x483: {  	v26 =	vnsel vm13, $0xA, v26;
	v20 =	vld.idx.msk [tilespmem:v20+s20+$0x0], $0xffff;
	v3 =	vmul.f32 $1.442695020e+00, v3;
	(erf) = vpow2.f32 v17;
	v30 =	vpop (erf)  }
0x484: {  	v21 =	vnsel vm12, $0xA, v13;
	v18 =	vmul.f32 v18, v1;
	(erf) = vpow2.f32 v9;
	v9 =	vld [tilespmem:s22+$0xFFFFFFE0];
	v13 =	vpop (erf)  }
0x485: {  	v27 =	vld [tilespmem:s22+$0x0];
	vm14 =	vlt.s32 v22, $0xA;
	v16 =	vmul.f32 v16, v25;
	v13 =	vmul.f32 v13, v1  }
0x486: {  	v22 =	vnsel vm14, $0xA, v22;
	v8 =	vld.idx.msk [tilespmem:v8+s20+$0x0], $0xffff;
	(erf) = vpow2.f32 v7;
	v30 =	vmul.f32 v30, v1  }
0x487: {  	s19 =	simm.s32 $0x7C40;
	v17 =	vadd.f32 $1.000000000e+00, v24;
	v10 =	vld.idx.msk [tilespmem:v10+s20+$0x0], $0xffff;
	v7 =	vpop (erf);
	v15 =	vmul.f32 v15, v19;
	(erf) = vpow2.f32 v12  }
0x488: {  	[tilespmem:s19+$0xFFFFFFC0] =	vst v11;
	v12 =	vld [tilespmem:s22+$0x10];
	v7 =	vmul.f32 v7, v1;
	v19 =	vpop (erf);
	(erf) = vpow2.f32 v5;
	v5 =	vsub.f32 v0, v18  }
0x489: {  	v34 =	vld.idx.msk [tilespmem:v26+s20+$0x0], $0xffff;
	v32 =	vsub.f32 v0, v13;
	v33 =	vmul.f32 v19, v1;
	v24 =	vmul.f32 v20, v9;
	v13 =	vpop (erf)  }
0x48a: {  	[tilespmem:s19+$0x0] =	vst v14;
	v26 =	vld [tilespmem:s22+$0xFFFFFFD0];
	v30 =	vsub.f32 v0, v30;
	v9 =	vmul.f32 v15, v2;
	v20 =	vmul.f32 $1.442695020e+00, v6;
	v25 =	vpop (erf)  }
0x48b: {  	v35 =	vsub.f32 v0, v7;
	v7 =	vld.idx.msk [tilespmem:v21+s20+$0x0], $0xffff;
	v18 =	vmul.f32 v8, v27;
	v21 =	vmul.f32 v16, v2;
	v11 =	vpop (erf)  }
0x48c: {  	v19 =	vld.idx.msk [tilespmem:v22+s20+$0x0], $0xffff;
	v15 =	vadd.f32 $1.000000000e+00, v23;
	[tilespmem:s19+$0xFFFFFFD0] =	vst v5;
	v9 =	vmul.f32 $1.442695020e+00, v9;
	v14 =	vmul.f32 v11, v1;
	v11 =	vpop (erf)  }
0x48d: {  	s16 =	simm.s32 $0x7CC0;
	v8 =	vld.idx.msk [tilespmem:v28+s20+$0x0], $0xffff;
	v23 =	vadd.f32 $1.000000000e+00, v29;
	[tilespmem:s19+$0x10] =	vst v30;
	v5 =	vmul.f32 v24, v2;
	v29 =	vmul.f32 v25, v1;
	v6 =	vpop (erf)  }
0x48e: {  	s17 =	simm.s32 $0x7D40;
	v22 =	vld [tilespmem:s22+$0x30];
	[tilespmem:s16+$0xFFFFFFC0] =	vst v32;
	v16 =	vsub.f32 v0, v33;
	v27 =	vmul.f32 v18, v2;
	v25 =	vmul.f32 v34, v12;
	v24 =	vpop (erf)  }
0x48f: {  	s18 =	simm.s32 $0x7D40;
	s24 =	simm.s32 $0x4FC0;
	s23 =	simm.s32 $0x18;
	[tilespmem:s19+$0xFFFFFFE0] =	vst v35;
	v12 =	vld [tilespmem:s22+$0x20];
	v18 =	vsub.f32 v0, v29;
	v14 =	vsub.f32 v0, v14;
	v28 =	vpop (erf);
	(erf) = vpow2.f32 v31  }
.LBB2_12:
0x490: {  	v29 =	vld [tilespmem:s24+$0xFFFFFFC0];
	s23 =	sadd.s32 $0x8, s23;
	v25 =	vmul.f32 v25, v2;
	v28 =	vadd.f32 $1.000000000e+00, v28;
	s18 =	sadd.s32 $0x80, s18;
	(erf) = vrcp.f32 v17;
	[tilespmem:s19+$0x30] =	vst v16  }
0x491: {  	v13 =	vadd.f32 $1.000000000e+00, v13;
	v11 =	vmul.f32 v11, v1;
	v16 =	vld [tilespmem:s24+$0x30];
	p0 =	slt.u32 s23, $0xF0;
	v17 =	vmul.f32 $1.442695020e+00, v27;
	v27 =	vpop (erf);
	[tilespmem:s19+$0x20] =	vst v18  }
0x492: {  	v24 =	vadd.f32 $1.000000000e+00, v24;
	v18 =	vld [tilespmem:s24+$0xFFFFFFE0];
	v19 =	vmul.f32 v19, v26;
	(erf) = vpow2.f32 v20;
	[tilespmem:s19+$0xFFFFFFF0] =	vst v14;
	s19 =	smov.u32 s16;
	s16 =	smov.u32 s17;
	s17 =	smov.u32 s18  }
0x493: {  	v14 =	vld [tilespmem:s24+$0x0];
	v10 =	vmul.f32 v10, v22;
	v20 =	vpop (erf);
	v22 =	vadd.f32 $1.000000000e+00, v27;
	(erf) = vrcp.f32 v23  }
0x494: {  	v26 =	vadd.f32 $1.000000000e+00, v4;
	v23 =	vld [tilespmem:s24+$0xFFFFFFD0];
	v19 =	vmul.f32 v19, v2;
	(erf) = vrcp.f32 v28;
	v4 =	vmovc v20  }
0x495: {  	v30 =	vmul.f32 $1.442695020e+00, v21;
	vm0 =	vlt.s32 v29, $0xA;
	v20 =	vld [tilespmem:s24+$0xFFFFFFF0];
	v10 =	vmul.f32 v10, v2  }
0x496: {  	v27 =	vnsel vm0, $0xA, v29;
	v28 =	vld [tilespmem:s24+$0x10];
	v19 =	vmul.f32 $1.442695020e+00, v19;
	(erf) = vrcp.f32 v15  }
0x497: {  	vm1 =	vlt.s32 v16, $0xA;
	vm0 =	vlt.s32 v18, $0xA;
	v15 =	vld [tilespmem:s24+$0x20];
	(erf) = vrcp.f32 v26  }
0x498: {  	v18 =	vnsel vm0, $0xA, v18;
	vm0 =	vlt.s32 v14, $0xA;
	(erf) = vpow2.f32 v30;
	v21 =	vpop (erf)  }
0x499: {  	v29 =	vmul.f32 $1.442695020e+00, v10;
	v14 =	vnsel vm0, $0xA, v14;
	v26 =	vld [tilespmem:s22+$0xFFFFFFF0];
	s22 =	sadd.s32 $0x80, s22;
	v30 =	vpop (erf);
	(erf) = vrcp.f32 v22  }
0x49a: {  	v31 =	vsub.f32 v0, v11;
	v10 =	vnsel vm1, $0xA, v16;
	vm0 =	vlt.s32 v20, $0xA;
	v22 =	vld [tilespmem:s22+$0x0]  }
0x49b: {  	v8 =	vmul.f32 v8, v12;
	v16 =	vld.idx.msk [tilespmem:v27+s20+$0x0], $0xffff;
	vm1 =	vlt.s32 v28, $0xA;
	v12 =	vpop (erf);
	(erf) = vrcp.f32 v13  }
0x49c: {  	v20 =	vnsel vm0, $0xA, v20;
	v13 =	vld [tilespmem:s22+$0xFFFFFFC0];
	v27 =	vnsel vm1, $0xA, v28;
	(erf) = vrcp.f32 v24;
	[tilespmem:s19+$0x0] =	vst v31;
	v11 =	vpop (erf)  }
0x49d: {  	v8 =	vmul.f32 v8, v2;
	vm0 =	vlt.s32 v15, $0xA;
	v18 =	vld.idx.msk [tilespmem:v18+s20+$0x0], $0xffff;
	(erf) = vpow2.f32 v19;
	v19 =	vpop (erf)  }
0x49e: {  	vm1 =	vlt.s32 v23, $0xA;
	v31 =	vmul.f32 $1.442695020e+00, v25;
	v14 =	vld.idx.msk [tilespmem:v14+s20+$0x0], $0xffff;
	(erf) = vpow2.f32 v17  }
0x49f: {  	v8 =	vmul.f32 $1.442695020e+00, v8;
	v23 =	vnsel vm1, $0xA, v23;
	v17 =	vmul.f32 v19, v1;
	v24 =	vld [tilespmem:s22+$0xFFFFFFE0];
	v19 =	vpop (erf)  }
0x4a0: {  	v15 =	vnsel vm0, $0xA, v15;
	v10 =	vld.idx.msk [tilespmem:v10+s20+$0x0], $0xffff;
	(erf) = vpow2.f32 v9;
	v9 =	vmul.f32 v30, v1;
	v25 =	vpop (erf)  }
0x4a1: {  	v28 =	vmul.f32 v19, v1;
	v16 =	vmul.f32 v16, v13;
	v30 =	vld.idx.msk [tilespmem:v20+s20+$0x0], $0xffff;
	v20 =	vsub.f32 v0, v17;
	v13 =	vpop (erf)  }
0x4a2: {  	v7 =	vmul.f32 v7, v26;
	v17 =	vadd.f32 $1.000000000e+00, v6;
	v33 =	vmul.f32 v25, v1;
	v32 =	vld [tilespmem:s22+$0x10];
	v25 =	vpop (erf)  }
0x4a3: {  	v16 =	vmul.f32 v16, v2;
	v27 =	vld.idx.msk [tilespmem:v27+s20+$0x0], $0xffff;
	[tilespmem:s16+$0xFFFFFFC0] =	vst v20;
	(erf) = vpow2.f32 v3;
	v3 =	vmov v8  }
0x4a4: {  	v34 =	vmul.f32 v11, v1;
	v28 =	vsub.f32 v0, v28;
	v19 =	vld.idx.msk [tilespmem:v23+s20+$0x0], $0xffff;
	v18 =	vmul.f32 v18, v24;
	v23 =	vpop (erf)  }
0x4a5: {  	v20 =	vmul.f32 $1.442695020e+00, v5;
	v5 =	vsub.f32 v0, v9;
	v8 =	vld.idx.msk [tilespmem:v15+s20+$0x0], $0xffff;
	(erf) = vpow2.f32 v29;
	v11 =	vpop (erf)  }
.Ltmp5:
0x4a6: {  	v29 =	vmul.f32 v14, v22;
	v15 =	vadd.f32 $1.000000000e+00, v12;
	v12 =	vmul.f32 v23, v1;
	v6 =	vpop (erf);
	(pc) =	sbr.rel @p0 .LBB2_12-.Ltmp5, $4  }
0x4a7: {  	v35 =	vmul.f32 v25, v1;
	v9 =	vmul.f32 $1.442695020e+00, v16;
	v23 =	vadd.f32 $1.000000000e+00, v21;
	v24 =	vpop (erf);
	[tilespmem:s19+$0xFFFFFFD0] =	vst v5  }
0x4a8: {  	v34 =	vsub.f32 v0, v34;
	v21 =	vmul.f32 v7, v2;
	v5 =	vmul.f32 v18, v2;
	v26 =	vld [tilespmem:s22+$0xFFFFFFD0];
	[tilespmem:s19+$0xFFFFFFE0] =	vst v28  }
0x4a9: {  	v16 =	vsub.f32 v0, v33;
	v14 =	vsub.f32 v0, v12;
	v25 =	vmul.f32 v27, v32;
	v22 =	vld [tilespmem:s22+$0x30];
	v28 =	vpop (erf)  }
0x4aa: {  	s24 =	sadd.s32 $0x80, s24;
	v7 =	vmovc v30;
	v18 =	vsub.f32 v0, v35;
	v27 =	vmul.f32 v29, v2;
	v12 =	vld [tilespmem:s22+$0x20];
	(erf) = vpow2.f32 v31;
	[tilespmem:s19+$0x10] =	vst v34  }
0x4ab: {  	(erf) = vrcp.f32 v17;
	v17 =	vadd.f32 $1.000000000e+00, v28;
	_ =	sdelay $0x1  }
0x4ac: {  	(erf) = vpow2.f32 v20  }
0x4ad: {  	(erf) = vrcp.f32 v23  }
0x4ae: {  	v4 =	vadd.f32 $1.000000000e+00, v4;
	v19 =	vmul.f32 v19, v26;
	(erf) = vrcp.f32 v17;
	v17 =	vpop (erf)  }
0x4af: {  	v20 =	vmul.f32 $1.442695020e+00, v21;
	(erf) = vrcp.f32 v15;
	v15 =	vadd.f32 $1.000000000e+00, v17  }
0x4b0: {  	(erf) = vrcp.f32 v4;
	v4 =	vadd.f32 $1.000000000e+00, v13;
	v13 =	vmul.f32 v19, v2  }
0x4b1: {  	v17 =	vadd.f32 $1.000000000e+00, v24;
	(erf) = vpow2.f32 v20  }
0x4b2: {  	v19 =	vpop (erf);
	(erf) = vrcp.f32 v15;
	v13 =	vmul.f32 $1.442695020e+00, v13  }
0x4b3: {  	v15 =	vpop (erf);
	(erf) = vrcp.f32 v4;
	v4 =	vmul.f32 $1.442695020e+00, v27  }
0x4b4: {  	v20 =	vpop (erf);
	(erf) = vrcp.f32 v17  }
0x4b5: {  	v17 =	vpop (erf);
	(erf) = vpow2.f32 v13  }
0x4b6: {  	v13 =	vpop (erf);
	(erf) = vpow2.f32 v4  }
0x4b7: {  	v4 =	vpop (erf);
	(erf) = vpow2.f32 v9;
	v9 =	vmul.f32 v10, v22  }
0x4b8: {  	v10 =	vpop (erf)  }
0x4b9: {  	v21 =	vpop (erf);
	v9 =	vmul.f32 v9, v2  }
0x4ba: {  	v23 =	vmul.f32 v25, v2;
	v22 =	vpop (erf)  }
0x4bb: {  	v25 =	vpop (erf);
	(erf) = vpow2.f32 v3;
	v3 =	vmul.f32 $1.442695020e+00, v9  }
0x4bc: {  	v24 =	vld [tilespmem:s22+$0xFFFFFFF0]  }
0x4bd: {  	v23 =	vmul.f32 $1.442695020e+00, v23;
	v9 =	vpop (erf)  }
0x4be: {  	v26 =	vpop (erf)  }
0x4bf: {  	v6 =	vadd.f32 $1.000000000e+00, v6;
	(erf) = vpow2.f32 v3;
	v3 =	vpop (erf)  }
0x4c0: {  	v5 =	vmul.f32 $1.442695020e+00, v5;
	(erf) = vpow2.f32 v23;
	v27 =	vpop (erf)  }
0x4c1: {  	v7 =	vmul.f32 v7, v24;
	v15 =	vadd.f32 $1.000000000e+00, v15;
	(erf) = vrcp.f32 v6;
	v23 =	vpop (erf)  }
0x4c2: {  	(erf) = vpow2.f32 v5;
	v6 =	vadd.f32 $1.000000000e+00, v23  }
0x4c3: {  	v7 =	vmul.f32 v7, v2;
	v5 =	vadd.f32 $1.000000000e+00, v17;
	(erf) = vrcp.f32 v15  }
0x4c4: {  	v8 =	vmul.f32 v8, v12;
	(erf) = vrcp.f32 v6;
	v6 =	vadd.f32 $1.000000000e+00, v19  }
0x4c5: {  	v7 =	vmul.f32 $1.442695020e+00, v7;
	(erf) = vrcp.f32 v5  }
0x4c6: {  	v12 =	vpop (erf);
	(erf) = vrcp.f32 v6;
	v6 =	vmul.f32 v8, v2  }
0x4c7: {  	v5 =	vadd.f32 $1.000000000e+00, v12;
	v8 =	vadd.f32 $1.000000000e+00, v22  }
0x4c8: {  	(erf) = vpow2.f32 v7;
	v7 =	vadd.f32 $1.000000000e+00, v27  }
0x4c9: {  	v12 =	vpop (erf);
	(erf) = vrcp.f32 v5  }
0x4ca: {  	v5 =	vmul.f32 $1.442695020e+00, v6;
	v6 =	vpop (erf);
	(erf) = vrcp.f32 v8  }
0x4cb: {  	v8 =	vpop (erf);
	(erf) = vrcp.f32 v7  }
0x4cc: {  	v4 =	vmul.f32 v4, v1;
	v7 =	vpop (erf);
	(erf) = vpow2.f32 v5  }
0x4cd: {  	[tilespmem:s19+$0x30] =	vst v16;
	v16 =	vmul.f32 v20, v1;
	v5 =	vmul.f32 v11, v1;
	v11 =	vpop (erf)  }
0x4ce: {  	[tilespmem:s19+$0xFFFFFFF0] =	vst v14;
	v4 =	vsub.f32 v0, v4;
	v15 =	vpop (erf)  }
0x4cf: {  	[tilespmem:s19+$0x20] =	vst v18;
	v13 =	vmul.f32 v13, v1;
	v9 =	vmul.f32 v9, v1;
	v5 =	vsub.f32 v0, v5;
	v17 =	vpop (erf)  }
0x4d0: {  	v10 =	vmul.f32 v10, v1;
	v14 =	vmul.f32 v21, v1;
	[tilespmem:s17+$0xFFFFFFC0] =	vst v4;
	v3 =	vadd.f32 $1.000000000e+00, v3;
	v18 =	vpop (erf)  }
0x4d1: {  	v4 =	vmul.f32 v25, v1;
	v6 =	vadd.f32 $1.000000000e+00, v6;
	[tilespmem:s16+$0x0] =	vst v5;
	v5 =	vsub.f32 v0, v16;
	v16 =	vpop (erf)  }
0x4d2: {  	v10 =	vsub.f32 v0, v10;
	v7 =	vadd.f32 $1.000000000e+00, v7;
	(erf) = vrcp.f32 v3;
	v19 =	vpop (erf)  }
0x4d3: {  	v4 =	vsub.f32 v0, v4;
	(erf) = vrcp.f32 v6;
	[tilespmem:s16+$0xFFFFFFD0] =	vst v5;
	v5 =	vsub.f32 v0, v9;
	v9 =	vpop (erf)  }
0x4d4: {  	[tilespmem:s16+$0xFFFFFFE0] =	vst v10;
	v3 =	vsub.f32 v0, v14;
	(erf) = vrcp.f32 v7;
	v7 =	vmul.f32 v15, v1;
	v14 =	vpop (erf)  }
0x4d5: {  	v10 =	vmul.f32 v26, v1;
	[tilespmem:s16+$0x20] =	vst v4;
	v12 =	vadd.f32 $1.000000000e+00, v12;
	v4 =	vmul.f32 v8, v1;
	v6 =	vpop (erf)  }
0x4d6: {  	[tilespmem:s16+$0xFFFFFFF0] =	vst v5;
	v5 =	vsub.f32 v0, v7;
	v7 =	vmul.f32 v17, v1;
	v6 =	vadd.f32 $1.000000000e+00, v6  }
0x4d7: {  	s19 =	sadd.s32 $0x80, s18;
	[tilespmem:s16+$0x30] =	vst v3;
	v3 =	vsub.f32 v0, v10;
	v8 =	vadd.f32 $1.000000000e+00, v16;
	(erf) = vrcp.f32 v12  }
0x4d8: {  	[tilespmem:s19+$0xFFFFFFC0] =	vst v5;
	v5 =	vsub.f32 v0, v7;
	(erf) = vrcp.f32 v6;
	v6 =	vmul.f32 v18, v1  }
0x4d9: {  	v4 =	vsub.f32 v0, v4;
	[tilespmem:s17+$0x0] =	vst v3;
	v3 =	vmul.f32 v11, v1;
	(erf) = vrcp.f32 v8  }
0x4da: {  	v13 =	vsub.f32 v0, v13;
	[tilespmem:s17+$0xFFFFFFE0] =	vst v5;
	v5 =	vsub.f32 v0, v6  }
0x4db: {  	[tilespmem:s17+$0xFFFFFFD0] =	vst v4;
	v4 =	vmul.f32 v19, v1;
	v3 =	vsub.f32 v0, v3  }
0x4dc: {  	[tilespmem:s16+$0x10] =	vst v13;
	v7 =	vmul.f32 v9, v1;
	v6 =	vpop (erf)  }
0x4dd: {  	[tilespmem:s17+$0x10] =	vst v3;
	v3 =	vsub.f32 v0, v4;
	v4 =	vmul.f32 v14, v1;
	v8 =	vpop (erf)  }
0x4de: {  	v7 =	vsub.f32 v0, v7;
	[tilespmem:s17+$0x30] =	vst v5;
	v6 =	vmul.f32 v6, v1;
	v5 =	vpop (erf)  }
0x4df: {  	[tilespmem:s17+$0x20] =	vst v3;
	v3 =	vsub.f32 v0, v4;
	v4 =	vmul.f32 v5, v1  }
0x4e0: {  	[tilespmem:s17+$0xFFFFFFF0] =	vst v7;
	v7 =	vmul.f32 v8, v1;
	v5 =	vpop (erf);
	v6 =	vsub.f32 v0, v6  }
0x4e1: {  	[tilespmem:s19+$0x0] =	vst v3;
	v3 =	vmul.f32 v5, v1;
	v5 =	vpop (erf);
	v4 =	vsub.f32 v0, v4  }
0x4e2: {  	[tilespmem:s19+$0xFFFFFFD0] =	vst v6;
	v6 =	vsub.f32 v0, v7;
	v8 =	vpop (erf);
	v5 =	vmul.f32 v5, v1  }
0x4e3: {  	v3 =	vsub.f32 v0, v3;
	v7 =	vmul.f32 v8, v1;
	[tilespmem:s19+$0xFFFFFFE0] =	vst v4  }
0x4e4: {  	[tilespmem:s19+$0x10] =	vst v6;
	v4 =	vsub.f32 v0, v5  }
0x4e5: {  	[tilespmem:s19+$0x30] =	vst v3;
	v5 =	vsub.f32 v0, v7  }
0x4e6: {  	[tilespmem:s19+$0x20] =	vst v4  }
0x4e7: {  	s22 =	simm.s32 $0x7C00;
	[tilespmem:s19+$0xFFFFFFF0] =	vst v5  }
0x4e8: {  	[hbm4b:s25+s1] =	stream.linear.scatter [tilespmem:s22], [sflag:$0x9], $0xF80, $0x38;
	[tilespmem:$0x8C80] =	vst v63  }
0x4e9: {  	_ =	swait.ge [sflag:s4], $0xF80  }
0x4ea: {  	[sflag:s4] =	ssyncset.done $0x0  }
0x4eb: {  	[sflag:s4] =	ssyncadd.s32 $0xFFFFF080  }
0x4ec: {  	_ =	swait.ge [sflag:s5], $0xF80  }
0x4ed: {  	[sflag:s5] =	ssyncset.done $0x0  }
0x4ee: {  	[sflag:s5] =	ssyncadd.s32 $0xFFFFF080  }
0x4ef: {  	_ =	swait.ge [sflag:s12], $0xF80  }
0x4f0: {  	[sflag:s12] =	ssyncset.done $0x0  }
0x4f1: {  	s23 =	simm.s32 $0x2EC0;
	[sflag:s12] =	ssyncadd.s32 $0xFFFFF080  }
0x4f2: {  	v3 =	vld [tilespmem:s23+$0xFFFFFFC0]  }
0x4f3: {  	v4 =	vld [tilespmem:s23+$0xFFFFFFE0]  }
0x4f4: {  	v5 =	vld [tilespmem:s23+$0x0]  }
0x4f5: {  	v6 =	vld [tilespmem:s23+$0x30]  }
0x4f6: {  	v7 =	vld [tilespmem:s23+$0xFFFFFFF0]  }
0x4f7: {  	v8 =	vld [tilespmem:s23+$0xFFFFFFD0]  }
0x4f8: {  	v9 =	vld [tilespmem:s23+$0x10]  }
0x4f9: {  	s24 =	simm.s32 $0x40;
	v10 =	vld [tilespmem:s23+$0x20]  }
0x4fa: {  	v11 =	vld [tilespmem:s24+$0x0]  }
0x4fb: {  	v12 =	vld [tilespmem:s24+$0xFFFFFFC0]  }
0x4fc: {  	v13 =	vld [tilespmem:s24+$0xFFFFFFE0]  }
0x4fd: {  	v14 =	vld [tilespmem:s24+$0x10]  }
0x4fe: {  	v15 =	vld [tilespmem:s24+$0xFFFFFFD0]  }
0x4ff: {  	s18 =	simm.s32 $0x2F40;
	v16 =	vld [tilespmem:s24+$0x30]  }
0x500: {  	v17 =	vld [tilespmem:s18+$0xFFFFFFC0]  }
0x501: {  	v18 =	vld [tilespmem:s24+$0x20]  }
0x502: {  	v19 =	vld [tilespmem:s18+$0xFFFFFFE0]  }
0x503: {  	v20 =	vld [tilespmem:s18+$0x0]  }
0x504: {  	v21 =	vld [tilespmem:s18+$0x30];
	vm0 =	vlt.s32 v3, $0xA  }
0x505: {  	v22 =	vld [tilespmem:s18+$0xFFFFFFD0];
	vm10 =	vlt.s32 v4, $0xA;
	v3 =	vnsel vm0, $0xA, v3  }
0x506: {  	v23 =	vld [tilespmem:s18+$0xFFFFFFF0];
	vm11 =	vlt.s32 v5, $0xA;
	v4 =	vnsel vm10, $0xA, v4  }
0x507: {  	v24 =	vld [tilespmem:s18+$0x10];
	vm12 =	vlt.s32 v6, $0xA;
	v5 =	vnsel vm11, $0xA, v5  }
0x508: {  	v25 =	vld [tilespmem:s24+$0xFFFFFFF0];
	s24 =	simm.s32 $0x3040;
	vm1 =	vlt.s32 v7, $0xA;
	v6 =	vnsel vm12, $0xA, v6  }
0x509: {  	v26 =	vld [tilespmem:s24+$0xFFFFFFC0];
	vm13 =	vlt.s32 v9, $0xA;
	v7 =	vnsel vm1, $0xA, v7  }
0x50a: {  	vm14 =	vlt.s32 v8, $0xA;
	v9 =	vnsel vm13, $0xA, v9;
	v3 =	vld.idx.msk [tilespmem:v3+s20+$0x0], $0xffff  }
0x50b: {  	vm15 =	vlt.s32 v10, $0xA;
	v8 =	vnsel vm14, $0xA, v8;
	v4 =	vld.idx.msk [tilespmem:v4+s20+$0x0], $0xffff  }
0x50c: {  	vm4 =	vlt.s32 v17, $0xA;
	v10 =	vnsel vm15, $0xA, v10;
	v5 =	vld.idx.msk [tilespmem:v5+s20+$0x0], $0xffff  }
0x50d: {  	vm5 =	vlt.s32 v19, $0xA;
	v17 =	vnsel vm4, $0xA, v17;
	v6 =	vld.idx.msk [tilespmem:v6+s20+$0x0], $0xffff  }
0x50e: {  	vm6 =	vlt.s32 v20, $0xA;
	v19 =	vnsel vm5, $0xA, v19;
	v7 =	vld.idx.msk [tilespmem:v7+s20+$0x0], $0xffff  }
0x50f: {  	v20 =	vnsel vm6, $0xA, v20;
	v9 =	vld.idx.msk [tilespmem:v9+s20+$0x0], $0xffff  }
0x510: {  	v8 =	vld.idx.msk [tilespmem:v8+s20+$0x0], $0xffff  }
0x511: {  	v10 =	vld.idx.msk [tilespmem:v10+s20+$0x0], $0xffff  }
0x512: {  	v17 =	vld.idx.msk [tilespmem:v17+s20+$0x0], $0xffff  }
0x513: {  	v19 =	vld.idx.msk [tilespmem:v19+s20+$0x0], $0xffff  }
0x514: {  	vm7 =	vlt.s32 v21, $0xA;
	vm8 =	vlt.s32 v23, $0xA;
	v20 =	vld.idx.msk [tilespmem:v20+s20+$0x0], $0xffff  }
0x515: {  	s19 =	simm.s32 $0xC0;
	vm9 =	vlt.s32 v24, $0xA;
	vm10 =	vlt.s32 v22, $0xA;
	v3 =	vmul.f32 v3, v12;
	v12 =	vld [tilespmem:s18+$0x20]  }
0x516: {  	v4 =	vmul.f32 v4, v13;
	v13 =	vld [tilespmem:s19+$0x0];
	v8 =	vmul.f32 v8, v15;
	v15 =	vnsel vm7, $0xA, v21  }
0x517: {  	v22 =	vnsel vm10, $0xA, v22;
	v5 =	vmul.f32 v5, v11;
	v11 =	vld [tilespmem:s19+$0xFFFFFFC0];
	v21 =	vnsel vm8, $0xA, v23  }
0x518: {  	v23 =	vnsel vm9, $0xA, v24;
	v24 =	vld [tilespmem:s19+$0xFFFFFFE0];
	v9 =	vmul.f32 v9, v14;
	v6 =	vmul.f32 v6, v16  }
0x519: {  	s23 =	simm.s32 $0x140;
	v10 =	vmul.f32 v10, v18;
	v16 =	vld [tilespmem:s19+$0xFFFFFFD0];
	v7 =	vmul.f32 v7, v25  }
0x51a: {  	v25 =	vld [tilespmem:s23+$0x0];
	v3 =	vmul.f32 v3, v2;
	v8 =	vmul.f32 v8, v2  }
0x51b: {  	v5 =	vmul.f32 v5, v2;
	v6 =	vmul.f32 v6, v2;
	v14 =	vld.idx.msk [tilespmem:v15+s20+$0x0], $0xffff  }
0x51c: {  	s22 =	simm.s32 $0x2FC0;
	v3 =	vmul.f32 $1.442695020e+00, v3;
	v8 =	vmul.f32 $1.442695020e+00, v8;
	v15 =	vld.idx.msk [tilespmem:v22+s20+$0x0], $0xffff  }
0x51d: {  	v5 =	vmul.f32 $1.442695020e+00, v5;
	v11 =	vmul.f32 v17, v11;
	v17 =	vld [tilespmem:s22+$0xFFFFFFC0]  }
0x51e: {  	v18 =	vmul.f32 v19, v24;
	v19 =	vld [tilespmem:s19+$0x30];
	(erf) = vpow2.f32 v8  }
0x51f: {  	v9 =	vmul.f32 v9, v2;
	v24 =	vld [tilespmem:s22+$0xFFFFFFD0];
	(erf) = vpow2.f32 v5  }
0x520: {  	v6 =	vmul.f32 $1.442695020e+00, v6;
	v8 =	vld.idx.msk [tilespmem:v21+s20+$0x0], $0xffff;
	(erf) = vpow2.f32 v3  }
0x521: {  	v9 =	vmul.f32 $1.442695020e+00, v9;
	v21 =	vld [tilespmem:s22+$0xFFFFFFE0]  }
0x522: {  	v10 =	vmul.f32 v10, v2;
	vm11 =	vlt.s32 v12, $0xA;
	v5 =	vld [tilespmem:s19+$0x10];
	(erf) = vpow2.f32 v6  }
0x523: {  	v4 =	vmul.f32 v4, v2;
	v12 =	vnsel vm11, $0xA, v12;
	(erf) = vpow2.f32 v9;
	v9 =	vld [tilespmem:s22+$0x0]  }
0x524: {  	v7 =	vmul.f32 v7, v2;
	v10 =	vmul.f32 $1.442695020e+00, v10;
	v3 =	vld.idx.msk [tilespmem:v23+s20+$0x0], $0xffff  }
0x525: {  	v4 =	vmul.f32 $1.442695020e+00, v4;
	v6 =	vmul.f32 v20, v13;
	v13 =	vld [tilespmem:s19+$0x20];
	vm12 =	vlt.s32 v17, $0xA  }
0x526: {  	v11 =	vmul.f32 v11, v2;
	v15 =	vmul.f32 v15, v16;
	v16 =	vld [tilespmem:s22+$0xFFFFFFF0];
	v17 =	vnsel vm12, $0xA, v17  }
0x527: {  	vm8 =	vlt.s32 v26, $0xA;
	v7 =	vmul.f32 $1.442695020e+00, v7;
	v14 =	vmul.f32 v14, v19;
	v19 =	vld [tilespmem:s22+$0x20];
	v20 =	vpop (erf)  }
0x528: {  	v18 =	vmul.f32 v18, v2;
	v11 =	vmul.f32 $1.442695020e+00, v11;
	v12 =	vld.idx.msk [tilespmem:v12+s20+$0x0], $0xffff;
	vm14 =	vlt.s32 v9, $0xA;
	v22 =	vpop (erf)  }
0x529: {  	v6 =	vmul.f32 v6, v2;
	(erf) = vpow2.f32 v4;
	v4 =	vld [tilespmem:s22+$0x10];
	v9 =	vnsel vm14, $0xA, v9;
	v23 =	vpop (erf)  }
0x52a: {  	vm13 =	vlt.s32 v21, $0xA;
	v3 =	vmul.f32 v3, v5;
	v5 =	vld [tilespmem:s22+$0x30];
	v23 =	vadd.f32 $1.000000000e+00, v23  }
0x52b: {  	v15 =	vmul.f32 v15, v2;
	v21 =	vnsel vm13, $0xA, v21;
	v14 =	vmul.f32 v14, v2;
	v17 =	vld.idx.msk [tilespmem:v17+s20+$0x0], $0xffff  }
0x52c: {  	vm5 =	vlt.s32 v24, $0xA;
	v6 =	vmul.f32 $1.442695020e+00, v6;
	(erf) = vrcp.f32 v23;
	v23 =	vld [tilespmem:s19+$0xFFFFFFF0]  }
0x52d: {  	v15 =	vmul.f32 $1.442695020e+00, v15;
	v22 =	vadd.f32 $1.000000000e+00, v22;
	(erf) = vpow2.f32 v7;
	v7 =	vld [tilespmem:s23+$0xFFFFFFC0]  }
0x52e: {  	v14 =	vmul.f32 $1.442695020e+00, v14;
	vm4 =	vlt.s32 v4, $0xA;
	v12 =	vmul.f32 v12, v13;
	v9 =	vld.idx.msk [tilespmem:v9+s20+$0x0], $0xffff  }
0x52f: {  	v3 =	vmul.f32 v3, v2;
	v4 =	vnsel vm4, $0xA, v4;
	(erf) = vrcp.f32 v22  }
0x530: {  	v24 =	vnsel vm5, $0xA, v24;
	v21 =	vld.idx.msk [tilespmem:v21+s20+$0x0], $0xffff;
	v13 =	vpop (erf);
	v12 =	vmul.f32 v12, v2;
	(erf) = vpow2.f32 v15  }
0x531: {  	vm6 =	vlt.s32 v16, $0xA;
	v3 =	vmul.f32 $1.442695020e+00, v3;
	v15 =	vpop (erf);
	(erf) = vpow2.f32 v6;
	v6 =	vld [tilespmem:s23+$0xFFFFFFE0]  }
0x532: {  	v28 =	vld [tilespmem:s24+$0x20];
	vm7 =	vlt.s32 v19, $0xA;
	v12 =	vmul.f32 $1.442695020e+00, v12;
	v8 =	vmul.f32 v8, v23  }
0x533: {  	vm15 =	vlt.s32 v5, $0xA;
	v7 =	vmul.f32 v17, v7;
	v9 =	vmul.f32 v9, v25  }
0x534: {  	v5 =	vnsel vm15, $0xA, v5;
	v4 =	vld.idx.msk [tilespmem:v4+s20+$0x0], $0xffff;
	v22 =	vpop (erf);
	(erf) = vpow2.f32 v11;
	v8 =	vmul.f32 v8, v2  }
0x535: {  	v16 =	vnsel vm6, $0xA, v16;
	v17 =	vld [tilespmem:s23+$0x10];
	v7 =	vmul.f32 v7, v2;
	v9 =	vmul.f32 v9, v2  }
0x536: {  	v20 =	vadd.f32 $1.000000000e+00, v20;
	v23 =	vld [tilespmem:s23+$0xFFFFFFD0];
	v11 =	vpop (erf);
	(erf) = vpow2.f32 v10;
	v6 =	vmul.f32 v21, v6  }
0x537: {  	vm15 =	vlt.s32 v28, $0xA;
	v10 =	vmul.f32 $1.442695020e+00, v18;
	v21 =	vld.idx.msk [tilespmem:v24+s20+$0x0], $0xffff;
	v8 =	vmul.f32 $1.442695020e+00, v8  }
0x538: {  	v18 =	vnsel vm7, $0xA, v19;
	v11 =	vmul.f32 v11, v1;
	v19 =	vpop (erf);
	(erf) = vpow2.f32 v14  }
0x539: {  	v28 =	vnsel vm15, $0xA, v28;
	v5 =	vld.idx.msk [tilespmem:v5+s20+$0x0], $0xffff;
	v7 =	vmul.f32 $1.442695020e+00, v7;
	v9 =	vmul.f32 $1.442695020e+00, v9;
	v14 =	vpop (erf)  }
0x53a: {  	v22 =	vadd.f32 $1.000000000e+00, v22;
	v4 =	vmul.f32 v4, v17;
	v17 =	vld [tilespmem:s23+$0x30];
	(erf) = vpow2.f32 v3;
	v24 =	vpop (erf)  }
0x53b: {  	v3 =	vadd.f32 $1.000000000e+00, v15;
	(erf) = vrcp.f32 v20;
	v14 =	vmul.f32 v14, v1;
	v20 =	vld [tilespmem:s24+$0xFFFFFFE0];
	v25 =	vpop (erf)  }
0x53c: {  	(erf) = vpow2.f32 v10;
	v21 =	vmul.f32 v21, v23;
	v23 =	vadd.f32 $1.000000000e+00, v25;
	v25 =	vld [tilespmem:s24+$0x0]  }
0x53d: {  	v19 =	vadd.f32 $1.000000000e+00, v19;
	v27 =	vmul.f32 v4, v2;
	v15 =	vpop (erf);
	(erf) = vrcp.f32 v3;
	v3 =	vld.idx.msk [tilespmem:v18+s20+$0x0], $0xffff  }
0x53e: {  	v6 =	vmul.f32 v6, v2;
	v11 =	vsub.f32 v0, v11;
	v18 =	vld [tilespmem:s23+$0x20];
	v4 =	vadd.f32 $1.000000000e+00, v15  }
0x53f: {  	v14 =	vsub.f32 v0, v14;
	v15 =	vld [tilespmem:s24+$0x30];
	v31 =	vmul.f32 $1.442695020e+00, v27;
	v5 =	vmul.f32 v5, v17  }
0x540: {  	v17 =	vmul.f32 v21, v2;
	(erf) = vrcp.f32 v4;
	v4 =	vadd.f32 $1.000000000e+00, v13  }
0x541: {  	v21 =	vnsel vm8, $0xA, v26;
	v26 =	vld [tilespmem:s24+$0x10];
	vm9 =	vlt.s32 v20, $0xA;
	v5 =	vmul.f32 v5, v2  }
0x542: {  	v13 =	vld [tilespmem:s24+$0xFFFFFFF0];
	v10 =	vpop (erf);
	v17 =	vmul.f32 $1.442695020e+00, v17;
	(erf) = vrcp.f32 v22;
	v20 =	vnsel vm9, $0xA, v20  }
0x543: {  	v16 =	vld.idx.msk [tilespmem:v16+s20+$0x0], $0xffff;
	v10 =	vadd.f32 $1.000000000e+00, v10;
	(erf) = vrcp.f32 v4;
	vm11 =	vlt.s32 v25, $0xA  }
0x544: {  	v22 =	vld [tilespmem:s24+$0xFFFFFFD0];
	v3 =	vmul.f32 v3, v18;
	vm10 =	vlt.s32 v15, $0xA;
	(erf) = vpow2.f32 v8;
	v4 =	vpop (erf)  }
0x545: {  	v8 =	vnsel vm11, $0xA, v25;
	v5 =	vmul.f32 $1.442695020e+00, v5;
	v25 =	vld [tilespmem:s23+$0xFFFFFFF0];
	(erf) = vrcp.f32 v10;
	v29 =	vpop (erf)  }
0x546: {  	s22 =	simm.s32 $0x1C0;
	v10 =	vnsel vm10, $0xA, v15;
	v15 =	vld.idx.msk [tilespmem:v21+s20+$0x0], $0xffff;
	v3 =	vmul.f32 v3, v2;
	(erf) = vrcp.f32 v19;
	v18 =	vpop (erf)  }
0x547: {  	vm13 =	vlt.s32 v26, $0xA;
	vm12 =	vlt.s32 v13, $0xA;
	v19 =	vld [tilespmem:s22+$0xFFFFFFC0];
	(erf) = vrcp.f32 v23;
	v23 =	vpop (erf)  }
0x548: {  	v26 =	vnsel vm13, $0xA, v26;
	v20 =	vld.idx.msk [tilespmem:v20+s20+$0x0], $0xffff;
	v3 =	vmul.f32 $1.442695020e+00, v3;
	(erf) = vpow2.f32 v17;
	v30 =	vpop (erf)  }
0x549: {  	v21 =	vnsel vm12, $0xA, v13;
	v18 =	vmul.f32 v18, v1;
	(erf) = vpow2.f32 v9;
	v9 =	vld [tilespmem:s22+$0xFFFFFFE0];
	v13 =	vpop (erf)  }
0x54a: {  	v27 =	vld [tilespmem:s22+$0x0];
	vm14 =	vlt.s32 v22, $0xA;
	v16 =	vmul.f32 v16, v25;
	v13 =	vmul.f32 v13, v1  }
0x54b: {  	v22 =	vnsel vm14, $0xA, v22;
	v8 =	vld.idx.msk [tilespmem:v8+s20+$0x0], $0xffff;
	(erf) = vpow2.f32 v7;
	v30 =	vmul.f32 v30, v1  }
0x54c: {  	s19 =	simm.s32 $0x5D40;
	v17 =	vadd.f32 $1.000000000e+00, v24;
	v10 =	vld.idx.msk [tilespmem:v10+s20+$0x0], $0xffff;
	v7 =	vpop (erf);
	v15 =	vmul.f32 v15, v19;
	(erf) = vpow2.f32 v12  }
0x54d: {  	[tilespmem:s19+$0xFFFFFFC0] =	vst v11;
	v12 =	vld [tilespmem:s22+$0x10];
	v7 =	vmul.f32 v7, v1;
	v19 =	vpop (erf);
	(erf) = vpow2.f32 v5;
	v5 =	vsub.f32 v0, v18  }
0x54e: {  	v34 =	vld.idx.msk [tilespmem:v26+s20+$0x0], $0xffff;
	v32 =	vsub.f32 v0, v13;
	v33 =	vmul.f32 v19, v1;
	v24 =	vmul.f32 v20, v9;
	v13 =	vpop (erf)  }
0x54f: {  	[tilespmem:s19+$0x0] =	vst v14;
	v26 =	vld [tilespmem:s22+$0xFFFFFFD0];
	v30 =	vsub.f32 v0, v30;
	v9 =	vmul.f32 v15, v2;
	v20 =	vmul.f32 $1.442695020e+00, v6;
	v25 =	vpop (erf)  }
0x550: {  	v35 =	vsub.f32 v0, v7;
	v7 =	vld.idx.msk [tilespmem:v21+s20+$0x0], $0xffff;
	v18 =	vmul.f32 v8, v27;
	v21 =	vmul.f32 v16, v2;
	v11 =	vpop (erf)  }
0x551: {  	v19 =	vld.idx.msk [tilespmem:v22+s20+$0x0], $0xffff;
	v15 =	vadd.f32 $1.000000000e+00, v23;
	[tilespmem:s19+$0xFFFFFFD0] =	vst v5;
	v9 =	vmul.f32 $1.442695020e+00, v9;
	v14 =	vmul.f32 v11, v1;
	v11 =	vpop (erf)  }
0x552: {  	s16 =	simm.s32 $0x5DC0;
	v8 =	vld.idx.msk [tilespmem:v28+s20+$0x0], $0xffff;
	v23 =	vadd.f32 $1.000000000e+00, v29;
	[tilespmem:s19+$0x10] =	vst v30;
	v5 =	vmul.f32 v24, v2;
	v29 =	vmul.f32 v25, v1;
	v6 =	vpop (erf)  }
0x553: {  	s17 =	simm.s32 $0x5E40;
	v22 =	vld [tilespmem:s22+$0x30];
	[tilespmem:s16+$0xFFFFFFC0] =	vst v32;
	v16 =	vsub.f32 v0, v33;
	v27 =	vmul.f32 v18, v2;
	v25 =	vmul.f32 v34, v12;
	v24 =	vpop (erf)  }
0x554: {  	s18 =	simm.s32 $0x5E40;
	s24 =	simm.s32 $0x30C0;
	s23 =	simm.s32 $0x18;
	[tilespmem:s19+$0xFFFFFFE0] =	vst v35;
	v12 =	vld [tilespmem:s22+$0x20];
	v18 =	vsub.f32 v0, v29;
	v14 =	vsub.f32 v0, v14;
	v28 =	vpop (erf);
	(erf) = vpow2.f32 v31  }
.LBB2_14:
0x555: {  	v29 =	vld [tilespmem:s24+$0xFFFFFFC0];
	s23 =	sadd.s32 $0x8, s23;
	v25 =	vmul.f32 v25, v2;
	v28 =	vadd.f32 $1.000000000e+00, v28;
	s18 =	sadd.s32 $0x80, s18;
	(erf) = vrcp.f32 v17;
	[tilespmem:s19+$0x30] =	vst v16  }
0x556: {  	v13 =	vadd.f32 $1.000000000e+00, v13;
	v11 =	vmul.f32 v11, v1;
	v16 =	vld [tilespmem:s24+$0x30];
	p0 =	slt.u32 s23, $0xF0;
	v17 =	vmul.f32 $1.442695020e+00, v27;
	v27 =	vpop (erf);
	[tilespmem:s19+$0x20] =	vst v18  }
0x557: {  	v24 =	vadd.f32 $1.000000000e+00, v24;
	v18 =	vld [tilespmem:s24+$0xFFFFFFE0];
	v19 =	vmul.f32 v19, v26;
	(erf) = vpow2.f32 v20;
	[tilespmem:s19+$0xFFFFFFF0] =	vst v14;
	s19 =	smov.u32 s16;
	s16 =	smov.u32 s17;
	s17 =	smov.u32 s18  }
0x558: {  	v14 =	vld [tilespmem:s24+$0x0];
	v10 =	vmul.f32 v10, v22;
	v20 =	vpop (erf);
	v22 =	vadd.f32 $1.000000000e+00, v27;
	(erf) = vrcp.f32 v23  }
0x559: {  	v26 =	vadd.f32 $1.000000000e+00, v4;
	v23 =	vld [tilespmem:s24+$0xFFFFFFD0];
	v19 =	vmul.f32 v19, v2;
	(erf) = vrcp.f32 v28;
	v4 =	vmovc v20  }
0x55a: {  	v30 =	vmul.f32 $1.442695020e+00, v21;
	vm0 =	vlt.s32 v29, $0xA;
	v20 =	vld [tilespmem:s24+$0xFFFFFFF0];
	v10 =	vmul.f32 v10, v2  }
0x55b: {  	v27 =	vnsel vm0, $0xA, v29;
	v28 =	vld [tilespmem:s24+$0x10];
	v19 =	vmul.f32 $1.442695020e+00, v19;
	(erf) = vrcp.f32 v15  }
0x55c: {  	vm1 =	vlt.s32 v16, $0xA;
	vm0 =	vlt.s32 v18, $0xA;
	v15 =	vld [tilespmem:s24+$0x20];
	(erf) = vrcp.f32 v26  }
0x55d: {  	v18 =	vnsel vm0, $0xA, v18;
	vm0 =	vlt.s32 v14, $0xA;
	(erf) = vpow2.f32 v30;
	v21 =	vpop (erf)  }
0x55e: {  	v29 =	vmul.f32 $1.442695020e+00, v10;
	v14 =	vnsel vm0, $0xA, v14;
	v26 =	vld [tilespmem:s22+$0xFFFFFFF0];
	s22 =	sadd.s32 $0x80, s22;
	v30 =	vpop (erf);
	(erf) = vrcp.f32 v22  }
0x55f: {  	v31 =	vsub.f32 v0, v11;
	v10 =	vnsel vm1, $0xA, v16;
	vm0 =	vlt.s32 v20, $0xA;
	v22 =	vld [tilespmem:s22+$0x0]  }
0x560: {  	v8 =	vmul.f32 v8, v12;
	v16 =	vld.idx.msk [tilespmem:v27+s20+$0x0], $0xffff;
	vm1 =	vlt.s32 v28, $0xA;
	v12 =	vpop (erf);
	(erf) = vrcp.f32 v13  }
0x561: {  	v20 =	vnsel vm0, $0xA, v20;
	v13 =	vld [tilespmem:s22+$0xFFFFFFC0];
	v27 =	vnsel vm1, $0xA, v28;
	(erf) = vrcp.f32 v24;
	[tilespmem:s19+$0x0] =	vst v31;
	v11 =	vpop (erf)  }
0x562: {  	v8 =	vmul.f32 v8, v2;
	vm0 =	vlt.s32 v15, $0xA;
	v18 =	vld.idx.msk [tilespmem:v18+s20+$0x0], $0xffff;
	(erf) = vpow2.f32 v19;
	v19 =	vpop (erf)  }
0x563: {  	vm1 =	vlt.s32 v23, $0xA;
	v31 =	vmul.f32 $1.442695020e+00, v25;
	v14 =	vld.idx.msk [tilespmem:v14+s20+$0x0], $0xffff;
	(erf) = vpow2.f32 v17  }
0x564: {  	v8 =	vmul.f32 $1.442695020e+00, v8;
	v23 =	vnsel vm1, $0xA, v23;
	v17 =	vmul.f32 v19, v1;
	v24 =	vld [tilespmem:s22+$0xFFFFFFE0];
	v19 =	vpop (erf)  }
0x565: {  	v15 =	vnsel vm0, $0xA, v15;
	v10 =	vld.idx.msk [tilespmem:v10+s20+$0x0], $0xffff;
	(erf) = vpow2.f32 v9;
	v9 =	vmul.f32 v30, v1;
	v25 =	vpop (erf)  }
0x566: {  	v28 =	vmul.f32 v19, v1;
	v16 =	vmul.f32 v16, v13;
	v30 =	vld.idx.msk [tilespmem:v20+s20+$0x0], $0xffff;
	v20 =	vsub.f32 v0, v17;
	v13 =	vpop (erf)  }
0x567: {  	v7 =	vmul.f32 v7, v26;
	v17 =	vadd.f32 $1.000000000e+00, v6;
	v33 =	vmul.f32 v25, v1;
	v32 =	vld [tilespmem:s22+$0x10];
	v25 =	vpop (erf)  }
0x568: {  	v16 =	vmul.f32 v16, v2;
	v27 =	vld.idx.msk [tilespmem:v27+s20+$0x0], $0xffff;
	[tilespmem:s16+$0xFFFFFFC0] =	vst v20;
	(erf) = vpow2.f32 v3;
	v3 =	vmov v8  }
0x569: {  	v34 =	vmul.f32 v11, v1;
	v28 =	vsub.f32 v0, v28;
	v19 =	vld.idx.msk [tilespmem:v23+s20+$0x0], $0xffff;
	v18 =	vmul.f32 v18, v24;
	v23 =	vpop (erf)  }
0x56a: {  	v20 =	vmul.f32 $1.442695020e+00, v5;
	v5 =	vsub.f32 v0, v9;
	v8 =	vld.idx.msk [tilespmem:v15+s20+$0x0], $0xffff;
	(erf) = vpow2.f32 v29;
	v11 =	vpop (erf)  }
.Ltmp6:
0x56b: {  	v29 =	vmul.f32 v14, v22;
	v15 =	vadd.f32 $1.000000000e+00, v12;
	v12 =	vmul.f32 v23, v1;
	v6 =	vpop (erf);
	(pc) =	sbr.rel @p0 .LBB2_14-.Ltmp6, $4  }
0x56c: {  	v35 =	vmul.f32 v25, v1;
	v9 =	vmul.f32 $1.442695020e+00, v16;
	v23 =	vadd.f32 $1.000000000e+00, v21;
	v24 =	vpop (erf);
	[tilespmem:s19+$0xFFFFFFD0] =	vst v5  }
0x56d: {  	v34 =	vsub.f32 v0, v34;
	v21 =	vmul.f32 v7, v2;
	v5 =	vmul.f32 v18, v2;
	v26 =	vld [tilespmem:s22+$0xFFFFFFD0];
	[tilespmem:s19+$0xFFFFFFE0] =	vst v28  }
0x56e: {  	v16 =	vsub.f32 v0, v33;
	v14 =	vsub.f32 v0, v12;
	v25 =	vmul.f32 v27, v32;
	v22 =	vld [tilespmem:s22+$0x30];
	v28 =	vpop (erf)  }
0x56f: {  	s24 =	sadd.s32 $0x80, s24;
	v7 =	vmovc v30;
	v18 =	vsub.f32 v0, v35;
	v27 =	vmul.f32 v29, v2;
	v12 =	vld [tilespmem:s22+$0x20];
	(erf) = vpow2.f32 v31;
	[tilespmem:s19+$0x10] =	vst v34  }
0x570: {  	(erf) = vrcp.f32 v17;
	v17 =	vadd.f32 $1.000000000e+00, v28;
	_ =	sdelay $0x1  }
0x571: {  	(erf) = vpow2.f32 v20  }
0x572: {  	(erf) = vrcp.f32 v23  }
0x573: {  	v4 =	vadd.f32 $1.000000000e+00, v4;
	v19 =	vmul.f32 v19, v26;
	(erf) = vrcp.f32 v17;
	v17 =	vpop (erf)  }
0x574: {  	v20 =	vmul.f32 $1.442695020e+00, v21;
	(erf) = vrcp.f32 v15;
	v15 =	vadd.f32 $1.000000000e+00, v17  }
0x575: {  	(erf) = vrcp.f32 v4;
	v4 =	vadd.f32 $1.000000000e+00, v13;
	v13 =	vmul.f32 v19, v2  }
0x576: {  	v17 =	vadd.f32 $1.000000000e+00, v24;
	(erf) = vpow2.f32 v20  }
0x577: {  	v19 =	vpop (erf);
	(erf) = vrcp.f32 v15;
	v13 =	vmul.f32 $1.442695020e+00, v13  }
0x578: {  	v15 =	vpop (erf);
	(erf) = vrcp.f32 v4;
	v4 =	vmul.f32 $1.442695020e+00, v27  }
0x579: {  	v20 =	vpop (erf);
	(erf) = vrcp.f32 v17  }
0x57a: {  	v17 =	vpop (erf);
	(erf) = vpow2.f32 v13  }
0x57b: {  	v13 =	vpop (erf);
	(erf) = vpow2.f32 v4  }
0x57c: {  	v4 =	vpop (erf);
	(erf) = vpow2.f32 v9;
	v9 =	vmul.f32 v10, v22  }
0x57d: {  	v10 =	vpop (erf)  }
0x57e: {  	v21 =	vpop (erf);
	v9 =	vmul.f32 v9, v2  }
0x57f: {  	v23 =	vmul.f32 v25, v2;
	v22 =	vpop (erf)  }
0x580: {  	v25 =	vpop (erf);
	(erf) = vpow2.f32 v3;
	v3 =	vmul.f32 $1.442695020e+00, v9  }
0x581: {  	v24 =	vld [tilespmem:s22+$0xFFFFFFF0]  }
0x582: {  	v23 =	vmul.f32 $1.442695020e+00, v23;
	v9 =	vpop (erf)  }
0x583: {  	v26 =	vpop (erf)  }
0x584: {  	v6 =	vadd.f32 $1.000000000e+00, v6;
	(erf) = vpow2.f32 v3;
	v3 =	vpop (erf)  }
0x585: {  	v5 =	vmul.f32 $1.442695020e+00, v5;
	(erf) = vpow2.f32 v23;
	v27 =	vpop (erf)  }
0x586: {  	v7 =	vmul.f32 v7, v24;
	v15 =	vadd.f32 $1.000000000e+00, v15;
	(erf) = vrcp.f32 v6;
	v23 =	vpop (erf)  }
0x587: {  	(erf) = vpow2.f32 v5;
	v6 =	vadd.f32 $1.000000000e+00, v23  }
0x588: {  	v7 =	vmul.f32 v7, v2;
	v5 =	vadd.f32 $1.000000000e+00, v17;
	(erf) = vrcp.f32 v15  }
0x589: {  	v8 =	vmul.f32 v8, v12;
	(erf) = vrcp.f32 v6;
	v6 =	vadd.f32 $1.000000000e+00, v19  }
0x58a: {  	v7 =	vmul.f32 $1.442695020e+00, v7;
	(erf) = vrcp.f32 v5  }
0x58b: {  	v12 =	vpop (erf);
	(erf) = vrcp.f32 v6;
	v6 =	vmul.f32 v8, v2  }
0x58c: {  	v5 =	vadd.f32 $1.000000000e+00, v12;
	v8 =	vadd.f32 $1.000000000e+00, v22  }
0x58d: {  	(erf) = vpow2.f32 v7;
	v7 =	vadd.f32 $1.000000000e+00, v27  }
0x58e: {  	v12 =	vpop (erf);
	(erf) = vrcp.f32 v5  }
0x58f: {  	v5 =	vmul.f32 $1.442695020e+00, v6;
	v6 =	vpop (erf);
	(erf) = vrcp.f32 v8  }
0x590: {  	v8 =	vpop (erf);
	(erf) = vrcp.f32 v7  }
0x591: {  	v4 =	vmul.f32 v4, v1;
	v7 =	vpop (erf);
	(erf) = vpow2.f32 v5  }
0x592: {  	[tilespmem:s19+$0x30] =	vst v16;
	v16 =	vmul.f32 v20, v1;
	v5 =	vmul.f32 v11, v1;
	v11 =	vpop (erf)  }
0x593: {  	[tilespmem:s19+$0xFFFFFFF0] =	vst v14;
	v4 =	vsub.f32 v0, v4;
	v15 =	vpop (erf)  }
0x594: {  	[tilespmem:s19+$0x20] =	vst v18;
	v13 =	vmul.f32 v13, v1;
	v9 =	vmul.f32 v9, v1;
	v5 =	vsub.f32 v0, v5;
	v17 =	vpop (erf)  }
0x595: {  	v10 =	vmul.f32 v10, v1;
	v14 =	vmul.f32 v21, v1;
	[tilespmem:s17+$0xFFFFFFC0] =	vst v4;
	v3 =	vadd.f32 $1.000000000e+00, v3;
	v18 =	vpop (erf)  }
0x596: {  	v4 =	vmul.f32 v25, v1;
	v6 =	vadd.f32 $1.000000000e+00, v6;
	[tilespmem:s16+$0x0] =	vst v5;
	v5 =	vsub.f32 v0, v16;
	v16 =	vpop (erf)  }
0x597: {  	v10 =	vsub.f32 v0, v10;
	v7 =	vadd.f32 $1.000000000e+00, v7;
	(erf) = vrcp.f32 v3;
	v19 =	vpop (erf)  }
0x598: {  	v4 =	vsub.f32 v0, v4;
	(erf) = vrcp.f32 v6;
	[tilespmem:s16+$0xFFFFFFD0] =	vst v5;
	v5 =	vsub.f32 v0, v9;
	v9 =	vpop (erf)  }
0x599: {  	[tilespmem:s16+$0xFFFFFFE0] =	vst v10;
	v3 =	vsub.f32 v0, v14;
	(erf) = vrcp.f32 v7;
	v7 =	vmul.f32 v15, v1;
	v14 =	vpop (erf)  }
0x59a: {  	v10 =	vmul.f32 v26, v1;
	[tilespmem:s16+$0x20] =	vst v4;
	v12 =	vadd.f32 $1.000000000e+00, v12;
	v4 =	vmul.f32 v8, v1;
	v6 =	vpop (erf)  }
0x59b: {  	[tilespmem:s16+$0xFFFFFFF0] =	vst v5;
	v5 =	vsub.f32 v0, v7;
	v7 =	vmul.f32 v17, v1;
	v6 =	vadd.f32 $1.000000000e+00, v6  }
0x59c: {  	s22 =	sadd.s32 $0x80, s18;
	[tilespmem:s16+$0x30] =	vst v3;
	v3 =	vsub.f32 v0, v10;
	v8 =	vadd.f32 $1.000000000e+00, v16;
	(erf) = vrcp.f32 v12  }
0x59d: {  	[tilespmem:s22+$0xFFFFFFC0] =	vst v5;
	v5 =	vsub.f32 v0, v7;
	(erf) = vrcp.f32 v6;
	v6 =	vmul.f32 v18, v1  }
0x59e: {  	v4 =	vsub.f32 v0, v4;
	[tilespmem:s17+$0x0] =	vst v3;
	v3 =	vmul.f32 v11, v1;
	(erf) = vrcp.f32 v8  }
0x59f: {  	v13 =	vsub.f32 v0, v13;
	[tilespmem:s17+$0xFFFFFFE0] =	vst v5;
	v5 =	vsub.f32 v0, v6  }
0x5a0: {  	[tilespmem:s17+$0xFFFFFFD0] =	vst v4;
	v4 =	vmul.f32 v19, v1;
	v3 =	vsub.f32 v0, v3  }
0x5a1: {  	[tilespmem:s16+$0x10] =	vst v13;
	v7 =	vmul.f32 v9, v1;
	v6 =	vpop (erf)  }
0x5a2: {  	[tilespmem:s17+$0x10] =	vst v3;
	v3 =	vsub.f32 v0, v4;
	v4 =	vmul.f32 v14, v1;
	v8 =	vpop (erf)  }
0x5a3: {  	v7 =	vsub.f32 v0, v7;
	[tilespmem:s17+$0x30] =	vst v5;
	v6 =	vmul.f32 v6, v1;
	v5 =	vpop (erf)  }
0x5a4: {  	[tilespmem:s17+$0x20] =	vst v3;
	v3 =	vsub.f32 v0, v4;
	v4 =	vmul.f32 v5, v1  }
0x5a5: {  	[tilespmem:s17+$0xFFFFFFF0] =	vst v7;
	v7 =	vmul.f32 v8, v1;
	v5 =	vpop (erf);
	v6 =	vsub.f32 v0, v6  }
0x5a6: {  	[tilespmem:s22+$0x0] =	vst v3;
	v3 =	vmul.f32 v5, v1;
	v5 =	vpop (erf);
	v4 =	vsub.f32 v0, v4  }
0x5a7: {  	[tilespmem:s22+$0xFFFFFFD0] =	vst v6;
	v6 =	vsub.f32 v0, v7;
	v8 =	vpop (erf);
	v5 =	vmul.f32 v5, v1  }
0x5a8: {  	v3 =	vsub.f32 v0, v3;
	v7 =	vmul.f32 v8, v1;
	[tilespmem:s22+$0xFFFFFFE0] =	vst v4  }
0x5a9: {  	[tilespmem:s22+$0x10] =	vst v6;
	v4 =	vsub.f32 v0, v5  }
0x5aa: {  	[tilespmem:s22+$0x30] =	vst v3;
	v5 =	vsub.f32 v0, v7  }
0x5ab: {  	[tilespmem:s22+$0x20] =	vst v4  }
0x5ac: {  	[tilespmem:s22+$0xFFFFFFF0] =	vst v5  }
0x5ad: {  	[hbm4b:s26+s1] =	stream.linear.scatter [tilespmem:s6], [sflag:$0x7], $0xF80, $0x38;
	[tilespmem:$0x8C80] =	vst v63  }
0x5ae: {  	_ =	swait.ge [sflag:s7], $0xF80  }
0x5af: {  	[sflag:s7] =	ssyncset.done $0x0  }
0x5b0: {  	[sflag:s7] =	ssyncadd.s32 $0xFFFFF080  }
0x5b1: {  	_ =	swait.ge [sflag:s8], $0xF80  }
0x5b2: {  	[sflag:s8] =	ssyncset.done $0x0  }
0x5b3: {  	[sflag:s8] =	ssyncadd.s32 $0xFFFFF080  }
0x5b4: {  	_ =	swait.ge [sflag:s13], $0xF80  }
0x5b5: {  	[sflag:s13] =	ssyncset.done $0x0  }
0x5b6: {  	s23 =	simm.s32 $0x3E40;
	[sflag:s13] =	ssyncadd.s32 $0xFFFFF080  }
0x5b7: {  	v3 =	vld [tilespmem:s23+$0xFFFFFFC0]  }
0x5b8: {  	v4 =	vld [tilespmem:s23+$0xFFFFFFE0]  }
0x5b9: {  	v5 =	vld [tilespmem:s23+$0x0]  }
0x5ba: {  	v6 =	vld [tilespmem:s23+$0x30]  }
0x5bb: {  	v7 =	vld [tilespmem:s23+$0xFFFFFFF0]  }
0x5bc: {  	v8 =	vld [tilespmem:s23+$0xFFFFFFD0]  }
0x5bd: {  	v9 =	vld [tilespmem:s23+$0x10]  }
0x5be: {  	s24 =	simm.s32 $0xFC0;
	v10 =	vld [tilespmem:s23+$0x20]  }
0x5bf: {  	v11 =	vld [tilespmem:s24+$0x0]  }
0x5c0: {  	v12 =	vld [tilespmem:s24+$0xFFFFFFC0]  }
0x5c1: {  	v13 =	vld [tilespmem:s24+$0xFFFFFFE0]  }
0x5c2: {  	v14 =	vld [tilespmem:s24+$0x10]  }
0x5c3: {  	v15 =	vld [tilespmem:s24+$0xFFFFFFD0]  }
0x5c4: {  	s18 =	simm.s32 $0x3EC0;
	v16 =	vld [tilespmem:s24+$0x30]  }
0x5c5: {  	v17 =	vld [tilespmem:s18+$0xFFFFFFC0]  }
0x5c6: {  	v18 =	vld [tilespmem:s24+$0x20]  }
0x5c7: {  	v19 =	vld [tilespmem:s18+$0xFFFFFFE0]  }
0x5c8: {  	v20 =	vld [tilespmem:s18+$0x0]  }
0x5c9: {  	v21 =	vld [tilespmem:s18+$0x30];
	vm0 =	vlt.s32 v3, $0xA  }
0x5ca: {  	v22 =	vld [tilespmem:s18+$0xFFFFFFD0];
	vm10 =	vlt.s32 v4, $0xA;
	v3 =	vnsel vm0, $0xA, v3  }
0x5cb: {  	v23 =	vld [tilespmem:s18+$0xFFFFFFF0];
	vm11 =	vlt.s32 v5, $0xA;
	v4 =	vnsel vm10, $0xA, v4  }
0x5cc: {  	v24 =	vld [tilespmem:s18+$0x10];
	vm12 =	vlt.s32 v6, $0xA;
	v5 =	vnsel vm11, $0xA, v5  }
0x5cd: {  	v25 =	vld [tilespmem:s24+$0xFFFFFFF0];
	s24 =	simm.s32 $0x3FC0;
	vm1 =	vlt.s32 v7, $0xA;
	v6 =	vnsel vm12, $0xA, v6  }
0x5ce: {  	v26 =	vld [tilespmem:s24+$0xFFFFFFC0];
	vm13 =	vlt.s32 v9, $0xA;
	v7 =	vnsel vm1, $0xA, v7  }
0x5cf: {  	vm14 =	vlt.s32 v8, $0xA;
	v9 =	vnsel vm13, $0xA, v9;
	v3 =	vld.idx.msk [tilespmem:v3+s20+$0x0], $0xffff  }
0x5d0: {  	vm15 =	vlt.s32 v10, $0xA;
	v8 =	vnsel vm14, $0xA, v8;
	v4 =	vld.idx.msk [tilespmem:v4+s20+$0x0], $0xffff  }
0x5d1: {  	vm4 =	vlt.s32 v17, $0xA;
	v10 =	vnsel vm15, $0xA, v10;
	v5 =	vld.idx.msk [tilespmem:v5+s20+$0x0], $0xffff  }
0x5d2: {  	vm5 =	vlt.s32 v19, $0xA;
	v17 =	vnsel vm4, $0xA, v17;
	v6 =	vld.idx.msk [tilespmem:v6+s20+$0x0], $0xffff  }
0x5d3: {  	vm6 =	vlt.s32 v20, $0xA;
	v19 =	vnsel vm5, $0xA, v19;
	v7 =	vld.idx.msk [tilespmem:v7+s20+$0x0], $0xffff  }
0x5d4: {  	v20 =	vnsel vm6, $0xA, v20;
	v9 =	vld.idx.msk [tilespmem:v9+s20+$0x0], $0xffff  }
0x5d5: {  	v8 =	vld.idx.msk [tilespmem:v8+s20+$0x0], $0xffff  }
0x5d6: {  	v10 =	vld.idx.msk [tilespmem:v10+s20+$0x0], $0xffff  }
0x5d7: {  	v17 =	vld.idx.msk [tilespmem:v17+s20+$0x0], $0xffff  }
0x5d8: {  	v19 =	vld.idx.msk [tilespmem:v19+s20+$0x0], $0xffff  }
0x5d9: {  	vm7 =	vlt.s32 v21, $0xA;
	vm8 =	vlt.s32 v23, $0xA;
	v20 =	vld.idx.msk [tilespmem:v20+s20+$0x0], $0xffff  }
0x5da: {  	s19 =	simm.s32 $0x1040;
	vm9 =	vlt.s32 v24, $0xA;
	vm10 =	vlt.s32 v22, $0xA;
	v3 =	vmul.f32 v3, v12;
	v12 =	vld [tilespmem:s18+$0x20]  }
0x5db: {  	v4 =	vmul.f32 v4, v13;
	v13 =	vld [tilespmem:s19+$0x0];
	v8 =	vmul.f32 v8, v15;
	v15 =	vnsel vm7, $0xA, v21  }
0x5dc: {  	v22 =	vnsel vm10, $0xA, v22;
	v5 =	vmul.f32 v5, v11;
	v11 =	vld [tilespmem:s19+$0xFFFFFFC0];
	v21 =	vnsel vm8, $0xA, v23  }
0x5dd: {  	v23 =	vnsel vm9, $0xA, v24;
	v24 =	vld [tilespmem:s19+$0xFFFFFFE0];
	v9 =	vmul.f32 v9, v14;
	v6 =	vmul.f32 v6, v16  }
0x5de: {  	s23 =	simm.s32 $0x10C0;
	v10 =	vmul.f32 v10, v18;
	v16 =	vld [tilespmem:s19+$0xFFFFFFD0];
	v7 =	vmul.f32 v7, v25  }
0x5df: {  	v25 =	vld [tilespmem:s23+$0x0];
	v3 =	vmul.f32 v3, v2;
	v8 =	vmul.f32 v8, v2  }
0x5e0: {  	v5 =	vmul.f32 v5, v2;
	v6 =	vmul.f32 v6, v2;
	v14 =	vld.idx.msk [tilespmem:v15+s20+$0x0], $0xffff  }
0x5e1: {  	s22 =	simm.s32 $0x3F40;
	v3 =	vmul.f32 $1.442695020e+00, v3;
	v8 =	vmul.f32 $1.442695020e+00, v8;
	v15 =	vld.idx.msk [tilespmem:v22+s20+$0x0], $0xffff  }
0x5e2: {  	v5 =	vmul.f32 $1.442695020e+00, v5;
	v11 =	vmul.f32 v17, v11;
	v17 =	vld [tilespmem:s22+$0xFFFFFFC0]  }
0x5e3: {  	v18 =	vmul.f32 v19, v24;
	v19 =	vld [tilespmem:s19+$0x30];
	(erf) = vpow2.f32 v8  }
0x5e4: {  	v9 =	vmul.f32 v9, v2;
	v24 =	vld [tilespmem:s22+$0xFFFFFFD0];
	(erf) = vpow2.f32 v5  }
0x5e5: {  	v6 =	vmul.f32 $1.442695020e+00, v6;
	v8 =	vld.idx.msk [tilespmem:v21+s20+$0x0], $0xffff;
	(erf) = vpow2.f32 v3  }
0x5e6: {  	v9 =	vmul.f32 $1.442695020e+00, v9;
	v21 =	vld [tilespmem:s22+$0xFFFFFFE0]  }
0x5e7: {  	v10 =	vmul.f32 v10, v2;
	vm11 =	vlt.s32 v12, $0xA;
	v5 =	vld [tilespmem:s19+$0x10];
	(erf) = vpow2.f32 v6  }
0x5e8: {  	v4 =	vmul.f32 v4, v2;
	v12 =	vnsel vm11, $0xA, v12;
	(erf) = vpow2.f32 v9;
	v9 =	vld [tilespmem:s22+$0x0]  }
0x5e9: {  	v7 =	vmul.f32 v7, v2;
	v10 =	vmul.f32 $1.442695020e+00, v10;
	v3 =	vld.idx.msk [tilespmem:v23+s20+$0x0], $0xffff  }
0x5ea: {  	v4 =	vmul.f32 $1.442695020e+00, v4;
	v6 =	vmul.f32 v20, v13;
	v13 =	vld [tilespmem:s19+$0x20];
	vm12 =	vlt.s32 v17, $0xA  }
0x5eb: {  	v11 =	vmul.f32 v11, v2;
	v15 =	vmul.f32 v15, v16;
	v16 =	vld [tilespmem:s22+$0xFFFFFFF0];
	v17 =	vnsel vm12, $0xA, v17  }
0x5ec: {  	vm8 =	vlt.s32 v26, $0xA;
	v7 =	vmul.f32 $1.442695020e+00, v7;
	v14 =	vmul.f32 v14, v19;
	v19 =	vld [tilespmem:s22+$0x20];
	v20 =	vpop (erf)  }
0x5ed: {  	v18 =	vmul.f32 v18, v2;
	v11 =	vmul.f32 $1.442695020e+00, v11;
	v12 =	vld.idx.msk [tilespmem:v12+s20+$0x0], $0xffff;
	vm14 =	vlt.s32 v9, $0xA;
	v22 =	vpop (erf)  }
0x5ee: {  	v6 =	vmul.f32 v6, v2;
	(erf) = vpow2.f32 v4;
	v4 =	vld [tilespmem:s22+$0x10];
	v9 =	vnsel vm14, $0xA, v9;
	v23 =	vpop (erf)  }
0x5ef: {  	vm13 =	vlt.s32 v21, $0xA;
	v3 =	vmul.f32 v3, v5;
	v5 =	vld [tilespmem:s22+$0x30];
	v23 =	vadd.f32 $1.000000000e+00, v23  }
0x5f0: {  	v15 =	vmul.f32 v15, v2;
	v21 =	vnsel vm13, $0xA, v21;
	v14 =	vmul.f32 v14, v2;
	v17 =	vld.idx.msk [tilespmem:v17+s20+$0x0], $0xffff  }
0x5f1: {  	vm5 =	vlt.s32 v24, $0xA;
	v6 =	vmul.f32 $1.442695020e+00, v6;
	(erf) = vrcp.f32 v23;
	v23 =	vld [tilespmem:s19+$0xFFFFFFF0]  }
0x5f2: {  	v15 =	vmul.f32 $1.442695020e+00, v15;
	v22 =	vadd.f32 $1.000000000e+00, v22;
	(erf) = vpow2.f32 v7;
	v7 =	vld [tilespmem:s23+$0xFFFFFFC0]  }
0x5f3: {  	v14 =	vmul.f32 $1.442695020e+00, v14;
	vm4 =	vlt.s32 v4, $0xA;
	v12 =	vmul.f32 v12, v13;
	v9 =	vld.idx.msk [tilespmem:v9+s20+$0x0], $0xffff  }
0x5f4: {  	v3 =	vmul.f32 v3, v2;
	v4 =	vnsel vm4, $0xA, v4;
	(erf) = vrcp.f32 v22  }
0x5f5: {  	v24 =	vnsel vm5, $0xA, v24;
	v21 =	vld.idx.msk [tilespmem:v21+s20+$0x0], $0xffff;
	v13 =	vpop (erf);
	v12 =	vmul.f32 v12, v2;
	(erf) = vpow2.f32 v15  }
0x5f6: {  	vm6 =	vlt.s32 v16, $0xA;
	v3 =	vmul.f32 $1.442695020e+00, v3;
	v15 =	vpop (erf);
	(erf) = vpow2.f32 v6;
	v6 =	vld [tilespmem:s23+$0xFFFFFFE0]  }
0x5f7: {  	v28 =	vld [tilespmem:s24+$0x20];
	vm7 =	vlt.s32 v19, $0xA;
	v12 =	vmul.f32 $1.442695020e+00, v12;
	v8 =	vmul.f32 v8, v23  }
0x5f8: {  	vm15 =	vlt.s32 v5, $0xA;
	v7 =	vmul.f32 v17, v7;
	v9 =	vmul.f32 v9, v25  }
0x5f9: {  	v5 =	vnsel vm15, $0xA, v5;
	v4 =	vld.idx.msk [tilespmem:v4+s20+$0x0], $0xffff;
	v22 =	vpop (erf);
	(erf) = vpow2.f32 v11;
	v8 =	vmul.f32 v8, v2  }
0x5fa: {  	v16 =	vnsel vm6, $0xA, v16;
	v17 =	vld [tilespmem:s23+$0x10];
	v7 =	vmul.f32 v7, v2;
	v9 =	vmul.f32 v9, v2  }
0x5fb: {  	v20 =	vadd.f32 $1.000000000e+00, v20;
	v23 =	vld [tilespmem:s23+$0xFFFFFFD0];
	v11 =	vpop (erf);
	(erf) = vpow2.f32 v10;
	v6 =	vmul.f32 v21, v6  }
0x5fc: {  	vm15 =	vlt.s32 v28, $0xA;
	v10 =	vmul.f32 $1.442695020e+00, v18;
	v21 =	vld.idx.msk [tilespmem:v24+s20+$0x0], $0xffff;
	v8 =	vmul.f32 $1.442695020e+00, v8  }
0x5fd: {  	v18 =	vnsel vm7, $0xA, v19;
	v11 =	vmul.f32 v11, v1;
	v19 =	vpop (erf);
	(erf) = vpow2.f32 v14  }
0x5fe: {  	v28 =	vnsel vm15, $0xA, v28;
	v5 =	vld.idx.msk [tilespmem:v5+s20+$0x0], $0xffff;
	v7 =	vmul.f32 $1.442695020e+00, v7;
	v9 =	vmul.f32 $1.442695020e+00, v9;
	v14 =	vpop (erf)  }
0x5ff: {  	v22 =	vadd.f32 $1.000000000e+00, v22;
	v4 =	vmul.f32 v4, v17;
	v17 =	vld [tilespmem:s23+$0x30];
	(erf) = vpow2.f32 v3;
	v24 =	vpop (erf)  }
0x600: {  	v3 =	vadd.f32 $1.000000000e+00, v15;
	(erf) = vrcp.f32 v20;
	v14 =	vmul.f32 v14, v1;
	v20 =	vld [tilespmem:s24+$0xFFFFFFE0];
	v25 =	vpop (erf)  }
0x601: {  	(erf) = vpow2.f32 v10;
	v21 =	vmul.f32 v21, v23;
	v23 =	vadd.f32 $1.000000000e+00, v25;
	v25 =	vld [tilespmem:s24+$0x0]  }
0x602: {  	v19 =	vadd.f32 $1.000000000e+00, v19;
	v27 =	vmul.f32 v4, v2;
	v15 =	vpop (erf);
	(erf) = vrcp.f32 v3;
	v3 =	vld.idx.msk [tilespmem:v18+s20+$0x0], $0xffff  }
0x603: {  	v6 =	vmul.f32 v6, v2;
	v11 =	vsub.f32 v0, v11;
	v18 =	vld [tilespmem:s23+$0x20];
	v4 =	vadd.f32 $1.000000000e+00, v15  }
0x604: {  	v14 =	vsub.f32 v0, v14;
	v15 =	vld [tilespmem:s24+$0x30];
	v31 =	vmul.f32 $1.442695020e+00, v27;
	v5 =	vmul.f32 v5, v17  }
0x605: {  	v17 =	vmul.f32 v21, v2;
	(erf) = vrcp.f32 v4;
	v4 =	vadd.f32 $1.000000000e+00, v13  }
0x606: {  	v21 =	vnsel vm8, $0xA, v26;
	v26 =	vld [tilespmem:s24+$0x10];
	vm9 =	vlt.s32 v20, $0xA;
	v5 =	vmul.f32 v5, v2  }
0x607: {  	v13 =	vld [tilespmem:s24+$0xFFFFFFF0];
	v10 =	vpop (erf);
	v17 =	vmul.f32 $1.442695020e+00, v17;
	(erf) = vrcp.f32 v22;
	v20 =	vnsel vm9, $0xA, v20  }
0x608: {  	v16 =	vld.idx.msk [tilespmem:v16+s20+$0x0], $0xffff;
	v10 =	vadd.f32 $1.000000000e+00, v10;
	(erf) = vrcp.f32 v4;
	vm11 =	vlt.s32 v25, $0xA  }
0x609: {  	v22 =	vld [tilespmem:s24+$0xFFFFFFD0];
	v3 =	vmul.f32 v3, v18;
	vm10 =	vlt.s32 v15, $0xA;
	(erf) = vpow2.f32 v8;
	v4 =	vpop (erf)  }
0x60a: {  	v8 =	vnsel vm11, $0xA, v25;
	v5 =	vmul.f32 $1.442695020e+00, v5;
	v25 =	vld [tilespmem:s23+$0xFFFFFFF0];
	(erf) = vrcp.f32 v10;
	v29 =	vpop (erf)  }
0x60b: {  	s22 =	simm.s32 $0x1140;
	v10 =	vnsel vm10, $0xA, v15;
	v15 =	vld.idx.msk [tilespmem:v21+s20+$0x0], $0xffff;
	v3 =	vmul.f32 v3, v2;
	(erf) = vrcp.f32 v19;
	v18 =	vpop (erf)  }
0x60c: {  	vm13 =	vlt.s32 v26, $0xA;
	vm12 =	vlt.s32 v13, $0xA;
	v19 =	vld [tilespmem:s22+$0xFFFFFFC0];
	(erf) = vrcp.f32 v23;
	v23 =	vpop (erf)  }
0x60d: {  	v26 =	vnsel vm13, $0xA, v26;
	v20 =	vld.idx.msk [tilespmem:v20+s20+$0x0], $0xffff;
	v3 =	vmul.f32 $1.442695020e+00, v3;
	(erf) = vpow2.f32 v17;
	v30 =	vpop (erf)  }
0x60e: {  	v21 =	vnsel vm12, $0xA, v13;
	v18 =	vmul.f32 v18, v1;
	(erf) = vpow2.f32 v9;
	v9 =	vld [tilespmem:s22+$0xFFFFFFE0];
	v13 =	vpop (erf)  }
0x60f: {  	v27 =	vld [tilespmem:s22+$0x0];
	vm14 =	vlt.s32 v22, $0xA;
	v16 =	vmul.f32 v16, v25;
	v13 =	vmul.f32 v13, v1  }
0x610: {  	v22 =	vnsel vm14, $0xA, v22;
	v8 =	vld.idx.msk [tilespmem:v8+s20+$0x0], $0xffff;
	(erf) = vpow2.f32 v7;
	v30 =	vmul.f32 v30, v1  }
0x611: {  	s19 =	simm.s32 $0x6CC0;
	v17 =	vadd.f32 $1.000000000e+00, v24;
	v10 =	vld.idx.msk [tilespmem:v10+s20+$0x0], $0xffff;
	v7 =	vpop (erf);
	v15 =	vmul.f32 v15, v19;
	(erf) = vpow2.f32 v12  }
0x612: {  	[tilespmem:s19+$0xFFFFFFC0] =	vst v11;
	v12 =	vld [tilespmem:s22+$0x10];
	v7 =	vmul.f32 v7, v1;
	v19 =	vpop (erf);
	(erf) = vpow2.f32 v5;
	v5 =	vsub.f32 v0, v18  }
0x613: {  	v34 =	vld.idx.msk [tilespmem:v26+s20+$0x0], $0xffff;
	v32 =	vsub.f32 v0, v13;
	v33 =	vmul.f32 v19, v1;
	v24 =	vmul.f32 v20, v9;
	v13 =	vpop (erf)  }
0x614: {  	[tilespmem:s19+$0x0] =	vst v14;
	v26 =	vld [tilespmem:s22+$0xFFFFFFD0];
	v30 =	vsub.f32 v0, v30;
	v9 =	vmul.f32 v15, v2;
	v20 =	vmul.f32 $1.442695020e+00, v6;
	v25 =	vpop (erf)  }
0x615: {  	v35 =	vsub.f32 v0, v7;
	v7 =	vld.idx.msk [tilespmem:v21+s20+$0x0], $0xffff;
	v18 =	vmul.f32 v8, v27;
	v21 =	vmul.f32 v16, v2;
	v11 =	vpop (erf)  }
0x616: {  	v19 =	vld.idx.msk [tilespmem:v22+s20+$0x0], $0xffff;
	v15 =	vadd.f32 $1.000000000e+00, v23;
	[tilespmem:s19+$0xFFFFFFD0] =	vst v5;
	v9 =	vmul.f32 $1.442695020e+00, v9;
	v14 =	vmul.f32 v11, v1;
	v11 =	vpop (erf)  }
0x617: {  	s16 =	simm.s32 $0x6D40;
	v8 =	vld.idx.msk [tilespmem:v28+s20+$0x0], $0xffff;
	v23 =	vadd.f32 $1.000000000e+00, v29;
	[tilespmem:s19+$0x10] =	vst v30;
	v5 =	vmul.f32 v24, v2;
	v29 =	vmul.f32 v25, v1;
	v6 =	vpop (erf)  }
0x618: {  	s17 =	simm.s32 $0x6DC0;
	v22 =	vld [tilespmem:s22+$0x30];
	[tilespmem:s16+$0xFFFFFFC0] =	vst v32;
	v16 =	vsub.f32 v0, v33;
	v27 =	vmul.f32 v18, v2;
	v25 =	vmul.f32 v34, v12;
	v24 =	vpop (erf)  }
0x619: {  	s18 =	simm.s32 $0x6DC0;
	s24 =	simm.s32 $0x4040;
	s23 =	simm.s32 $0x18;
	[tilespmem:s19+$0xFFFFFFE0] =	vst v35;
	v12 =	vld [tilespmem:s22+$0x20];
	v18 =	vsub.f32 v0, v29;
	v14 =	vsub.f32 v0, v14;
	v28 =	vpop (erf);
	(erf) = vpow2.f32 v31  }
.LBB2_16:
0x61a: {  	v29 =	vld [tilespmem:s24+$0xFFFFFFC0];
	s23 =	sadd.s32 $0x8, s23;
	v25 =	vmul.f32 v25, v2;
	v28 =	vadd.f32 $1.000000000e+00, v28;
	s18 =	sadd.s32 $0x80, s18;
	(erf) = vrcp.f32 v17;
	[tilespmem:s19+$0x30] =	vst v16  }
0x61b: {  	v13 =	vadd.f32 $1.000000000e+00, v13;
	v11 =	vmul.f32 v11, v1;
	v16 =	vld [tilespmem:s24+$0x30];
	p0 =	slt.u32 s23, $0xF0;
	v17 =	vmul.f32 $1.442695020e+00, v27;
	v27 =	vpop (erf);
	[tilespmem:s19+$0x20] =	vst v18  }
0x61c: {  	v24 =	vadd.f32 $1.000000000e+00, v24;
	v18 =	vld [tilespmem:s24+$0xFFFFFFE0];
	v19 =	vmul.f32 v19, v26;
	(erf) = vpow2.f32 v20;
	[tilespmem:s19+$0xFFFFFFF0] =	vst v14;
	s19 =	smov.u32 s16;
	s16 =	smov.u32 s17;
	s17 =	smov.u32 s18  }
0x61d: {  	v14 =	vld [tilespmem:s24+$0x0];
	v10 =	vmul.f32 v10, v22;
	v20 =	vpop (erf);
	v22 =	vadd.f32 $1.000000000e+00, v27;
	(erf) = vrcp.f32 v23  }
0x61e: {  	v26 =	vadd.f32 $1.000000000e+00, v4;
	v23 =	vld [tilespmem:s24+$0xFFFFFFD0];
	v19 =	vmul.f32 v19, v2;
	(erf) = vrcp.f32 v28;
	v4 =	vmovc v20  }
0x61f: {  	v30 =	vmul.f32 $1.442695020e+00, v21;
	vm0 =	vlt.s32 v29, $0xA;
	v20 =	vld [tilespmem:s24+$0xFFFFFFF0];
	v10 =	vmul.f32 v10, v2  }
0x620: {  	v27 =	vnsel vm0, $0xA, v29;
	v28 =	vld [tilespmem:s24+$0x10];
	v19 =	vmul.f32 $1.442695020e+00, v19;
	(erf) = vrcp.f32 v15  }
0x621: {  	vm1 =	vlt.s32 v16, $0xA;
	vm0 =	vlt.s32 v18, $0xA;
	v15 =	vld [tilespmem:s24+$0x20];
	(erf) = vrcp.f32 v26  }
0x622: {  	v18 =	vnsel vm0, $0xA, v18;
	vm0 =	vlt.s32 v14, $0xA;
	(erf) = vpow2.f32 v30;
	v21 =	vpop (erf)  }
0x623: {  	v29 =	vmul.f32 $1.442695020e+00, v10;
	v14 =	vnsel vm0, $0xA, v14;
	v26 =	vld [tilespmem:s22+$0xFFFFFFF0];
	s22 =	sadd.s32 $0x80, s22;
	v30 =	vpop (erf);
	(erf) = vrcp.f32 v22  }
0x624: {  	v31 =	vsub.f32 v0, v11;
	v10 =	vnsel vm1, $0xA, v16;
	vm0 =	vlt.s32 v20, $0xA;
	v22 =	vld [tilespmem:s22+$0x0]  }
0x625: {  	v8 =	vmul.f32 v8, v12;
	v16 =	vld.idx.msk [tilespmem:v27+s20+$0x0], $0xffff;
	vm1 =	vlt.s32 v28, $0xA;
	v12 =	vpop (erf);
	(erf) = vrcp.f32 v13  }
0x626: {  	v20 =	vnsel vm0, $0xA, v20;
	v13 =	vld [tilespmem:s22+$0xFFFFFFC0];
	v27 =	vnsel vm1, $0xA, v28;
	(erf) = vrcp.f32 v24;
	[tilespmem:s19+$0x0] =	vst v31;
	v11 =	vpop (erf)  }
0x627: {  	v8 =	vmul.f32 v8, v2;
	vm0 =	vlt.s32 v15, $0xA;
	v18 =	vld.idx.msk [tilespmem:v18+s20+$0x0], $0xffff;
	(erf) = vpow2.f32 v19;
	v19 =	vpop (erf)  }
0x628: {  	vm1 =	vlt.s32 v23, $0xA;
	v31 =	vmul.f32 $1.442695020e+00, v25;
	v14 =	vld.idx.msk [tilespmem:v14+s20+$0x0], $0xffff;
	(erf) = vpow2.f32 v17  }
0x629: {  	v8 =	vmul.f32 $1.442695020e+00, v8;
	v23 =	vnsel vm1, $0xA, v23;
	v17 =	vmul.f32 v19, v1;
	v24 =	vld [tilespmem:s22+$0xFFFFFFE0];
	v19 =	vpop (erf)  }
0x62a: {  	v15 =	vnsel vm0, $0xA, v15;
	v10 =	vld.idx.msk [tilespmem:v10+s20+$0x0], $0xffff;
	(erf) = vpow2.f32 v9;
	v9 =	vmul.f32 v30, v1;
	v25 =	vpop (erf)  }
0x62b: {  	v28 =	vmul.f32 v19, v1;
	v16 =	vmul.f32 v16, v13;
	v30 =	vld.idx.msk [tilespmem:v20+s20+$0x0], $0xffff;
	v20 =	vsub.f32 v0, v17;
	v13 =	vpop (erf)  }
0x62c: {  	v7 =	vmul.f32 v7, v26;
	v17 =	vadd.f32 $1.000000000e+00, v6;
	v33 =	vmul.f32 v25, v1;
	v32 =	vld [tilespmem:s22+$0x10];
	v25 =	vpop (erf)  }
0x62d: {  	v16 =	vmul.f32 v16, v2;
	v27 =	vld.idx.msk [tilespmem:v27+s20+$0x0], $0xffff;
	[tilespmem:s16+$0xFFFFFFC0] =	vst v20;
	(erf) = vpow2.f32 v3;
	v3 =	vmov v8  }
0x62e: {  	v34 =	vmul.f32 v11, v1;
	v28 =	vsub.f32 v0, v28;
	v19 =	vld.idx.msk [tilespmem:v23+s20+$0x0], $0xffff;
	v18 =	vmul.f32 v18, v24;
	v23 =	vpop (erf)  }
0x62f: {  	v20 =	vmul.f32 $1.442695020e+00, v5;
	v5 =	vsub.f32 v0, v9;
	v8 =	vld.idx.msk [tilespmem:v15+s20+$0x0], $0xffff;
	(erf) = vpow2.f32 v29;
	v11 =	vpop (erf)  }
.Ltmp7:
0x630: {  	v29 =	vmul.f32 v14, v22;
	v15 =	vadd.f32 $1.000000000e+00, v12;
	v12 =	vmul.f32 v23, v1;
	v6 =	vpop (erf);
	(pc) =	sbr.rel @p0 .LBB2_16-.Ltmp7, $4  }
0x631: {  	v35 =	vmul.f32 v25, v1;
	v9 =	vmul.f32 $1.442695020e+00, v16;
	v23 =	vadd.f32 $1.000000000e+00, v21;
	v24 =	vpop (erf);
	[tilespmem:s19+$0xFFFFFFD0] =	vst v5  }
0x632: {  	v34 =	vsub.f32 v0, v34;
	v21 =	vmul.f32 v7, v2;
	v5 =	vmul.f32 v18, v2;
	v26 =	vld [tilespmem:s22+$0xFFFFFFD0];
	[tilespmem:s19+$0xFFFFFFE0] =	vst v28  }
0x633: {  	v16 =	vsub.f32 v0, v33;
	v14 =	vsub.f32 v0, v12;
	v25 =	vmul.f32 v27, v32;
	v22 =	vld [tilespmem:s22+$0x30];
	v28 =	vpop (erf)  }
0x634: {  	s24 =	sadd.s32 $0x80, s24;
	v7 =	vmovc v30;
	v18 =	vsub.f32 v0, v35;
	v27 =	vmul.f32 v29, v2;
	v12 =	vld [tilespmem:s22+$0x20];
	(erf) = vpow2.f32 v31;
	[tilespmem:s19+$0x10] =	vst v34  }
0x635: {  	(erf) = vrcp.f32 v17  }
0x636: {  	v61 =	vadd.f32 $1.000000000e+00, v28;
	(erf) = vpow2.f32 v20  }
0x637: {  	(erf) = vrcp.f32 v23  }
0x638: {  	v4 =	vadd.f32 $1.000000000e+00, v4;
	v63 =	vmul.f32 $1.442695020e+00, v21;
	(erf) = vrcp.f32 v61  }
0x639: {  	v62 =	vpop (erf);
	v19 =	vmul.f32 v19, v26;
	(erf) = vrcp.f32 v15  }
0x63a: {  	v26 =	vadd.f32 $1.000000000e+00, v62;
	(erf) = vrcp.f32 v4  }
0x63b: {  	v28 =	vadd.f32 $1.000000000e+00, v13;
	v29 =	vmul.f32 v19, v2;
	(erf) = vpow2.f32 v63  }
0x63c: {  	v30 =	vadd.f32 $1.000000000e+00, v24;
	v31 =	vpop (erf);
	(erf) = vrcp.f32 v26  }
0x63d: {  	v13 =	vmul.f32 $1.442695020e+00, v29;
	v32 =	vpop (erf);
	(erf) = vrcp.f32 v28  }
0x63e: {  	v33 =	vmul.f32 $1.442695020e+00, v27;
	v34 =	vpop (erf);
	(erf) = vrcp.f32 v30  }
0x63f: {  	v35 =	vpop (erf);
	(erf) = vpow2.f32 v13  }
0x640: {  	v36 =	vpop (erf);
	(erf) = vpow2.f32 v33  }
0x641: {  	v37 =	vpop (erf);
	(erf) = vpow2.f32 v9  }
0x642: {  	v38 =	vmul.f32 v10, v22;
	v39 =	vpop (erf)  }
0x643: {  	v40 =	vpop (erf)  }
0x644: {  	v9 =	vmul.f32 v38, v2;
	v41 =	vpop (erf)  }
0x645: {  	v42 =	vmul.f32 v25, v2;
	v43 =	vld [tilespmem:s22+$0xFFFFFFF0];
	(erf) = vpow2.f32 v3;
	v44 =	vpop (erf)  }
0x646: {  	v45 =	vmul.f32 $1.442695020e+00, v9;
	v46 =	vpop (erf)  }
0x647: {  	v23 =	vmul.f32 $1.442695020e+00, v42;
	v47 =	vpop (erf)  }
0x648: {  	v6 =	vadd.f32 $1.000000000e+00, v6;
	(erf) = vpow2.f32 v45;
	v48 =	vpop (erf)  }
0x649: {  	v5 =	vmul.f32 $1.442695020e+00, v5;
	(erf) = vpow2.f32 v23;
	v49 =	vpop (erf)  }
0x64a: {  	v7 =	vmul.f32 v7, v43;
	v15 =	vadd.f32 $1.000000000e+00, v32;
	(erf) = vrcp.f32 v6;
	v50 =	vpop (erf)  }
0x64b: {  	(erf) = vpow2.f32 v5;
	v51 =	vadd.f32 $1.000000000e+00, v50  }
0x64c: {  	v7 =	vmul.f32 v7, v2;
	v52 =	vadd.f32 $1.000000000e+00, v35;
	(erf) = vrcp.f32 v15  }
0x64d: {  	v8 =	vmul.f32 v8, v12;
	v53 =	vadd.f32 $1.000000000e+00, v31;
	(erf) = vrcp.f32 v51  }
0x64e: {  	v7 =	vmul.f32 $1.442695020e+00, v7;
	v54 =	vpop (erf);
	(erf) = vrcp.f32 v52  }
0x64f: {  	v55 =	vadd.f32 $1.000000000e+00, v54;
	(erf) = vrcp.f32 v53  }
0x650: {  	v56 =	vmul.f32 v8, v2;
	v57 =	vadd.f32 $1.000000000e+00, v41;
	(erf) = vpow2.f32 v7  }
0x651: {  	v58 =	vadd.f32 $1.000000000e+00, v49;
	v59 =	vpop (erf);
	(erf) = vrcp.f32 v55  }
0x652: {  	v2 =	vmul.f32 $1.442695020e+00, v56;
	v60 =	vpop (erf);
	(erf) = vrcp.f32 v57  }
0x653: {  	v61 =	vpop (erf);
	(erf) = vrcp.f32 v58  }
0x654: {  	v62 =	vpop (erf);
	(erf) = vpow2.f32 v2  }
0x655: {  	v11 =	vmul.f32 v11, v1;
	v63 =	vpop (erf)  }
0x656: {  	[tilespmem:s19+$0x30] =	vst v16;
	v13 =	vmul.f32 v36, v1;
	v4 =	vmul.f32 v37, v1;
	v22 =	vpop (erf)  }
0x657: {  	[tilespmem:s19+$0xFFFFFFF0] =	vst v14;
	v11 =	vsub.f32 v0, v11;
	v10 =	vmul.f32 v39, v1;
	v27 =	vmul.f32 v40, v1;
	v24 =	vpop (erf)  }
0x658: {  	[tilespmem:s19+$0x20] =	vst v18;
	v13 =	vsub.f32 v0, v13;
	v4 =	vsub.f32 v0, v4;
	v23 =	vmul.f32 v34, v1;
	v28 =	vpop (erf)  }
0x659: {  	[tilespmem:s16+$0x0] =	vst v11;
	v10 =	vsub.f32 v0, v10;
	v31 =	vmul.f32 v44, v1;
	v34 =	vsub.f32 v0, v27;
	v30 =	vpop (erf)  }
0x65a: {  	[tilespmem:s16+$0x10] =	vst v13;
	v9 =	vmul.f32 v46, v1;
	v29 =	vsub.f32 v0, v23;
	v3 =	vadd.f32 $1.000000000e+00, v48;
	v32 =	vpop (erf)  }
0x65b: {  	[tilespmem:s17+$0xFFFFFFC0] =	vst v4;
	v35 =	vmul.f32 v47, v1;
	v4 =	vsub.f32 v0, v31;
	v5 =	vadd.f32 $1.000000000e+00, v60;
	v33 =	vpop (erf)  }
0x65c: {  	[tilespmem:s16+$0xFFFFFFE0] =	vst v10;
	v9 =	vsub.f32 v0, v9;
	v7 =	vadd.f32 $1.000000000e+00, v62;
	(erf) = vrcp.f32 v3;
	v36 =	vpop (erf)  }
0x65d: {  	[tilespmem:s16+$0x30] =	vst v34;
	v38 =	vsub.f32 v0, v35;
	v8 =	vadd.f32 $1.000000000e+00, v59;
	(erf) = vrcp.f32 v5;
	v37 =	vpop (erf)  }
0x65e: {  	[tilespmem:s16+$0xFFFFFFD0] =	vst v29;
	v40 =	vmul.f32 v61, v1;
	(erf) = vrcp.f32 v7;
	v5 =	vadd.f32 $1.000000000e+00, v37  }
0x65f: {  	[tilespmem:s16+$0x20] =	vst v4;
	v2 =	vmul.f32 v63, v1;
	v41 =	vadd.f32 $1.000000000e+00, v30;
	(erf) = vrcp.f32 v8  }
0x660: {  	[tilespmem:s16+$0xFFFFFFF0] =	vst v9;
	v43 =	vsub.f32 v0, v40;
	v42 =	vmul.f32 v24, v1;
	(erf) = vrcp.f32 v5  }
0x661: {  	[tilespmem:s17+$0x0] =	vst v38;
	v2 =	vsub.f32 v0, v2;
	v39 =	vmul.f32 v22, v1;
	(erf) = vrcp.f32 v41  }
0x662: {  	[tilespmem:s17+$0xFFFFFFD0] =	vst v43;
	v44 =	vmul.f32 v28, v1;
	v45 =	vsub.f32 v0, v42  }
0x663: {  	[tilespmem:s17+$0x10] =	vst v2;
	v7 =	vsub.f32 v0, v39;
	v46 =	vmul.f32 v32, v1  }
0x664: {  	s24 =	sadd.s32 $0x80, s18;
	v4 =	vsub.f32 v0, v44;
	v47 =	vmul.f32 v33, v1;
	[tilespmem:s17+$0xFFFFFFE0] =	vst v45  }
0x665: {  	[tilespmem:s24+$0xFFFFFFC0] =	vst v7;
	v49 =	vsub.f32 v0, v46;
	v50 =	vmul.f32 v36, v1;
	v48 =	vpop (erf)  }
0x666: {  	[tilespmem:s17+$0x30] =	vst v4;
	v6 =	vsub.f32 v0, v47;
	v5 =	vmul.f32 v48, v1;
	v51 =	vpop (erf)  }
0x667: {  	[tilespmem:s17+$0x20] =	vst v49;
	v53 =	vsub.f32 v0, v50;
	v52 =	vpop (erf);
	v56 =	vmul.f32 v51, v1  }
0x668: {  	[tilespmem:s17+$0xFFFFFFF0] =	vst v6;
	v5 =	vsub.f32 v0, v5;
	v54 =	vmul.f32 v52, v1;
	v55 =	vpop (erf)  }
0x669: {  	[tilespmem:s24+$0x0] =	vst v53;
	v57 =	vmul.f32 v55, v1;
	v60 =	vsub.f32 v0, v56;
	v58 =	vpop (erf)  }
0x66a: {  	[tilespmem:s24+$0xFFFFFFD0] =	vst v5;
	v3 =	vsub.f32 v0, v54;
	v59 =	vpop (erf);
	v4 =	vmul.f32 v58, v1  }
0x66b: {  	v2 =	vsub.f32 v0, v57;
	[tilespmem:s24+$0x10] =	vst v60;
	v61 =	vmul.f32 v59, v1  }
0x66c: {  	[tilespmem:s24+$0xFFFFFFE0] =	vst v3;
	v62 =	vsub.f32 v0, v4  }
0x66d: {  	[tilespmem:s24+$0x30] =	vst v2;
	v63 =	vsub.f32 v0, v61  }
0x66e: {  	[tilespmem:s24+$0x20] =	vst v62  }
0x66f: {  	[tilespmem:s24+$0xFFFFFFF0] =	vst v63  }
0x670: {  	[hbm4b:s28+s1] =	stream.linear.scatter [tilespmem:s9], [sflag:$0x8], $0xF80, $0x38;
	[tilespmem:$0x8C80] =	vst v63  }
0x671: {  	_ =	swait.ge [sflag:s14], $0xF80  }
0x672: {  	[sflag:s14] =	ssyncset.done $0x0  }
0x673: {  	s15 =	sadd.s32 $0x1, s15;
	[sflag:s14] =	ssyncadd.s32 $0xFFFFF080  }
0x674: {  	p0 =	sne.s32 s15, s30;
	_ =	swait.ge [sflag:s12], $0xF80  }
.Ltmp8:
0x675: {  	[sflag:s12] =	ssyncset.done $0x0;
	(pc) =	sbr.rel @p0 .LBB2_1-.Ltmp8, $4  }
0x676: {  	[sflag:s12] =	ssyncadd.s32 $0xFFFFF080  }
0x677: {  	_ =	swait.ge [sflag:s13], $0xF80  }
0x678: {  	[sflag:s13] =	ssyncset.done $0x0  }
0x679: {  	[sflag:s13] =	ssyncadd.s32 $0xFFFFF080  }
0x67a: {  	_ =	sfence.sel $0x180000  }
0x67b: {  	[bflag:$0x0] =	sbarrier.arrive $0xFFFF  }
0x67c: {  	_ =	strace $0x90000047  }
0x67d: {  	s0 =	stileid.u32;
	[bflag:$0x2] =	sbarrier.arrive $0xFFFF  }
0x67e: {  	p0 =	sne.s32 s0, $0x0;
	s0 =	rddreg [dreg:$0x5]  }
0x67f: {  	s0 =	sadd.s32 @!p0 $0x100000, s0  }
0x680: {  	[sflag:s0] =	ssyncadd.tile.s32 @!p0 $0x1;
	_ =	shalt  }
.Lfunc_end2:
_tile_overlayer_lowered:
.L_overlay_start_2:
0x681: {  	(tag) =	ssettag $0x2  }
0x682: {  	s0 =	rddreg [dreg:$0x0];
	s2 =	stileid.u32  }
0x683: {  	s1 =	rddreg [dreg:$0x1];
	p0 =	sne.s32 s2, $0x0  }
0x684: {  	s3 =	rddreg [dreg:$0x2];
	[bflag:$0x3] =	sbarrier.arrive $0xFFFF;
	s2 =	simm.s32 @!p0 $0x1C0C  }
0x685: {  	[timem:s3], [sflag:s2] =	dma.local @!p0 [hbm:s0], s1  }
0x686: {  	s0 =	simm.s32 @!p0 $0xC  }
0x687: {  	_ =	swait.ge @!p0 [sflag:s0], s1  }
0x688: {  	s1 =	ssub.s32 @!p0 $0x0, s1;
	[sflag:s0] =	ssyncset.done @!p0 $0x0  }
0x689: {  	[sflag:s0] =	ssyncadd.s32 @!p0 s1  }
0x68a: {  	[bflag:$0x3] =	sbarrier.arrive $0xFFFF  }
0x68b: {  	_ =	shalt  }

</sc_bundles>
